<compile_context>
chip_gen: v7x
topology: tpu7x:2x2x1
jax: 0.10.2.dev20260603
libtpu: 0.0.44.dev20260713+nightly
codegen_flags: <defaults>
</compile_context>

<pallas_src>
import functools

import jax
import jax.numpy as jnp
from jax import lax
from jax.experimental import pallas as pl
from jax.experimental.pallas import tpu as pltpu
from jax.experimental.pallas import tpu_sc as plsc

_BN_EPS = 1e-3
_NUM_BUCKETS = 11
_BOUNDS = tuple(float(v) for v in range(1, 100, 10))
_U_STRIDE = 128
_B = 16384
_D_OUT = 16
_NC, _NS = 2, 16
_NW = _NC * _NS
_BPW = _B // _NW
_CHUNK = 128
_N_CHUNKS = _BPW // _CHUNK


def _mlp_table_body(uid_ref, age_ref, s1a_ref, t1a_ref, s1b_ref, t1b_ref,
                    w1a_ref, w1b_ref, b1_ref, s2_ref, t2_ref, w2_ref, b2_ref,
                    f_ref):
    xu = uid_ref[...] * s1a_ref[...] + t1a_ref[...]
    hu = jnp.dot(xu, w1a_ref[...], preferred_element_type=jnp.float32)
    for a in range(_NUM_BUCKETS):
        xa = age_ref[a] * s1b_ref[...] + t1b_ref[...]
        ca = jnp.dot(xa, w1b_ref[...], preferred_element_type=jnp.float32)
        h = jnp.maximum(hu + ca + b1_ref[...], 0.0)
        h = h * s2_ref[...] + t2_ref[...]
        f = jnp.dot(h, w2_ref[...], preferred_element_type=jnp.float32)
        f_ref[pl.ds(a * _U_STRIDE, _U_STRIDE), :] = jnp.maximum(
            f + b2_ref[...], 0.0)


def _build_f_table(uid_pad, age_table, s1a, t1a, s1b, t1b, w1a, w1b, b1,
                   s2, t2, w2, b2):
    return pl.pallas_call(
        _mlp_table_body,
        out_shape=jax.ShapeDtypeStruct((_NUM_BUCKETS * _U_STRIDE, _D_OUT),
                                       jnp.float32),
    )(uid_pad, age_table, s1a, t1a, s1b, t1b, w1a, w1b, b1, s2, t2, w2, b2)


@functools.partial(
    pl.kernel,
    mesh=plsc.VectorSubcoreMesh(core_axis_name="c", subcore_axis_name="s"),
    compiler_params=pltpu.CompilerParams(use_tc_tiling_on_sc=False),
    out_type=jax.ShapeDtypeStruct((_B, _D_OUT), jnp.float32),
    scratch_types=[
        pltpu.VMEM((_BPW,), jnp.int32),
        pltpu.VMEM((_BPW,), jnp.float32),
        pltpu.VMEM((_N_CHUNKS, _CHUNK), jnp.int32),
        pltpu.VMEM((_BPW, _D_OUT), jnp.float32),
        pltpu.SemaphoreType.DMA,
        pltpu.SemaphoreType.DMA,
        pltpu.SemaphoreType.DMA,
    ],
)
def _sc_lookup(f_hbm, uid_hbm, age_hbm, out_hbm, uid_v, age_v, idx_v, rows_v,
               sem_in, sem_g, sem_out):
    wid = lax.axis_index("s") * _NC + lax.axis_index("c")
    base = wid * _BPW
    cp_u = pltpu.async_copy(uid_hbm.at[pl.ds(base, _BPW)], uid_v, sem_in)
    cp_a = pltpu.async_copy(age_hbm.at[pl.ds(base, _BPW)], age_v, sem_in)
    cp_u.wait()
    cp_a.wait()
    gathers = []
    for j in range(_N_CHUNKS):
        for i in range(_CHUNK // 16):
            off = j * _CHUNK + i * 16
            a = age_v[pl.ds(off, 16)]
            u = uid_v[pl.ds(off, 16)]
            bkt = jnp.zeros((16,), jnp.int32)
            one = jnp.ones((16,), jnp.int32)
            for bound in _BOUNDS:
                bkt = jnp.where(a >= bound, bkt + one, bkt)
            idx_v[j, pl.ds(i * 16, 16)] = u + bkt * _U_STRIDE
        gathers.append(pltpu.async_copy(
            f_hbm.at[idx_v.at[j]], rows_v.at[pl.ds(j * _CHUNK, _CHUNK)],
            sem_g))
    outs = []
    for j in range(_N_CHUNKS):
        gathers[j].wait()
        outs.append(pltpu.async_copy(
            rows_v.at[pl.ds(j * _CHUNK, _CHUNK)],
            out_hbm.at[pl.ds(base + j * _CHUNK, _CHUNK)], sem_out))
    for cp in outs:
        cp.wait()


def kernel(user_id, item_id, price, user_age, user_id_table, age_table,
           bn1_gamma, bn1_beta, bn1_mean, bn1_var, W1, b1,
           bn2_gamma, bn2_beta, bn2_mean, bn2_var, W2, b2):
    del item_id, price
    s1 = bn1_gamma * jax.lax.rsqrt(bn1_var + _BN_EPS)
    t1 = bn1_beta - bn1_mean * s1
    s2 = bn2_gamma * jax.lax.rsqrt(bn2_var + _BN_EPS)
    t2 = bn2_beta - bn2_mean * s2
    uid_pad = jnp.pad(user_id_table,
                      ((0, _U_STRIDE - user_id_table.shape[0]), (0, 0)))
    row = lambda v: v.reshape(1, -1)
    f_table = _build_f_table(
        uid_pad, age_table.reshape(_NUM_BUCKETS, 1, 32),
        row(s1[:32]), row(t1[:32]), row(s1[32:]), row(t1[32:]),
        W1[:32], W1[32:], row(b1), row(s2), row(t2), W2, row(b2))
    return _sc_lookup(f_table, user_id, user_age)

# --- scband reference (transcript-rebuilt; emitter-appended) ---
"""Pipeline reference for scband-user-tower-25460566130838 (READ-ONLY COPY).

The authoritative reference and input builder live on the scoring server;
editing this copy changes nothing except your own understanding.
"""

import jax, jax.numpy as jnp
import numpy as np

BOUNDARIES = jnp.asarray(np.arange(1, 100, 10), dtype=jnp.float32)  # [1,11,...,91] -> 11 buckets
BN_EPS = 1e-3  # keras BatchNormalization default epsilon


def setup_inputs(seed: int = 0) -> dict:
    key = jax.random.key(seed)
    ks = jax.random.split(key, 10)
    B = 16384
    return {
        "user_id": jax.random.randint(ks[0], (B,), 0, 101, dtype=jnp.int32),
        "item_id": jax.random.randint(ks[1], (B,), 0, 1000000, dtype=jnp.int32),
        "price": jax.random.uniform(ks[2], (B,), dtype=jnp.float32),
        "user_age": jax.random.uniform(ks[3], (B,), dtype=jnp.float32, minval=0.0, maxval=100.0),
        "user_id_table": jax.random.normal(ks[4], (101, 32), dtype=jnp.float32) * 0.05,
        "age_table": jax.random.normal(ks[5], (11, 32), dtype=jnp.float32) * 0.05,
        "bn1_gamma": jnp.ones((64,), jnp.float32),
        "bn1_beta": jnp.zeros((64,), jnp.float32),
        "bn1_mean": jnp.zeros((64,), jnp.float32),
        "bn1_var": jnp.ones((64,), jnp.float32),
        "W1": jax.random.normal(ks[6], (64, 32), dtype=jnp.float32) * 0.1,
        "b1": jnp.zeros((32,), jnp.float32),
        "bn2_gamma": jnp.ones((32,), jnp.float32),
        "bn2_beta": jnp.zeros((32,), jnp.float32),
        "bn2_mean": jnp.zeros((32,), jnp.float32),
        "bn2_var": jnp.ones((32,), jnp.float32),
        "W2": jax.random.normal(ks[7], (32, 16), dtype=jnp.float32) * 0.1,
        "b2": jnp.zeros((16,), jnp.float32),
    }


def reference(user_id, item_id, price, user_age, user_id_table, age_table,
              bn1_gamma, bn1_beta, bn1_mean, bn1_var, W1, b1,
              bn2_gamma, bn2_beta, bn2_mean, bn2_var, W2, b2):
    # Discretization: tf Bucketize == searchsorted(boundaries, v, side='right')
    user_age_bucket = jnp.searchsorted(BOUNDARIES, user_age, side="right")
    user_age_embedding = jnp.take(age_table, user_age_bucket, axis=0)  # [B, 32]
    user_id_embedding = jnp.take(user_id_table, user_id, axis=0)       # [B, 32]
    features = jnp.concatenate([user_id_embedding, user_age_embedding], axis=-1)  # [B, 64]
    # BatchNorm (inference mode, moving stats)
    x = (features - bn1_mean) / jnp.sqrt(bn1_var + BN_EPS) * bn1_gamma + bn1_beta
    x = jax.nn.relu(x @ W1 + b1)
    x = (x - bn2_mean) / jnp.sqrt(bn2_var + BN_EPS) * bn2_gamma + bn2_beta
    x = jax.nn.relu(x @ W2 + b2)
    return x

if __name__ == "__main__":
    import jax
    _d = setup_inputs()
    print(jax.jit(kernel)(*tuple(_d.values())))

</pallas_src>

<mosaic_0001>
#map = affine_map<(d0, d1) -> (0, 0)>
#map1 = affine_map<(d0, d1) -> (0)>
module attributes {stable_mosaic.version = 14 : i64} {
  func.func @_sc_lookup(%arg0: i32, %arg1: i32, %arg2: memref<1408x16xf32, #tpu.memory_space<hbm>>, %arg3: memref<16384xi32, #tpu.memory_space<hbm>>, %arg4: memref<16384xf32, #tpu.memory_space<hbm>>, %arg5: memref<16384x16xf32, #tpu.memory_space<hbm>>, %arg6: memref<512xi32, #tpu.memory_space<vmem>>, %arg7: memref<512xf32, #tpu.memory_space<vmem>>, %arg8: memref<4x128xi32, #tpu.memory_space<vmem>>, %arg9: memref<512x16xf32, #tpu.memory_space<vmem>>, %arg10: memref<!tpu.dma_semaphore, #tpu.memory_space<semaphore_mem>>, %arg11: memref<!tpu.dma_semaphore, #tpu.memory_space<semaphore_mem>>, %arg12: memref<!tpu.dma_semaphore, #tpu.memory_space<semaphore_mem>>) attributes {dimension_semantics = [#tpu.dimension_semantics<core_parallel>, #tpu.dimension_semantics<subcore_parallel>], iteration_bounds = array<i64: 2, 16>, scalar_prefetch = 0 : i64, scratch_operands = 7 : i64, tpu.core_type = #tpu.core_type<sc_vector_subcore>, window_params = [{transform_indices = #map}, {transform_indices = #map1}, {transform_indices = #map1}, {transform_indices = #map}]} {
    %mul3A = arith.constant 2 : i32
    %mul3A_0 = arith.muli %arg1, %mul3A : i32
    %add3A = arith.addi %mul3A_0, %arg0 : i32
    %mul3A_1 = arith.constant 512 : i32
    %mul3A_2 = arith.muli %add3A, %mul3A_1 : i32
    %dma_start3A = tpu.memref_slice %arg3[%mul3A_2] : memref<16384xi32, #tpu.memory_space<hbm>> -> memref<512xi32, #tpu.memory_space<hbm>>
    %dma_start3A_3 = tpu.memref_slice %arg3[%mul3A_2] : memref<16384xi32, #tpu.memory_space<hbm>> -> memref<512xi32, #tpu.memory_space<hbm>>
    tpu.enqueue_dma source(%dma_start3A_3 : memref<512xi32, #tpu.memory_space<hbm>>) target(%arg6 : memref<512xi32, #tpu.memory_space<vmem>>) target_semaphore(%arg10 : memref<!tpu.dma_semaphore, #tpu.memory_space<semaphore_mem>>)
    %dma_start3A_4 = tpu.memref_slice %arg4[%mul3A_2] : memref<16384xf32, #tpu.memory_space<hbm>> -> memref<512xf32, #tpu.memory_space<hbm>>
    %dma_start3A_5 = tpu.memref_slice %arg4[%mul3A_2] : memref<16384xf32, #tpu.memory_space<hbm>> -> memref<512xf32, #tpu.memory_space<hbm>>
    tpu.enqueue_dma source(%dma_start3A_5 : memref<512xf32, #tpu.memory_space<hbm>>) target(%arg7 : memref<512xf32, #tpu.memory_space<vmem>>) target_semaphore(%arg10 : memref<!tpu.dma_semaphore, #tpu.memory_space<semaphore_mem>>)
    %dma_wait3A = tpu.memref_slice %arg3[%mul3A_2] : memref<16384xi32, #tpu.memory_space<hbm>> -> memref<512xi32, #tpu.memory_space<hbm>>
    %dma_wait3A_6 = tpu.memref_slice %arg3[%mul3A_2] : memref<16384xi32, #tpu.memory_space<hbm>> -> memref<512xi32, #tpu.memory_space<hbm>>
    tpu.wait_dma2 semaphore(%arg10 : memref<!tpu.dma_semaphore, #tpu.memory_space<semaphore_mem>>) src(%dma_wait3A_6 : memref<512xi32, #tpu.memory_space<hbm>>) dst(%arg6 : memref<512xi32, #tpu.memory_space<vmem>>)
    %dma_wait3A_7 = tpu.memref_slice %arg4[%mul3A_2] : memref<16384xf32, #tpu.memory_space<hbm>> -> memref<512xf32, #tpu.memory_space<hbm>>
    %dma_wait3A_8 = tpu.memref_slice %arg4[%mul3A_2] : memref<16384xf32, #tpu.memory_space<hbm>> -> memref<512xf32, #tpu.memory_space<hbm>>
    tpu.wait_dma2 semaphore(%arg10 : memref<!tpu.dma_semaphore, #tpu.memory_space<semaphore_mem>>) src(%dma_wait3A_8 : memref<512xf32, #tpu.memory_space<hbm>>) dst(%arg7 : memref<512xf32, #tpu.memory_space<vmem>>)
    %get3A = arith.constant 0 : index
    %get3A_9 = tpu.vector_load %arg7[%get3A] {strides = array<i32>} : memref<512xf32, #tpu.memory_space<vmem>>, vector<16xf32>,
    %get3A_10 = vector.shape_cast %get3A_9 : vector<16xf32> to vector<16xf32>
    %get3A_11 = arith.constant 0 : index
    %get3A_12 = tpu.vector_load %arg6[%get3A_11] {strides = array<i32>} : memref<512xi32, #tpu.memory_space<vmem>>, vector<16xi32>,
    %get3A_13 = vector.shape_cast %get3A_12 : vector<16xi32> to vector<16xi32>
    %broadcast_in_dim3A = arith.constant 0 : i32
    %broadcast_in_dim3A_14 = vector.broadcast %broadcast_in_dim3A : i32 to vector<16xi32>
    %broadcast_in_dim3A_15 = arith.constant 1 : i32
    %broadcast_in_dim3A_16 = vector.broadcast %broadcast_in_dim3A_15 : i32 to vector<16xi32>
    %ge3A = arith.constant 1.000000e+00 : f32
    %ge3A_17 = vector.broadcast %ge3A : f32 to vector<16xf32>
    %ge3A_18 = arith.cmpf oge, %get3A_10, %ge3A_17 : vector<16xf32>
    %add3A_19 = arith.addi %broadcast_in_dim3A_14, %broadcast_in_dim3A_16 : vector<16xi32>
    %select_n3A = arith.select %ge3A_18, %add3A_19, %broadcast_in_dim3A_14 : vector<16xi1>, vector<16xi32>
    %ge3A_20 = arith.constant 1.100000e+01 : f32
    %ge3A_21 = vector.broadcast %ge3A_20 : f32 to vector<16xf32>
    %ge3A_22 = arith.cmpf oge, %get3A_10, %ge3A_21 : vector<16xf32>
    %add3A_23 = arith.addi %select_n3A, %broadcast_in_dim3A_16 : vector<16xi32>
    %select_n3A_24 = arith.select %ge3A_22, %add3A_23, %select_n3A : vector<16xi1>, vector<16xi32>
    %ge3A_25 = arith.constant 2.100000e+01 : f32
    %ge3A_26 = vector.broadcast %ge3A_25 : f32 to vector<16xf32>
    %ge3A_27 = arith.cmpf oge, %get3A_10, %ge3A_26 : vector<16xf32>
    %add3A_28 = arith.addi %select_n3A_24, %broadcast_in_dim3A_16 : vector<16xi32>
    %select_n3A_29 = arith.select %ge3A_27, %add3A_28, %select_n3A_24 : vector<16xi1>, vector<16xi32>
    %ge3A_30 = arith.constant 3.100000e+01 : f32
    %ge3A_31 = vector.broadcast %ge3A_30 : f32 to vector<16xf32>
    %ge3A_32 = arith.cmpf oge, %get3A_10, %ge3A_31 : vector<16xf32>
    %add3A_33 = arith.addi %select_n3A_29, %broadcast_in_dim3A_16 : vector<16xi32>
    %select_n3A_34 = arith.select %ge3A_32, %add3A_33, %select_n3A_29 : vector<16xi1>, vector<16xi32>
    %ge3A_35 = arith.constant 4.100000e+01 : f32
    %ge3A_36 = vector.broadcast %ge3A_35 : f32 to vector<16xf32>
    %ge3A_37 = arith.cmpf oge, %get3A_10, %ge3A_36 : vector<16xf32>
    %add3A_38 = arith.addi %select_n3A_34, %broadcast_in_dim3A_16 : vector<16xi32>
    %select_n3A_39 = arith.select %ge3A_37, %add3A_38, %select_n3A_34 : vector<16xi1>, vector<16xi32>
    %ge3A_40 = arith.constant 5.100000e+01 : f32
    %ge3A_41 = vector.broadcast %ge3A_40 : f32 to vector<16xf32>
    %ge3A_42 = arith.cmpf oge, %get3A_10, %ge3A_41 : vector<16xf32>
    %add3A_43 = arith.addi %select_n3A_39, %broadcast_in_dim3A_16 : vector<16xi32>
    %select_n3A_44 = arith.select %ge3A_42, %add3A_43, %select_n3A_39 : vector<16xi1>, vector<16xi32>
    %ge3A_45 = arith.constant 6.100000e+01 : f32
    %ge3A_46 = vector.broadcast %ge3A_45 : f32 to vector<16xf32>
    %ge3A_47 = arith.cmpf oge, %get3A_10, %ge3A_46 : vector<16xf32>
    %add3A_48 = arith.addi %select_n3A_44, %broadcast_in_dim3A_16 : vector<16xi32>
    %select_n3A_49 = arith.select %ge3A_47, %add3A_48, %select_n3A_44 : vector<16xi1>, vector<16xi32>
    %ge3A_50 = arith.constant 7.100000e+01 : f32
    %ge3A_51 = vector.broadcast %ge3A_50 : f32 to vector<16xf32>
    %ge3A_52 = arith.cmpf oge, %get3A_10, %ge3A_51 : vector<16xf32>
    %add3A_53 = arith.addi %select_n3A_49, %broadcast_in_dim3A_16 : vector<16xi32>
    %select_n3A_54 = arith.select %ge3A_52, %add3A_53, %select_n3A_49 : vector<16xi1>, vector<16xi32>
    %ge3A_55 = arith.constant 8.100000e+01 : f32
    %ge3A_56 = vector.broadcast %ge3A_55 : f32 to vector<16xf32>
    %ge3A_57 = arith.cmpf oge, %get3A_10, %ge3A_56 : vector<16xf32>
    %add3A_58 = arith.addi %select_n3A_54, %broadcast_in_dim3A_16 : vector<16xi32>
    %select_n3A_59 = arith.select %ge3A_57, %add3A_58, %select_n3A_54 : vector<16xi1>, vector<16xi32>
    %ge3A_60 = arith.constant 9.100000e+01 : f32
    %ge3A_61 = vector.broadcast %ge3A_60 : f32 to vector<16xf32>
    %ge3A_62 = arith.cmpf oge, %get3A_10, %ge3A_61 : vector<16xf32>
    %add3A_63 = arith.addi %select_n3A_59, %broadcast_in_dim3A_16 : vector<16xi32>
    %select_n3A_64 = arith.select %ge3A_62, %add3A_63, %select_n3A_59 : vector<16xi1>, vector<16xi32>
    %mul3A_65 = arith.constant 128 : i32
    %mul3A_66 = vector.broadcast %mul3A_65 : i32 to vector<16xi32>
    %mul3A_67 = arith.muli %select_n3A_64, %mul3A_66 : vector<16xi32>
    %add3A_68 = arith.addi %get3A_13, %mul3A_67 : vector<16xi32>
    %swap3A = arith.constant 0 : i32
    %swap3A_69 = arith.index_cast %swap3A : i32 to index
    %swap3A_70 = arith.constant 0 : index
    %swap3A_71 = tpu.vector_load %arg8[%swap3A_69, %swap3A_70] {strides = array<i32>} : memref<4x128xi32, #tpu.memory_space<vmem>>, vector<1x16xi32>,
    %swap3A_72 = vector.shape_cast %swap3A_71 : vector<1x16xi32> to vector<16xi32>
    %swap3A_73 = vector.shape_cast %add3A_68 : vector<16xi32> to vector<1x16xi32>
    tpu.vector_store %arg8[%swap3A_69, %swap3A_70], %swap3A_73 {strides = array<i32>} : memref<4x128xi32, #tpu.memory_space<vmem>>, vector<1x16xi32>,
    %get3A_74 = arith.constant 16 : index
    %get3A_75 = tpu.vector_load %arg7[%get3A_74] {strides = array<i32>} : memref<512xf32, #tpu.memory_space<vmem>>, vector<16xf32>,
    %get3A_76 = vector.shape_cast %get3A_75 : vector<16xf32> to vector<16xf32>
    %get3A_77 = arith.constant 16 : index
    %get3A_78 = tpu.vector_load %arg6[%get3A_77] {strides = array<i32>} : memref<512xi32, #tpu.memory_space<vmem>>, vector<16xi32>,
    %get3A_79 = vector.shape_cast %get3A_78 : vector<16xi32> to vector<16xi32>
    %broadcast_in_dim3A_80 = arith.constant 0 : i32
    %broadcast_in_dim3A_81 = vector.broadcast %broadcast_in_dim3A_80 : i32 to vector<16xi32>
    %broadcast_in_dim3A_82 = arith.constant 1 : i32
    %broadcast_in_dim3A_83 = vector.broadcast %broadcast_in_dim3A_82 : i32 to vector<16xi32>
    %ge3A_84 = arith.constant 1.000000e+00 : f32
    %ge3A_85 = vector.broadcast %ge3A_84 : f32 to vector<16xf32>
    %ge3A_86 = arith.cmpf oge, %get3A_76, %ge3A_85 : vector<16xf32>
    %add3A_87 = arith.addi %broadcast_in_dim3A_81, %broadcast_in_dim3A_83 : vector<16xi32>
    %select_n3A_88 = arith.select %ge3A_86, %add3A_87, %broadcast_in_dim3A_81 : vector<16xi1>, vector<16xi32>
    %ge3A_89 = arith.constant 1.100000e+01 : f32
    %ge3A_90 = vector.broadcast %ge3A_89 : f32 to vector<16xf32>
    %ge3A_91 = arith.cmpf oge, %get3A_76, %ge3A_90 : vector<16xf32>
    %add3A_92 = arith.addi %select_n3A_88, %broadcast_in_dim3A_83 : vector<16xi32>
    %select_n3A_93 = arith.select %ge3A_91, %add3A_92, %select_n3A_88 : vector<16xi1>, vector<16xi32>
    %ge3A_94 = arith.constant 2.100000e+01 : f32
    %ge3A_95 = vector.broadcast %ge3A_94 : f32 to vector<16xf32>
    %ge3A_96 = arith.cmpf oge, %get3A_76, %ge3A_95 : vector<16xf32>
    %add3A_97 = arith.addi %select_n3A_93, %broadcast_in_dim3A_83 : vector<16xi32>
    %select_n3A_98 = arith.select %ge3A_96, %add3A_97, %select_n3A_93 : vector<16xi1>, vector<16xi32>
    %ge3A_99 = arith.constant 3.100000e+01 : f32
    %ge3A_100 = vector.broadcast %ge3A_99 : f32 to vector<16xf32>
    %ge3A_101 = arith.cmpf oge, %get3A_76, %ge3A_100 : vector<16xf32>
    %add3A_102 = arith.addi %select_n3A_98, %broadcast_in_dim3A_83 : vector<16xi32>
    %select_n3A_103 = arith.select %ge3A_101, %add3A_102, %select_n3A_98 : vector<16xi1>, vector<16xi32>
    %ge3A_104 = arith.constant 4.100000e+01 : f32
    %ge3A_105 = vector.broadcast %ge3A_104 : f32 to vector<16xf32>
    %ge3A_106 = arith.cmpf oge, %get3A_76, %ge3A_105 : vector<16xf32>
    %add3A_107 = arith.addi %select_n3A_103, %broadcast_in_dim3A_83 : vector<16xi32>
    %select_n3A_108 = arith.select %ge3A_106, %add3A_107, %select_n3A_103 : vector<16xi1>, vector<16xi32>
    %ge3A_109 = arith.constant 5.100000e+01 : f32
    %ge3A_110 = vector.broadcast %ge3A_109 : f32 to vector<16xf32>
    %ge3A_111 = arith.cmpf oge, %get3A_76, %ge3A_110 : vector<16xf32>
    %add3A_112 = arith.addi %select_n3A_108, %broadcast_in_dim3A_83 : vector<16xi32>
    %select_n3A_113 = arith.select %ge3A_111, %add3A_112, %select_n3A_108 : vector<16xi1>, vector<16xi32>
    %ge3A_114 = arith.constant 6.100000e+01 : f32
    %ge3A_115 = vector.broadcast %ge3A_114 : f32 to vector<16xf32>
    %ge3A_116 = arith.cmpf oge, %get3A_76, %ge3A_115 : vector<16xf32>
    %add3A_117 = arith.addi %select_n3A_113, %broadcast_in_dim3A_83 : vector<16xi32>
    %select_n3A_118 = arith.select %ge3A_116, %add3A_117, %select_n3A_113 : vector<16xi1>, vector<16xi32>
    %ge3A_119 = arith.constant 7.100000e+01 : f32
    %ge3A_120 = vector.broadcast %ge3A_119 : f32 to vector<16xf32>
    %ge3A_121 = arith.cmpf oge, %get3A_76, %ge3A_120 : vector<16xf32>
    %add3A_122 = arith.addi %select_n3A_118, %broadcast_in_dim3A_83 : vector<16xi32>
    %select_n3A_123 = arith.select %ge3A_121, %add3A_122, %select_n3A_118 : vector<16xi1>, vector<16xi32>
    %ge3A_124 = arith.constant 8.100000e+01 : f32
    %ge3A_125 = vector.broadcast %ge3A_124 : f32 to vector<16xf32>
    %ge3A_126 = arith.cmpf oge, %get3A_76, %ge3A_125 : vector<16xf32>
    %add3A_127 = arith.addi %select_n3A_123, %broadcast_in_dim3A_83 : vector<16xi32>
    %select_n3A_128 = arith.select %ge3A_126, %add3A_127, %select_n3A_123 : vector<16xi1>, vector<16xi32>
    %ge3A_129 = arith.constant 9.100000e+01 : f32
    %ge3A_130 = vector.broadcast %ge3A_129 : f32 to vector<16xf32>
    %ge3A_131 = arith.cmpf oge, %get3A_76, %ge3A_130 : vector<16xf32>
    %add3A_132 = arith.addi %select_n3A_128, %broadcast_in_dim3A_83 : vector<16xi32>
    %select_n3A_133 = arith.select %ge3A_131, %add3A_132, %select_n3A_128 : vector<16xi1>, vector<16xi32>
    %mul3A_134 = arith.constant 128 : i32
    %mul3A_135 = vector.broadcast %mul3A_134 : i32 to vector<16xi32>
    %mul3A_136 = arith.muli %select_n3A_133, %mul3A_135 : vector<16xi32>
    %add3A_137 = arith.addi %get3A_79, %mul3A_136 : vector<16xi32>
    %swap3A_138 = arith.constant 0 : i32
    %swap3A_139 = arith.index_cast %swap3A_138 : i32 to index
    %swap3A_140 = arith.constant 16 : index
    %swap3A_141 = tpu.vector_load %arg8[%swap3A_139, %swap3A_140] {strides = array<i32>} : memref<4x128xi32, #tpu.memory_space<vmem>>, vector<1x16xi32>,
    %swap3A_142 = vector.shape_cast %swap3A_141 : vector<1x16xi32> to vector<16xi32>
    %swap3A_143 = vector.shape_cast %add3A_137 : vector<16xi32> to vector<1x16xi32>
    tpu.vector_store %arg8[%swap3A_139, %swap3A_140], %swap3A_143 {strides = array<i32>} : memref<4x128xi32, #tpu.memory_space<vmem>>, vector<1x16xi32>,
    %get3A_144 = arith.constant 32 : index
    %get3A_145 = tpu.vector_load %arg7[%get3A_144] {strides = array<i32>} : memref<512xf32, #tpu.memory_space<vmem>>, vector<16xf32>,
    %get3A_146 = vector.shape_cast %get3A_145 : vector<16xf32> to vector<16xf32>
    %get3A_147 = arith.constant 32 : index
    %get3A_148 = tpu.vector_load %arg6[%get3A_147] {strides = array<i32>} : memref<512xi32, #tpu.memory_space<vmem>>, vector<16xi32>,
    %get3A_149 = vector.shape_cast %get3A_148 : vector<16xi32> to vector<16xi32>
    %broadcast_in_dim3A_150 = arith.constant 0 : i32
    %broadcast_in_dim3A_151 = vector.broadcast %broadcast_in_dim3A_150 : i32 to vector<16xi32>
    %broadcast_in_dim3A_152 = arith.constant 1 : i32
    %broadcast_in_dim3A_153 = vector.broadcast %broadcast_in_dim3A_152 : i32 to vector<16xi32>
    %ge3A_154 = arith.constant 1.000000e+00 : f32
    %ge3A_155 = vector.broadcast %ge3A_154 : f32 to vector<16xf32>
    %ge3A_156 = arith.cmpf oge, %get3A_146, %ge3A_155 : vector<16xf32>
    %add3A_157 = arith.addi %broadcast_in_dim3A_151, %broadcast_in_dim3A_153 : vector<16xi32>
    %select_n3A_158 = arith.select %ge3A_156, %add3A_157, %broadcast_in_dim3A_151 : vector<16xi1>, vector<16xi32>
    %ge3A_159 = arith.constant 1.100000e+01 : f32
    %ge3A_160 = vector.broadcast %ge3A_159 : f32 to vector<16xf32>
    %ge3A_161 = arith.cmpf oge, %get3A_146, %ge3A_160 : vector<16xf32>
    %add3A_162 = arith.addi %select_n3A_158, %broadcast_in_dim3A_153 : vector<16xi32>
    %select_n3A_163 = arith.select %ge3A_161, %add3A_162, %select_n3A_158 : vector<16xi1>, vector<16xi32>
    %ge3A_164 = arith.constant 2.100000e+01 : f32
    %ge3A_165 = vector.broadcast %ge3A_164 : f32 to vector<16xf32>
    %ge3A_166 = arith.cmpf oge, %get3A_146, %ge3A_165 : vector<16xf32>
    %add3A_167 = arith.addi %select_n3A_163, %broadcast_in_dim3A_153 : vector<16xi32>
    %select_n3A_168 = arith.select %ge3A_166, %add3A_167, %select_n3A_163 : vector<16xi1>, vector<16xi32>
    %ge3A_169 = arith.constant 3.100000e+01 : f32
    %ge3A_170 = vector.broadcast %ge3A_169 : f32 to vector<16xf32>
    %ge3A_171 = arith.cmpf oge, %get3A_146, %ge3A_170 : vector<16xf32>
    %add3A_172 = arith.addi %select_n3A_168, %broadcast_in_dim3A_153 : vector<16xi32>
    %select_n3A_173 = arith.select %ge3A_171, %add3A_172, %select_n3A_168 : vector<16xi1>, vector<16xi32>
    %ge3A_174 = arith.constant 4.100000e+01 : f32
    %ge3A_175 = vector.broadcast %ge3A_174 : f32 to vector<16xf32>
    %ge3A_176 = arith.cmpf oge, %get3A_146, %ge3A_175 : vector<16xf32>
    %add3A_177 = arith.addi %select_n3A_173, %broadcast_in_dim3A_153 : vector<16xi32>
    %select_n3A_178 = arith.select %ge3A_176, %add3A_177, %select_n3A_173 : vector<16xi1>, vector<16xi32>
    %ge3A_179 = arith.constant 5.100000e+01 : f32
    %ge3A_180 = vector.broadcast %ge3A_179 : f32 to vector<16xf32>
    %ge3A_181 = arith.cmpf oge, %get3A_146, %ge3A_180 : vector<16xf32>
    %add3A_182 = arith.addi %select_n3A_178, %broadcast_in_dim3A_153 : vector<16xi32>
    %select_n3A_183 = arith.select %ge3A_181, %add3A_182, %select_n3A_178 : vector<16xi1>, vector<16xi32>
    %ge3A_184 = arith.constant 6.100000e+01 : f32
    %ge3A_185 = vector.broadcast %ge3A_184 : f32 to vector<16xf32>
    %ge3A_186 = arith.cmpf oge, %get3A_146, %ge3A_185 : vector<16xf32>
    %add3A_187 = arith.addi %select_n3A_183, %broadcast_in_dim3A_153 : vector<16xi32>
    %select_n3A_188 = arith.select %ge3A_186, %add3A_187, %select_n3A_183 : vector<16xi1>, vector<16xi32>
    %ge3A_189 = arith.constant 7.100000e+01 : f32
    %ge3A_190 = vector.broadcast %ge3A_189 : f32 to vector<16xf32>
    %ge3A_191 = arith.cmpf oge, %get3A_146, %ge3A_190 : vector<16xf32>
    %add3A_192 = arith.addi %select_n3A_188, %broadcast_in_dim3A_153 : vector<16xi32>
    %select_n3A_193 = arith.select %ge3A_191, %add3A_192, %select_n3A_188 : vector<16xi1>, vector<16xi32>
    %ge3A_194 = arith.constant 8.100000e+01 : f32
    %ge3A_195 = vector.broadcast %ge3A_194 : f32 to vector<16xf32>
    %ge3A_196 = arith.cmpf oge, %get3A_146, %ge3A_195 : vector<16xf32>
    %add3A_197 = arith.addi %select_n3A_193, %broadcast_in_dim3A_153 : vector<16xi32>
    %select_n3A_198 = arith.select %ge3A_196, %add3A_197, %select_n3A_193 : vector<16xi1>, vector<16xi32>
    %ge3A_199 = arith.constant 9.100000e+01 : f32
    %ge3A_200 = vector.broadcast %ge3A_199 : f32 to vector<16xf32>
    %ge3A_201 = arith.cmpf oge, %get3A_146, %ge3A_200 : vector<16xf32>
    %add3A_202 = arith.addi %select_n3A_198, %broadcast_in_dim3A_153 : vector<16xi32>
    %select_n3A_203 = arith.select %ge3A_201, %add3A_202, %select_n3A_198 : vector<16xi1>, vector<16xi32>
    %mul3A_204 = arith.constant 128 : i32
    %mul3A_205 = vector.broadcast %mul3A_204 : i32 to vector<16xi32>
    %mul3A_206 = arith.muli %select_n3A_203, %mul3A_205 : vector<16xi32>
    %add3A_207 = arith.addi %get3A_149, %mul3A_206 : vector<16xi32>
    %swap3A_208 = arith.constant 0 : i32
    %swap3A_209 = arith.index_cast %swap3A_208 : i32 to index
    %swap3A_210 = arith.constant 32 : index
    %swap3A_211 = tpu.vector_load %arg8[%swap3A_209, %swap3A_210] {strides = array<i32>} : memref<4x128xi32, #tpu.memory_space<vmem>>, vector<1x16xi32>,
    %swap3A_212 = vector.shape_cast %swap3A_211 : vector<1x16xi32> to vector<16xi32>
    %swap3A_213 = vector.shape_cast %add3A_207 : vector<16xi32> to vector<1x16xi32>
    tpu.vector_store %arg8[%swap3A_209, %swap3A_210], %swap3A_213 {strides = array<i32>} : memref<4x128xi32, #tpu.memory_space<vmem>>, vector<1x16xi32>,
    %get3A_214 = arith.constant 48 : index
    %get3A_215 = tpu.vector_load %arg7[%get3A_214] {strides = array<i32>} : memref<512xf32, #tpu.memory_space<vmem>>, vector<16xf32>,
    %get3A_216 = vector.shape_cast %get3A_215 : vector<16xf32> to vector<16xf32>
    %get3A_217 = arith.constant 48 : index
    %get3A_218 = tpu.vector_load %arg6[%get3A_217] {strides = array<i32>} : memref<512xi32, #tpu.memory_space<vmem>>, vector<16xi32>,
    %get3A_219 = vector.shape_cast %get3A_218 : vector<16xi32> to vector<16xi32>
    %broadcast_in_dim3A_220 = arith.constant 0 : i32
    %broadcast_in_dim3A_221 = vector.broadcast %broadcast_in_dim3A_220 : i32 to vector<16xi32>
    %broadcast_in_dim3A_222 = arith.constant 1 : i32
    %broadcast_in_dim3A_223 = vector.broadcast %broadcast_in_dim3A_222 : i32 to vector<16xi32>
    %ge3A_224 = arith.constant 1.000000e+00 : f32
    %ge3A_225 = vector.broadcast %ge3A_224 : f32 to vector<16xf32>
    %ge3A_226 = arith.cmpf oge, %get3A_216, %ge3A_225 : vector<16xf32>
    %add3A_227 = arith.addi %broadcast_in_dim3A_221, %broadcast_in_dim3A_223 : vector<16xi32>
    %select_n3A_228 = arith.select %ge3A_226, %add3A_227, %broadcast_in_dim3A_221 : vector<16xi1>, vector<16xi32>
    %ge3A_229 = arith.constant 1.100000e+01 : f32
    %ge3A_230 = vector.broadcast %ge3A_229 : f32 to vector<16xf32>
    %ge3A_231 = arith.cmpf oge, %get3A_216, %ge3A_230 : vector<16xf32>
    %add3A_232 = arith.addi %select_n3A_228, %broadcast_in_dim3A_223 : vector<16xi32>
    %select_n3A_233 = arith.select %ge3A_231, %add3A_232, %select_n3A_228 : vector<16xi1>, vector<16xi32>
    %ge3A_234 = arith.constant 2.100000e+01 : f32
    %ge3A_235 = vector.broadcast %ge3A_234 : f32 to vector<16xf32>
    %ge3A_236 = arith.cmpf oge, %get3A_216, %ge3A_235 : vector<16xf32>
    %add3A_237 = arith.addi %select_n3A_233, %broadcast_in_dim3A_223 : vector<16xi32>
    %select_n3A_238 = arith.select %ge3A_236, %add3A_237, %select_n3A_233 : vector<16xi1>, vector<16xi32>
    %ge3A_239 = arith.constant 3.100000e+01 : f32
    %ge3A_240 = vector.broadcast %ge3A_239 : f32 to vector<16xf32>
    %ge3A_241 = arith.cmpf oge, %get3A_216, %ge3A_240 : vector<16xf32>
    %add3A_242 = arith.addi %select_n3A_238, %broadcast_in_dim3A_223 : vector<16xi32>
    %select_n3A_243 = arith.select %ge3A_241, %add3A_242, %select_n3A_238 : vector<16xi1>, vector<16xi32>
    %ge3A_244 = arith.constant 4.100000e+01 : f32
    %ge3A_245 = vector.broadcast %ge3A_244 : f32 to vector<16xf32>
    %ge3A_246 = arith.cmpf oge, %get3A_216, %ge3A_245 : vector<16xf32>
    %add3A_247 = arith.addi %select_n3A_243, %broadcast_in_dim3A_223 : vector<16xi32>
    %select_n3A_248 = arith.select %ge3A_246, %add3A_247, %select_n3A_243 : vector<16xi1>, vector<16xi32>
    %ge3A_249 = arith.constant 5.100000e+01 : f32
    %ge3A_250 = vector.broadcast %ge3A_249 : f32 to vector<16xf32>
    %ge3A_251 = arith.cmpf oge, %get3A_216, %ge3A_250 : vector<16xf32>
    %add3A_252 = arith.addi %select_n3A_248, %broadcast_in_dim3A_223 : vector<16xi32>
    %select_n3A_253 = arith.select %ge3A_251, %add3A_252, %select_n3A_248 : vector<16xi1>, vector<16xi32>
    %ge3A_254 = arith.constant 6.100000e+01 : f32
    %ge3A_255 = vector.broadcast %ge3A_254 : f32 to vector<16xf32>
    %ge3A_256 = arith.cmpf oge, %get3A_216, %ge3A_255 : vector<16xf32>
    %add3A_257 = arith.addi %select_n3A_253, %broadcast_in_dim3A_223 : vector<16xi32>
    %select_n3A_258 = arith.select %ge3A_256, %add3A_257, %select_n3A_253 : vector<16xi1>, vector<16xi32>
    %ge3A_259 = arith.constant 7.100000e+01 : f32
    %ge3A_260 = vector.broadcast %ge3A_259 : f32 to vector<16xf32>
    %ge3A_261 = arith.cmpf oge, %get3A_216, %ge3A_260 : vector<16xf32>
    %add3A_262 = arith.addi %select_n3A_258, %broadcast_in_dim3A_223 : vector<16xi32>
    %select_n3A_263 = arith.select %ge3A_261, %add3A_262, %select_n3A_258 : vector<16xi1>, vector<16xi32>
    %ge3A_264 = arith.constant 8.100000e+01 : f32
    %ge3A_265 = vector.broadcast %ge3A_264 : f32 to vector<16xf32>
    %ge3A_266 = arith.cmpf oge, %get3A_216, %ge3A_265 : vector<16xf32>
    %add3A_267 = arith.addi %select_n3A_263, %broadcast_in_dim3A_223 : vector<16xi32>
    %select_n3A_268 = arith.select %ge3A_266, %add3A_267, %select_n3A_263 : vector<16xi1>, vector<16xi32>
    %ge3A_269 = arith.constant 9.100000e+01 : f32
    %ge3A_270 = vector.broadcast %ge3A_269 : f32 to vector<16xf32>
    %ge3A_271 = arith.cmpf oge, %get3A_216, %ge3A_270 : vector<16xf32>
    %add3A_272 = arith.addi %select_n3A_268, %broadcast_in_dim3A_223 : vector<16xi32>
    %select_n3A_273 = arith.select %ge3A_271, %add3A_272, %select_n3A_268 : vector<16xi1>, vector<16xi32>
    %mul3A_274 = arith.constant 128 : i32
    %mul3A_275 = vector.broadcast %mul3A_274 : i32 to vector<16xi32>
    %mul3A_276 = arith.muli %select_n3A_273, %mul3A_275 : vector<16xi32>
    %add3A_277 = arith.addi %get3A_219, %mul3A_276 : vector<16xi32>
    %swap3A_278 = arith.constant 0 : i32
    %swap3A_279 = arith.index_cast %swap3A_278 : i32 to index
    %swap3A_280 = arith.constant 48 : index
    %swap3A_281 = tpu.vector_load %arg8[%swap3A_279, %swap3A_280] {strides = array<i32>} : memref<4x128xi32, #tpu.memory_space<vmem>>, vector<1x16xi32>,
    %swap3A_282 = vector.shape_cast %swap3A_281 : vector<1x16xi32> to vector<16xi32>
    %swap3A_283 = vector.shape_cast %add3A_277 : vector<16xi32> to vector<1x16xi32>
    tpu.vector_store %arg8[%swap3A_279, %swap3A_280], %swap3A_283 {strides = array<i32>} : memref<4x128xi32, #tpu.memory_space<vmem>>, vector<1x16xi32>,
    %get3A_284 = arith.constant 64 : index
    %get3A_285 = tpu.vector_load %arg7[%get3A_284] {strides = array<i32>} : memref<512xf32, #tpu.memory_space<vmem>>, vector<16xf32>,
    %get3A_286 = vector.shape_cast %get3A_285 : vector<16xf32> to vector<16xf32>
    %get3A_287 = arith.constant 64 : index
    %get3A_288 = tpu.vector_load %arg6[%get3A_287] {strides = array<i32>} : memref<512xi32, #tpu.memory_space<vmem>>, vector<16xi32>,
    %get3A_289 = vector.shape_cast %get3A_288 : vector<16xi32> to vector<16xi32>
    %broadcast_in_dim3A_290 = arith.constant 0 : i32
    %broadcast_in_dim3A_291 = vector.broadcast %broadcast_in_dim3A_290 : i32 to vector<16xi32>
    %broadcast_in_dim3A_292 = arith.constant 1 : i32
    %broadcast_in_dim3A_293 = vector.broadcast %broadcast_in_dim3A_292 : i32 to vector<16xi32>
    %ge3A_294 = arith.constant 1.000000e+00 : f32
    %ge3A_295 = vector.broadcast %ge3A_294 : f32 to vector<16xf32>
    %ge3A_296 = arith.cmpf oge, %get3A_286, %ge3A_295 : vector<16xf32>
    %add3A_297 = arith.addi %broadcast_in_dim3A_291, %broadcast_in_dim3A_293 : vector<16xi32>
    %select_n3A_298 = arith.select %ge3A_296, %add3A_297, %broadcast_in_dim3A_291 : vector<16xi1>, vector<16xi32>
    %ge3A_299 = arith.constant 1.100000e+01 : f32
    %ge3A_300 = vector.broadcast %ge3A_299 : f32 to vector<16xf32>
    %ge3A_301 = arith.cmpf oge, %get3A_286, %ge3A_300 : vector<16xf32>
    %add3A_302 = arith.addi %select_n3A_298, %broadcast_in_dim3A_293 : vector<16xi32>
    %select_n3A_303 = arith.select %ge3A_301, %add3A_302, %select_n3A_298 : vector<16xi1>, vector<16xi32>
    %ge3A_304 = arith.constant 2.100000e+01 : f32
    %ge3A_305 = vector.broadcast %ge3A_304 : f32 to vector<16xf32>
    %ge3A_306 = arith.cmpf oge, %get3A_286, %ge3A_305 : vector<16xf32>
    %add3A_307 = arith.addi %select_n3A_303, %broadcast_in_dim3A_293 : vector<16xi32>
    %select_n3A_308 = arith.select %ge3A_306, %add3A_307, %select_n3A_303 : vector<16xi1>, vector<16xi32>
    %ge3A_309 = arith.constant 3.100000e+01 : f32
    %ge3A_310 = vector.broadcast %ge3A_309 : f32 to vector<16xf32>
    %ge3A_311 = arith.cmpf oge, %get3A_286, %ge3A_310 : vector<16xf32>
    %add3A_312 = arith.addi %select_n3A_308, %broadcast_in_dim3A_293 : vector<16xi32>
    %select_n3A_313 = arith.select %ge3A_311, %add3A_312, %select_n3A_308 : vector<16xi1>, vector<16xi32>
    %ge3A_314 = arith.constant 4.100000e+01 : f32
    %ge3A_315 = vector.broadcast %ge3A_314 : f32 to vector<16xf32>
    %ge3A_316 = arith.cmpf oge, %get3A_286, %ge3A_315 : vector<16xf32>
    %add3A_317 = arith.addi %select_n3A_313, %broadcast_in_dim3A_293 : vector<16xi32>
    %select_n3A_318 = arith.select %ge3A_316, %add3A_317, %select_n3A_313 : vector<16xi1>, vector<16xi32>
    %ge3A_319 = arith.constant 5.100000e+01 : f32
    %ge3A_320 = vector.broadcast %ge3A_319 : f32 to vector<16xf32>
    %ge3A_321 = arith.cmpf oge, %get3A_286, %ge3A_320 : vector<16xf32>
    %add3A_322 = arith.addi %select_n3A_318, %broadcast_in_dim3A_293 : vector<16xi32>
    %select_n3A_323 = arith.select %ge3A_321, %add3A_322, %select_n3A_318 : vector<16xi1>, vector<16xi32>
    %ge3A_324 = arith.constant 6.100000e+01 : f32
    %ge3A_325 = vector.broadcast %ge3A_324 : f32 to vector<16xf32>
    %ge3A_326 = arith.cmpf oge, %get3A_286, %ge3A_325 : vector<16xf32>
    %add3A_327 = arith.addi %select_n3A_323, %broadcast_in_dim3A_293 : vector<16xi32>
    %select_n3A_328 = arith.select %ge3A_326, %add3A_327, %select_n3A_323 : vector<16xi1>, vector<16xi32>
    %ge3A_329 = arith.constant 7.100000e+01 : f32
    %ge3A_330 = vector.broadcast %ge3A_329 : f32 to vector<16xf32>
    %ge3A_331 = arith.cmpf oge, %get3A_286, %ge3A_330 : vector<16xf32>
    %add3A_332 = arith.addi %select_n3A_328, %broadcast_in_dim3A_293 : vector<16xi32>
    %select_n3A_333 = arith.select %ge3A_331, %add3A_332, %select_n3A_328 : vector<16xi1>, vector<16xi32>
    %ge3A_334 = arith.constant 8.100000e+01 : f32
    %ge3A_335 = vector.broadcast %ge3A_334 : f32 to vector<16xf32>
    %ge3A_336 = arith.cmpf oge, %get3A_286, %ge3A_335 : vector<16xf32>
    %add3A_337 = arith.addi %select_n3A_333, %broadcast_in_dim3A_293 : vector<16xi32>
    %select_n3A_338 = arith.select %ge3A_336, %add3A_337, %select_n3A_333 : vector<16xi1>, vector<16xi32>
    %ge3A_339 = arith.constant 9.100000e+01 : f32
    %ge3A_340 = vector.broadcast %ge3A_339 : f32 to vector<16xf32>
    %ge3A_341 = arith.cmpf oge, %get3A_286, %ge3A_340 : vector<16xf32>
    %add3A_342 = arith.addi %select_n3A_338, %broadcast_in_dim3A_293 : vector<16xi32>
    %select_n3A_343 = arith.select %ge3A_341, %add3A_342, %select_n3A_338 : vector<16xi1>, vector<16xi32>
    %mul3A_344 = arith.constant 128 : i32
    %mul3A_345 = vector.broadcast %mul3A_344 : i32 to vector<16xi32>
    %mul3A_346 = arith.muli %select_n3A_343, %mul3A_345 : vector<16xi32>
    %add3A_347 = arith.addi %get3A_289, %mul3A_346 : vector<16xi32>
    %swap3A_348 = arith.constant 0 : i32
    %swap3A_349 = arith.index_cast %swap3A_348 : i32 to index
    %swap3A_350 = arith.constant 64 : index
    %swap3A_351 = tpu.vector_load %arg8[%swap3A_349, %swap3A_350] {strides = array<i32>} : memref<4x128xi32, #tpu.memory_space<vmem>>, vector<1x16xi32>,
    %swap3A_352 = vector.shape_cast %swap3A_351 : vector<1x16xi32> to vector<16xi32>
    %swap3A_353 = vector.shape_cast %add3A_347 : vector<16xi32> to vector<1x16xi32>
    tpu.vector_store %arg8[%swap3A_349, %swap3A_350], %swap3A_353 {strides = array<i32>} : memref<4x128xi32, #tpu.memory_space<vmem>>, vector<1x16xi32>,
    %get3A_354 = arith.constant 80 : index
    %get3A_355 = tpu.vector_load %arg7[%get3A_354] {strides = array<i32>} : memref<512xf32, #tpu.memory_space<vmem>>, vector<16xf32>,
    %get3A_356 = vector.shape_cast %get3A_355 : vector<16xf32> to vector<16xf32>
    %get3A_357 = arith.constant 80 : index
    %get3A_358 = tpu.vector_load %arg6[%get3A_357] {strides = array<i32>} : memref<512xi32, #tpu.memory_space<vmem>>, vector<16xi32>,
    %get3A_359 = vector.shape_cast %get3A_358 : vector<16xi32> to vector<16xi32>
    %broadcast_in_dim3A_360 = arith.constant 0 : i32
    %broadcast_in_dim3A_361 = vector.broadcast %broadcast_in_dim3A_360 : i32 to vector<16xi32>
    %broadcast_in_dim3A_362 = arith.constant 1 : i32
    %broadcast_in_dim3A_363 = vector.broadcast %broadcast_in_dim3A_362 : i32 to vector<16xi32>
    %ge3A_364 = arith.constant 1.000000e+00 : f32
    %ge3A_365 = vector.broadcast %ge3A_364 : f32 to vector<16xf32>
    %ge3A_366 = arith.cmpf oge, %get3A_356, %ge3A_365 : vector<16xf32>
    %add3A_367 = arith.addi %broadcast_in_dim3A_361, %broadcast_in_dim3A_363 : vector<16xi32>
    %select_n3A_368 = arith.select %ge3A_366, %add3A_367, %broadcast_in_dim3A_361 : vector<16xi1>, vector<16xi32>
    %ge3A_369 = arith.constant 1.100000e+01 : f32
    %ge3A_370 = vector.broadcast %ge3A_369 : f32 to vector<16xf32>
    %ge3A_371 = arith.cmpf oge, %get3A_356, %ge3A_370 : vector<16xf32>
    %add3A_372 = arith.addi %select_n3A_368, %broadcast_in_dim3A_363 : vector<16xi32>
    %select_n3A_373 = arith.select %ge3A_371, %add3A_372, %select_n3A_368 : vector<16xi1>, vector<16xi32>
    %ge3A_374 = arith.constant 2.100000e+01 : f32
    %ge3A_375 = vector.broadcast %ge3A_374 : f32 to vector<16xf32>
    %ge3A_376 = arith.cmpf oge, %get3A_356, %ge3A_375 : vector<16xf32>
    %add3A_377 = arith.addi %select_n3A_373, %broadcast_in_dim3A_363 : vector<16xi32>
    %select_n3A_378 = arith.select %ge3A_376, %add3A_377, %select_n3A_373 : vector<16xi1>, vector<16xi32>
    %ge3A_379 = arith.constant 3.100000e+01 : f32
    %ge3A_380 = vector.broadcast %ge3A_379 : f32 to vector<16xf32>
    %ge3A_381 = arith.cmpf oge, %get3A_356, %ge3A_380 : vector<16xf32>
    %add3A_382 = arith.addi %select_n3A_378, %broadcast_in_dim3A_363 : vector<16xi32>
    %select_n3A_383 = arith.select %ge3A_381, %add3A_382, %select_n3A_378 : vector<16xi1>, vector<16xi32>
    %ge3A_384 = arith.constant 4.100000e+01 : f32
    %ge3A_385 = vector.broadcast %ge3A_384 : f32 to vector<16xf32>
    %ge3A_386 = arith.cmpf oge, %get3A_356, %ge3A_385 : vector<16xf32>
    %add3A_387 = arith.addi %select_n3A_383, %broadcast_in_dim3A_363 : vector<16xi32>
    %select_n3A_388 = arith.select %ge3A_386, %add3A_387, %select_n3A_383 : vector<16xi1>, vector<16xi32>
    %ge3A_389 = arith.constant 5.100000e+01 : f32
    %ge3A_390 = vector.broadcast %ge3A_389 : f32 to vector<16xf32>
    %ge3A_391 = arith.cmpf oge, %get3A_356, %ge3A_390 : vector<16xf32>
    %add3A_392 = arith.addi %select_n3A_388, %broadcast_in_dim3A_363 : vector<16xi32>
    %select_n3A_393 = arith.select %ge3A_391, %add3A_392, %select_n3A_388 : vector<16xi1>, vector<16xi32>
    %ge3A_394 = arith.constant 6.100000e+01 : f32
    %ge3A_395 = vector.broadcast %ge3A_394 : f32 to vector<16xf32>
    %ge3A_396 = arith.cmpf oge, %get3A_356, %ge3A_395 : vector<16xf32>
    %add3A_397 = arith.addi %select_n3A_393, %broadcast_in_dim3A_363 : vector<16xi32>
    %select_n3A_398 = arith.select %ge3A_396, %add3A_397, %select_n3A_393 : vector<16xi1>, vector<16xi32>
    %ge3A_399 = arith.constant 7.100000e+01 : f32
    %ge3A_400 = vector.broadcast %ge3A_399 : f32 to vector<16xf32>
    %ge3A_401 = arith.cmpf oge, %get3A_356, %ge3A_400 : vector<16xf32>
    %add3A_402 = arith.addi %select_n3A_398, %broadcast_in_dim3A_363 : vector<16xi32>
    %select_n3A_403 = arith.select %ge3A_401, %add3A_402, %select_n3A_398 : vector<16xi1>, vector<16xi32>
    %ge3A_404 = arith.constant 8.100000e+01 : f32
    %ge3A_405 = vector.broadcast %ge3A_404 : f32 to vector<16xf32>
    %ge3A_406 = arith.cmpf oge, %get3A_356, %ge3A_405 : vector<16xf32>
    %add3A_407 = arith.addi %select_n3A_403, %broadcast_in_dim3A_363 : vector<16xi32>
    %select_n3A_408 = arith.select %ge3A_406, %add3A_407, %select_n3A_403 : vector<16xi1>, vector<16xi32>
    %ge3A_409 = arith.constant 9.100000e+01 : f32
    %ge3A_410 = vector.broadcast %ge3A_409 : f32 to vector<16xf32>
    %ge3A_411 = arith.cmpf oge, %get3A_356, %ge3A_410 : vector<16xf32>
    %add3A_412 = arith.addi %select_n3A_408, %broadcast_in_dim3A_363 : vector<16xi32>
    %select_n3A_413 = arith.select %ge3A_411, %add3A_412, %select_n3A_408 : vector<16xi1>, vector<16xi32>
    %mul3A_414 = arith.constant 128 : i32
    %mul3A_415 = vector.broadcast %mul3A_414 : i32 to vector<16xi32>
    %mul3A_416 = arith.muli %select_n3A_413, %mul3A_415 : vector<16xi32>
    %add3A_417 = arith.addi %get3A_359, %mul3A_416 : vector<16xi32>
    %swap3A_418 = arith.constant 0 : i32
    %swap3A_419 = arith.index_cast %swap3A_418 : i32 to index
    %swap3A_420 = arith.constant 80 : index
    %swap3A_421 = tpu.vector_load %arg8[%swap3A_419, %swap3A_420] {strides = array<i32>} : memref<4x128xi32, #tpu.memory_space<vmem>>, vector<1x16xi32>,
    %swap3A_422 = vector.shape_cast %swap3A_421 : vector<1x16xi32> to vector<16xi32>
    %swap3A_423 = vector.shape_cast %add3A_417 : vector<16xi32> to vector<1x16xi32>
    tpu.vector_store %arg8[%swap3A_419, %swap3A_420], %swap3A_423 {strides = array<i32>} : memref<4x128xi32, #tpu.memory_space<vmem>>, vector<1x16xi32>,
    %get3A_424 = arith.constant 96 : index
    %get3A_425 = tpu.vector_load %arg7[%get3A_424] {strides = array<i32>} : memref<512xf32, #tpu.memory_space<vmem>>, vector<16xf32>,
    %get3A_426 = vector.shape_cast %get3A_425 : vector<16xf32> to vector<16xf32>
    %get3A_427 = arith.constant 96 : index
    %get3A_428 = tpu.vector_load %arg6[%get3A_427] {strides = array<i32>} : memref<512xi32, #tpu.memory_space<vmem>>, vector<16xi32>,
    %get3A_429 = vector.shape_cast %get3A_428 : vector<16xi32> to vector<16xi32>
    %broadcast_in_dim3A_430 = arith.constant 0 : i32
    %broadcast_in_dim3A_431 = vector.broadcast %broadcast_in_dim3A_430 : i32 to vector<16xi32>
    %broadcast_in_dim3A_432 = arith.constant 1 : i32
    %broadcast_in_dim3A_433 = vector.broadcast %broadcast_in_dim3A_432 : i32 to vector<16xi32>
    %ge3A_434 = arith.constant 1.000000e+00 : f32
    %ge3A_435 = vector.broadcast %ge3A_434 : f32 to vector<16xf32>
    %ge3A_436 = arith.cmpf oge, %get3A_426, %ge3A_435 : vector<16xf32>
    %add3A_437 = arith.addi %broadcast_in_dim3A_431, %broadcast_in_dim3A_433 : vector<16xi32>
    %select_n3A_438 = arith.select %ge3A_436, %add3A_437, %broadcast_in_dim3A_431 : vector<16xi1>, vector<16xi32>
    %ge3A_439 = arith.constant 1.100000e+01 : f32
    %ge3A_440 = vector.broadcast %ge3A_439 : f32 to vector<16xf32>
    %ge3A_441 = arith.cmpf oge, %get3A_426, %ge3A_440 : vector<16xf32>
    %add3A_442 = arith.addi %select_n3A_438, %broadcast_in_dim3A_433 : vector<16xi32>
    %select_n3A_443 = arith.select %ge3A_441, %add3A_442, %select_n3A_438 : vector<16xi1>, vector<16xi32>
    %ge3A_444 = arith.constant 2.100000e+01 : f32
    %ge3A_445 = vector.broadcast %ge3A_444 : f32 to vector<16xf32>
    %ge3A_446 = arith.cmpf oge, %get3A_426, %ge3A_445 : vector<16xf32>
    %add3A_447 = arith.addi %select_n3A_443, %broadcast_in_dim3A_433 : vector<16xi32>
    %select_n3A_448 = arith.select %ge3A_446, %add3A_447, %select_n3A_443 : vector<16xi1>, vector<16xi32>
    %ge3A_449 = arith.constant 3.100000e+01 : f32
    %ge3A_450 = vector.broadcast %ge3A_449 : f32 to vector<16xf32>
    %ge3A_451 = arith.cmpf oge, %get3A_426, %ge3A_450 : vector<16xf32>
    %add3A_452 = arith.addi %select_n3A_448, %broadcast_in_dim3A_433 : vector<16xi32>
    %select_n3A_453 = arith.select %ge3A_451, %add3A_452, %select_n3A_448 : vector<16xi1>, vector<16xi32>
    %ge3A_454 = arith.constant 4.100000e+01 : f32
    %ge3A_455 = vector.broadcast %ge3A_454 : f32 to vector<16xf32>
    %ge3A_456 = arith.cmpf oge, %get3A_426, %ge3A_455 : vector<16xf32>
    %add3A_457 = arith.addi %select_n3A_453, %broadcast_in_dim3A_433 : vector<16xi32>
    %select_n3A_458 = arith.select %ge3A_456, %add3A_457, %select_n3A_453 : vector<16xi1>, vector<16xi32>
    %ge3A_459 = arith.constant 5.100000e+01 : f32
    %ge3A_460 = vector.broadcast %ge3A_459 : f32 to vector<16xf32>
    %ge3A_461 = arith.cmpf oge, %get3A_426, %ge3A_460 : vector<16xf32>
    %add3A_462 = arith.addi %select_n3A_458, %broadcast_in_dim3A_433 : vector<16xi32>
    %select_n3A_463 = arith.select %ge3A_461, %add3A_462, %select_n3A_458 : vector<16xi1>, vector<16xi32>
    %ge3A_464 = arith.constant 6.100000e+01 : f32
    %ge3A_465 = vector.broadcast %ge3A_464 : f32 to vector<16xf32>
    %ge3A_466 = arith.cmpf oge, %get3A_426, %ge3A_465 : vector<16xf32>
    %add3A_467 = arith.addi %select_n3A_463, %broadcast_in_dim3A_433 : vector<16xi32>
    %select_n3A_468 = arith.select %ge3A_466, %add3A_467, %select_n3A_463 : vector<16xi1>, vector<16xi32>
    %ge3A_469 = arith.constant 7.100000e+01 : f32
    %ge3A_470 = vector.broadcast %ge3A_469 : f32 to vector<16xf32>
    %ge3A_471 = arith.cmpf oge, %get3A_426, %ge3A_470 : vector<16xf32>
    %add3A_472 = arith.addi %select_n3A_468, %broadcast_in_dim3A_433 : vector<16xi32>
    %select_n3A_473 = arith.select %ge3A_471, %add3A_472, %select_n3A_468 : vector<16xi1>, vector<16xi32>
    %ge3A_474 = arith.constant 8.100000e+01 : f32
    %ge3A_475 = vector.broadcast %ge3A_474 : f32 to vector<16xf32>
    %ge3A_476 = arith.cmpf oge, %get3A_426, %ge3A_475 : vector<16xf32>
    %add3A_477 = arith.addi %select_n3A_473, %broadcast_in_dim3A_433 : vector<16xi32>
    %select_n3A_478 = arith.select %ge3A_476, %add3A_477, %select_n3A_473 : vector<16xi1>, vector<16xi32>
    %ge3A_479 = arith.constant 9.100000e+01 : f32
    %ge3A_480 = vector.broadcast %ge3A_479 : f32 to vector<16xf32>
    %ge3A_481 = arith.cmpf oge, %get3A_426, %ge3A_480 : vector<16xf32>
    %add3A_482 = arith.addi %select_n3A_478, %broadcast_in_dim3A_433 : vector<16xi32>
    %select_n3A_483 = arith.select %ge3A_481, %add3A_482, %select_n3A_478 : vector<16xi1>, vector<16xi32>
    %mul3A_484 = arith.constant 128 : i32
    %mul3A_485 = vector.broadcast %mul3A_484 : i32 to vector<16xi32>
    %mul3A_486 = arith.muli %select_n3A_483, %mul3A_485 : vector<16xi32>
    %add3A_487 = arith.addi %get3A_429, %mul3A_486 : vector<16xi32>
    %swap3A_488 = arith.constant 0 : i32
    %swap3A_489 = arith.index_cast %swap3A_488 : i32 to index
    %swap3A_490 = arith.constant 96 : index
    %swap3A_491 = tpu.vector_load %arg8[%swap3A_489, %swap3A_490] {strides = array<i32>} : memref<4x128xi32, #tpu.memory_space<vmem>>, vector<1x16xi32>,
    %swap3A_492 = vector.shape_cast %swap3A_491 : vector<1x16xi32> to vector<16xi32>
    %swap3A_493 = vector.shape_cast %add3A_487 : vector<16xi32> to vector<1x16xi32>
    tpu.vector_store %arg8[%swap3A_489, %swap3A_490], %swap3A_493 {strides = array<i32>} : memref<4x128xi32, #tpu.memory_space<vmem>>, vector<1x16xi32>,
    %get3A_494 = arith.constant 112 : index
    %get3A_495 = tpu.vector_load %arg7[%get3A_494] {strides = array<i32>} : memref<512xf32, #tpu.memory_space<vmem>>, vector<16xf32>,
    %get3A_496 = vector.shape_cast %get3A_495 : vector<16xf32> to vector<16xf32>
    %get3A_497 = arith.constant 112 : index
    %get3A_498 = tpu.vector_load %arg6[%get3A_497] {strides = array<i32>} : memref<512xi32, #tpu.memory_space<vmem>>, vector<16xi32>,
    %get3A_499 = vector.shape_cast %get3A_498 : vector<16xi32> to vector<16xi32>
    %broadcast_in_dim3A_500 = arith.constant 0 : i32
    %broadcast_in_dim3A_501 = vector.broadcast %broadcast_in_dim3A_500 : i32 to vector<16xi32>
    %broadcast_in_dim3A_502 = arith.constant 1 : i32
    %broadcast_in_dim3A_503 = vector.broadcast %broadcast_in_dim3A_502 : i32 to vector<16xi32>
    %ge3A_504 = arith.constant 1.000000e+00 : f32
    %ge3A_505 = vector.broadcast %ge3A_504 : f32 to vector<16xf32>
    %ge3A_506 = arith.cmpf oge, %get3A_496, %ge3A_505 : vector<16xf32>
    %add3A_507 = arith.addi %broadcast_in_dim3A_501, %broadcast_in_dim3A_503 : vector<16xi32>
    %select_n3A_508 = arith.select %ge3A_506, %add3A_507, %broadcast_in_dim3A_501 : vector<16xi1>, vector<16xi32>
    %ge3A_509 = arith.constant 1.100000e+01 : f32
    %ge3A_510 = vector.broadcast %ge3A_509 : f32 to vector<16xf32>
    %ge3A_511 = arith.cmpf oge, %get3A_496, %ge3A_510 : vector<16xf32>
    %add3A_512 = arith.addi %select_n3A_508, %broadcast_in_dim3A_503 : vector<16xi32>
    %select_n3A_513 = arith.select %ge3A_511, %add3A_512, %select_n3A_508 : vector<16xi1>, vector<16xi32>
    %ge3A_514 = arith.constant 2.100000e+01 : f32
    %ge3A_515 = vector.broadcast %ge3A_514 : f32 to vector<16xf32>
    %ge3A_516 = arith.cmpf oge, %get3A_496, %ge3A_515 : vector<16xf32>
    %add3A_517 = arith.addi %select_n3A_513, %broadcast_in_dim3A_503 : vector<16xi32>
    %select_n3A_518 = arith.select %ge3A_516, %add3A_517, %select_n3A_513 : vector<16xi1>, vector<16xi32>
    %ge3A_519 = arith.constant 3.100000e+01 : f32
    %ge3A_520 = vector.broadcast %ge3A_519 : f32 to vector<16xf32>
    %ge3A_521 = arith.cmpf oge, %get3A_496, %ge3A_520 : vector<16xf32>
    %add3A_522 = arith.addi %select_n3A_518, %broadcast_in_dim3A_503 : vector<16xi32>
    %select_n3A_523 = arith.select %ge3A_521, %add3A_522, %select_n3A_518 : vector<16xi1>, vector<16xi32>
    %ge3A_524 = arith.constant 4.100000e+01 : f32
    %ge3A_525 = vector.broadcast %ge3A_524 : f32 to vector<16xf32>
    %ge3A_526 = arith.cmpf oge, %get3A_496, %ge3A_525 : vector<16xf32>
    %add3A_527 = arith.addi %select_n3A_523, %broadcast_in_dim3A_503 : vector<16xi32>
    %select_n3A_528 = arith.select %ge3A_526, %add3A_527, %select_n3A_523 : vector<16xi1>, vector<16xi32>
    %ge3A_529 = arith.constant 5.100000e+01 : f32
    %ge3A_530 = vector.broadcast %ge3A_529 : f32 to vector<16xf32>
    %ge3A_531 = arith.cmpf oge, %get3A_496, %ge3A_530 : vector<16xf32>
    %add3A_532 = arith.addi %select_n3A_528, %broadcast_in_dim3A_503 : vector<16xi32>
    %select_n3A_533 = arith.select %ge3A_531, %add3A_532, %select_n3A_528 : vector<16xi1>, vector<16xi32>
    %ge3A_534 = arith.constant 6.100000e+01 : f32
    %ge3A_535 = vector.broadcast %ge3A_534 : f32 to vector<16xf32>
    %ge3A_536 = arith.cmpf oge, %get3A_496, %ge3A_535 : vector<16xf32>
    %add3A_537 = arith.addi %select_n3A_533, %broadcast_in_dim3A_503 : vector<16xi32>
    %select_n3A_538 = arith.select %ge3A_536, %add3A_537, %select_n3A_533 : vector<16xi1>, vector<16xi32>
    %ge3A_539 = arith.constant 7.100000e+01 : f32
    %ge3A_540 = vector.broadcast %ge3A_539 : f32 to vector<16xf32>
    %ge3A_541 = arith.cmpf oge, %get3A_496, %ge3A_540 : vector<16xf32>
    %add3A_542 = arith.addi %select_n3A_538, %broadcast_in_dim3A_503 : vector<16xi32>
    %select_n3A_543 = arith.select %ge3A_541, %add3A_542, %select_n3A_538 : vector<16xi1>, vector<16xi32>
    %ge3A_544 = arith.constant 8.100000e+01 : f32
    %ge3A_545 = vector.broadcast %ge3A_544 : f32 to vector<16xf32>
    %ge3A_546 = arith.cmpf oge, %get3A_496, %ge3A_545 : vector<16xf32>
    %add3A_547 = arith.addi %select_n3A_543, %broadcast_in_dim3A_503 : vector<16xi32>
    %select_n3A_548 = arith.select %ge3A_546, %add3A_547, %select_n3A_543 : vector<16xi1>, vector<16xi32>
    %ge3A_549 = arith.constant 9.100000e+01 : f32
    %ge3A_550 = vector.broadcast %ge3A_549 : f32 to vector<16xf32>
    %ge3A_551 = arith.cmpf oge, %get3A_496, %ge3A_550 : vector<16xf32>
    %add3A_552 = arith.addi %select_n3A_548, %broadcast_in_dim3A_503 : vector<16xi32>
    %select_n3A_553 = arith.select %ge3A_551, %add3A_552, %select_n3A_548 : vector<16xi1>, vector<16xi32>
    %mul3A_554 = arith.constant 128 : i32
    %mul3A_555 = vector.broadcast %mul3A_554 : i32 to vector<16xi32>
    %mul3A_556 = arith.muli %select_n3A_553, %mul3A_555 : vector<16xi32>
    %add3A_557 = arith.addi %get3A_499, %mul3A_556 : vector<16xi32>
    %swap3A_558 = arith.constant 0 : i32
    %swap3A_559 = arith.index_cast %swap3A_558 : i32 to index
    %swap3A_560 = arith.constant 112 : index
    %swap3A_561 = tpu.vector_load %arg8[%swap3A_559, %swap3A_560] {strides = array<i32>} : memref<4x128xi32, #tpu.memory_space<vmem>>, vector<1x16xi32>,
    %swap3A_562 = vector.shape_cast %swap3A_561 : vector<1x16xi32> to vector<16xi32>
    %swap3A_563 = vector.shape_cast %add3A_557 : vector<16xi32> to vector<1x16xi32>
    tpu.vector_store %arg8[%swap3A_559, %swap3A_560], %swap3A_563 {strides = array<i32>} : memref<4x128xi32, #tpu.memory_space<vmem>>, vector<1x16xi32>,
    %dma_start3A_564 = arith.constant 0 : i32
    %dma_start3A_565 = arith.constant 0 : i32
    %dma_start3A_566 = arith.constant 0 : i32
    %dma_start3A_567 = tpu.memref_slice %arg9[%dma_start3A_565, %dma_start3A_566] : memref<512x16xf32, #tpu.memory_space<vmem>> -> memref<128x16xf32, #tpu.memory_space<vmem>>
    %dma_start3A_568 = arith.constant 0 : i32
    %dma_start3A_569 = tpu.memref_slice %arg8[%dma_start3A_564, %dma_start3A_568] : memref<4x128xi32, #tpu.memory_space<vmem>> -> memref<1x128xi32, #tpu.memory_space<vmem>>
    %dma_start3A_570 = tpu.memref_squeeze %dma_start3A_569 : memref<1x128xi32, #tpu.memory_space<vmem>> -> memref<128xi32, #tpu.memory_space<vmem>>
    %dma_start3A_571 = arith.constant 0 : i32
    %dma_start3A_572 = arith.constant 0 : i32
    %dma_start3A_573 = tpu.memref_slice %arg2[%dma_start3A_571, %dma_start3A_572] : memref<1408x16xf32, #tpu.memory_space<hbm>> -> memref<1408x16xf32, #tpu.memory_space<hbm>>
    tpu.enqueue_indirect_dma source(%dma_start3A_573 : memref<1408x16xf32, #tpu.memory_space<hbm>>) target(%dma_start3A_567 : memref<128x16xf32, #tpu.memory_space<vmem>>) offsets(%dma_start3A_570 : memref<128xi32, #tpu.memory_space<vmem>>) semaphore(%arg11 : memref<!tpu.dma_semaphore, #tpu.memory_space<semaphore_mem>>)
    %get3A_574 = arith.constant 128 : index
    %get3A_575 = tpu.vector_load %arg7[%get3A_574] {strides = array<i32>} : memref<512xf32, #tpu.memory_space<vmem>>, vector<16xf32>,
    %get3A_576 = vector.shape_cast %get3A_575 : vector<16xf32> to vector<16xf32>
    %get3A_577 = arith.constant 128 : index
    %get3A_578 = tpu.vector_load %arg6[%get3A_577] {strides = array<i32>} : memref<512xi32, #tpu.memory_space<vmem>>, vector<16xi32>,
    %get3A_579 = vector.shape_cast %get3A_578 : vector<16xi32> to vector<16xi32>
    %broadcast_in_dim3A_580 = arith.constant 0 : i32
    %broadcast_in_dim3A_581 = vector.broadcast %broadcast_in_dim3A_580 : i32 to vector<16xi32>
    %broadcast_in_dim3A_582 = arith.constant 1 : i32
    %broadcast_in_dim3A_583 = vector.broadcast %broadcast_in_dim3A_582 : i32 to vector<16xi32>
    %ge3A_584 = arith.constant 1.000000e+00 : f32
    %ge3A_585 = vector.broadcast %ge3A_584 : f32 to vector<16xf32>
    %ge3A_586 = arith.cmpf oge, %get3A_576, %ge3A_585 : vector<16xf32>
    %add3A_587 = arith.addi %broadcast_in_dim3A_581, %broadcast_in_dim3A_583 : vector<16xi32>
    %select_n3A_588 = arith.select %ge3A_586, %add3A_587, %broadcast_in_dim3A_581 : vector<16xi1>, vector<16xi32>
    %ge3A_589 = arith.constant 1.100000e+01 : f32
    %ge3A_590 = vector.broadcast %ge3A_589 : f32 to vector<16xf32>
    %ge3A_591 = arith.cmpf oge, %get3A_576, %ge3A_590 : vector<16xf32>
    %add3A_592 = arith.addi %select_n3A_588, %broadcast_in_dim3A_583 : vector<16xi32>
    %select_n3A_593 = arith.select %ge3A_591, %add3A_592, %select_n3A_588 : vector<16xi1>, vector<16xi32>
    %ge3A_594 = arith.constant 2.100000e+01 : f32
    %ge3A_595 = vector.broadcast %ge3A_594 : f32 to vector<16xf32>
    %ge3A_596 = arith.cmpf oge, %get3A_576, %ge3A_595 : vector<16xf32>
    %add3A_597 = arith.addi %select_n3A_593, %broadcast_in_dim3A_583 : vector<16xi32>
    %select_n3A_598 = arith.select %ge3A_596, %add3A_597, %select_n3A_593 : vector<16xi1>, vector<16xi32>
    %ge3A_599 = arith.constant 3.100000e+01 : f32
    %ge3A_600 = vector.broadcast %ge3A_599 : f32 to vector<16xf32>
    %ge3A_601 = arith.cmpf oge, %get3A_576, %ge3A_600 : vector<16xf32>
    %add3A_602 = arith.addi %select_n3A_598, %broadcast_in_dim3A_583 : vector<16xi32>
    %select_n3A_603 = arith.select %ge3A_601, %add3A_602, %select_n3A_598 : vector<16xi1>, vector<16xi32>
    %ge3A_604 = arith.constant 4.100000e+01 : f32
    %ge3A_605 = vector.broadcast %ge3A_604 : f32 to vector<16xf32>
    %ge3A_606 = arith.cmpf oge, %get3A_576, %ge3A_605 : vector<16xf32>
    %add3A_607 = arith.addi %select_n3A_603, %broadcast_in_dim3A_583 : vector<16xi32>
    %select_n3A_608 = arith.select %ge3A_606, %add3A_607, %select_n3A_603 : vector<16xi1>, vector<16xi32>
    %ge3A_609 = arith.constant 5.100000e+01 : f32
    %ge3A_610 = vector.broadcast %ge3A_609 : f32 to vector<16xf32>
    %ge3A_611 = arith.cmpf oge, %get3A_576, %ge3A_610 : vector<16xf32>
    %add3A_612 = arith.addi %select_n3A_608, %broadcast_in_dim3A_583 : vector<16xi32>
    %select_n3A_613 = arith.select %ge3A_611, %add3A_612, %select_n3A_608 : vector<16xi1>, vector<16xi32>
    %ge3A_614 = arith.constant 6.100000e+01 : f32
    %ge3A_615 = vector.broadcast %ge3A_614 : f32 to vector<16xf32>
    %ge3A_616 = arith.cmpf oge, %get3A_576, %ge3A_615 : vector<16xf32>
    %add3A_617 = arith.addi %select_n3A_613, %broadcast_in_dim3A_583 : vector<16xi32>
    %select_n3A_618 = arith.select %ge3A_616, %add3A_617, %select_n3A_613 : vector<16xi1>, vector<16xi32>
    %ge3A_619 = arith.constant 7.100000e+01 : f32
    %ge3A_620 = vector.broadcast %ge3A_619 : f32 to vector<16xf32>
    %ge3A_621 = arith.cmpf oge, %get3A_576, %ge3A_620 : vector<16xf32>
    %add3A_622 = arith.addi %select_n3A_618, %broadcast_in_dim3A_583 : vector<16xi32>
    %select_n3A_623 = arith.select %ge3A_621, %add3A_622, %select_n3A_618 : vector<16xi1>, vector<16xi32>
    %ge3A_624 = arith.constant 8.100000e+01 : f32
    %ge3A_625 = vector.broadcast %ge3A_624 : f32 to vector<16xf32>
    %ge3A_626 = arith.cmpf oge, %get3A_576, %ge3A_625 : vector<16xf32>
    %add3A_627 = arith.addi %select_n3A_623, %broadcast_in_dim3A_583 : vector<16xi32>
    %select_n3A_628 = arith.select %ge3A_626, %add3A_627, %select_n3A_623 : vector<16xi1>, vector<16xi32>
    %ge3A_629 = arith.constant 9.100000e+01 : f32
    %ge3A_630 = vector.broadcast %ge3A_629 : f32 to vector<16xf32>
    %ge3A_631 = arith.cmpf oge, %get3A_576, %ge3A_630 : vector<16xf32>
    %add3A_632 = arith.addi %select_n3A_628, %broadcast_in_dim3A_583 : vector<16xi32>
    %select_n3A_633 = arith.select %ge3A_631, %add3A_632, %select_n3A_628 : vector<16xi1>, vector<16xi32>
    %mul3A_634 = arith.constant 128 : i32
    %mul3A_635 = vector.broadcast %mul3A_634 : i32 to vector<16xi32>
    %mul3A_636 = arith.muli %select_n3A_633, %mul3A_635 : vector<16xi32>
    %add3A_637 = arith.addi %get3A_579, %mul3A_636 : vector<16xi32>
    %swap3A_638 = arith.constant 1 : i32
    %swap3A_639 = arith.index_cast %swap3A_638 : i32 to index
    %swap3A_640 = arith.constant 0 : index
    %swap3A_641 = tpu.vector_load %arg8[%swap3A_639, %swap3A_640] {strides = array<i32>} : memref<4x128xi32, #tpu.memory_space<vmem>>, vector<1x16xi32>,
    %swap3A_642 = vector.shape_cast %swap3A_641 : vector<1x16xi32> to vector<16xi32>
    %swap3A_643 = vector.shape_cast %add3A_637 : vector<16xi32> to vector<1x16xi32>
    tpu.vector_store %arg8[%swap3A_639, %swap3A_640], %swap3A_643 {strides = array<i32>} : memref<4x128xi32, #tpu.memory_space<vmem>>, vector<1x16xi32>,
    %get3A_644 = arith.constant 144 : index
    %get3A_645 = tpu.vector_load %arg7[%get3A_644] {strides = array<i32>} : memref<512xf32, #tpu.memory_space<vmem>>, vector<16xf32>,
    %get3A_646 = vector.shape_cast %get3A_645 : vector<16xf32> to vector<16xf32>
    %get3A_647 = arith.constant 144 : index
    %get3A_648 = tpu.vector_load %arg6[%get3A_647] {strides = array<i32>} : memref<512xi32, #tpu.memory_space<vmem>>, vector<16xi32>,
    %get3A_649 = vector.shape_cast %get3A_648 : vector<16xi32> to vector<16xi32>
    %broadcast_in_dim3A_650 = arith.constant 0 : i32
    %broadcast_in_dim3A_651 = vector.broadcast %broadcast_in_dim3A_650 : i32 to vector<16xi32>
    %broadcast_in_dim3A_652 = arith.constant 1 : i32
    %broadcast_in_dim3A_653 = vector.broadcast %broadcast_in_dim3A_652 : i32 to vector<16xi32>
    %ge3A_654 = arith.constant 1.000000e+00 : f32
    %ge3A_655 = vector.broadcast %ge3A_654 : f32 to vector<16xf32>
    %ge3A_656 = arith.cmpf oge, %get3A_646, %ge3A_655 : vector<16xf32>
    %add3A_657 = arith.addi %broadcast_in_dim3A_651, %broadcast_in_dim3A_653 : vector<16xi32>
    %select_n3A_658 = arith.select %ge3A_656, %add3A_657, %broadcast_in_dim3A_651 : vector<16xi1>, vector<16xi32>
    %ge3A_659 = arith.constant 1.100000e+01 : f32
    %ge3A_660 = vector.broadcast %ge3A_659 : f32 to vector<16xf32>
    %ge3A_661 = arith.cmpf oge, %get3A_646, %ge3A_660 : vector<16xf32>
    %add3A_662 = arith.addi %select_n3A_658, %broadcast_in_dim3A_653 : vector<16xi32>
    %select_n3A_663 = arith.select %ge3A_661, %add3A_662, %select_n3A_658 : vector<16xi1>, vector<16xi32>
    %ge3A_664 = arith.constant 2.100000e+01 : f32
    %ge3A_665 = vector.broadcast %ge3A_664 : f32 to vector<16xf32>
    %ge3A_666 = arith.cmpf oge, %get3A_646, %ge3A_665 : vector<16xf32>
    %add3A_667 = arith.addi %select_n3A_663, %broadcast_in_dim3A_653 : vector<16xi32>
    %select_n3A_668 = arith.select %ge3A_666, %add3A_667, %select_n3A_663 : vector<16xi1>, vector<16xi32>
    %ge3A_669 = arith.constant 3.100000e+01 : f32
    %ge3A_670 = vector.broadcast %ge3A_669 : f32 to vector<16xf32>
    %ge3A_671 = arith.cmpf oge, %get3A_646, %ge3A_670 : vector<16xf32>
    %add3A_672 = arith.addi %select_n3A_668, %broadcast_in_dim3A_653 : vector<16xi32>
    %select_n3A_673 = arith.select %ge3A_671, %add3A_672, %select_n3A_668 : vector<16xi1>, vector<16xi32>
    %ge3A_674 = arith.constant 4.100000e+01 : f32
    %ge3A_675 = vector.broadcast %ge3A_674 : f32 to vector<16xf32>
    %ge3A_676 = arith.cmpf oge, %get3A_646, %ge3A_675 : vector<16xf32>
    %add3A_677 = arith.addi %select_n3A_673, %broadcast_in_dim3A_653 : vector<16xi32>
    %select_n3A_678 = arith.select %ge3A_676, %add3A_677, %select_n3A_673 : vector<16xi1>, vector<16xi32>
    %ge3A_679 = arith.constant 5.100000e+01 : f32
    %ge3A_680 = vector.broadcast %ge3A_679 : f32 to vector<16xf32>
    %ge3A_681 = arith.cmpf oge, %get3A_646, %ge3A_680 : vector<16xf32>
    %add3A_682 = arith.addi %select_n3A_678, %broadcast_in_dim3A_653 : vector<16xi32>
    %select_n3A_683 = arith.select %ge3A_681, %add3A_682, %select_n3A_678 : vector<16xi1>, vector<16xi32>
    %ge3A_684 = arith.constant 6.100000e+01 : f32
    %ge3A_685 = vector.broadcast %ge3A_684 : f32 to vector<16xf32>
    %ge3A_686 = arith.cmpf oge, %get3A_646, %ge3A_685 : vector<16xf32>
    %add3A_687 = arith.addi %select_n3A_683, %broadcast_in_dim3A_653 : vector<16xi32>
    %select_n3A_688 = arith.select %ge3A_686, %add3A_687, %select_n3A_683 : vector<16xi1>, vector<16xi32>
    %ge3A_689 = arith.constant 7.100000e+01 : f32
    %ge3A_690 = vector.broadcast %ge3A_689 : f32 to vector<16xf32>
    %ge3A_691 = arith.cmpf oge, %get3A_646, %ge3A_690 : vector<16xf32>
    %add3A_692 = arith.addi %select_n3A_688, %broadcast_in_dim3A_653 : vector<16xi32>
    %select_n3A_693 = arith.select %ge3A_691, %add3A_692, %select_n3A_688 : vector<16xi1>, vector<16xi32>
    %ge3A_694 = arith.constant 8.100000e+01 : f32
    %ge3A_695 = vector.broadcast %ge3A_694 : f32 to vector<16xf32>
    %ge3A_696 = arith.cmpf oge, %get3A_646, %ge3A_695 : vector<16xf32>
    %add3A_697 = arith.addi %select_n3A_693, %broadcast_in_dim3A_653 : vector<16xi32>
    %select_n3A_698 = arith.select %ge3A_696, %add3A_697, %select_n3A_693 : vector<16xi1>, vector<16xi32>
    %ge3A_699 = arith.constant 9.100000e+01 : f32
    %ge3A_700 = vector.broadcast %ge3A_699 : f32 to vector<16xf32>
    %ge3A_701 = arith.cmpf oge, %get3A_646, %ge3A_700 : vector<16xf32>
    %add3A_702 = arith.addi %select_n3A_698, %broadcast_in_dim3A_653 : vector<16xi32>
    %select_n3A_703 = arith.select %ge3A_701, %add3A_702, %select_n3A_698 : vector<16xi1>, vector<16xi32>
    %mul3A_704 = arith.constant 128 : i32
    %mul3A_705 = vector.broadcast %mul3A_704 : i32 to vector<16xi32>
    %mul3A_706 = arith.muli %select_n3A_703, %mul3A_705 : vector<16xi32>
    %add3A_707 = arith.addi %get3A_649, %mul3A_706 : vector<16xi32>
    %swap3A_708 = arith.constant 1 : i32
    %swap3A_709 = arith.index_cast %swap3A_708 : i32 to index
    %swap3A_710 = arith.constant 16 : index
    %swap3A_711 = tpu.vector_load %arg8[%swap3A_709, %swap3A_710] {strides = array<i32>} : memref<4x128xi32, #tpu.memory_space<vmem>>, vector<1x16xi32>,
    %swap3A_712 = vector.shape_cast %swap3A_711 : vector<1x16xi32> to vector<16xi32>
    %swap3A_713 = vector.shape_cast %add3A_707 : vector<16xi32> to vector<1x16xi32>
    tpu.vector_store %arg8[%swap3A_709, %swap3A_710], %swap3A_713 {strides = array<i32>} : memref<4x128xi32, #tpu.memory_space<vmem>>, vector<1x16xi32>,
    %get3A_714 = arith.constant 160 : index
    %get3A_715 = tpu.vector_load %arg7[%get3A_714] {strides = array<i32>} : memref<512xf32, #tpu.memory_space<vmem>>, vector<16xf32>,
    %get3A_716 = vector.shape_cast %get3A_715 : vector<16xf32> to vector<16xf32>
    %get3A_717 = arith.constant 160 : index
    %get3A_718 = tpu.vector_load %arg6[%get3A_717] {strides = array<i32>} : memref<512xi32, #tpu.memory_space<vmem>>, vector<16xi32>,
    %get3A_719 = vector.shape_cast %get3A_718 : vector<16xi32> to vector<16xi32>
    %broadcast_in_dim3A_720 = arith.constant 0 : i32
    %broadcast_in_dim3A_721 = vector.broadcast %broadcast_in_dim3A_720 : i32 to vector<16xi32>
    %broadcast_in_dim3A_722 = arith.constant 1 : i32
    %broadcast_in_dim3A_723 = vector.broadcast %broadcast_in_dim3A_722 : i32 to vector<16xi32>
    %ge3A_724 = arith.constant 1.000000e+00 : f32
    %ge3A_725 = vector.broadcast %ge3A_724 : f32 to vector<16xf32>
    %ge3A_726 = arith.cmpf oge, %get3A_716, %ge3A_725 : vector<16xf32>
    %add3A_727 = arith.addi %broadcast_in_dim3A_721, %broadcast_in_dim3A_723 : vector<16xi32>
    %select_n3A_728 = arith.select %ge3A_726, %add3A_727, %broadcast_in_dim3A_721 : vector<16xi1>, vector<16xi32>
    %ge3A_729 = arith.constant 1.100000e+01 : f32
    %ge3A_730 = vector.broadcast %ge3A_729 : f32 to vector<16xf32>
    %ge3A_731 = arith.cmpf oge, %get3A_716, %ge3A_730 : vector<16xf32>
    %add3A_732 = arith.addi %select_n3A_728, %broadcast_in_dim3A_723 : vector<16xi32>
    %select_n3A_733 = arith.select %ge3A_731, %add3A_732, %select_n3A_728 : vector<16xi1>, vector<16xi32>
    %ge3A_734 = arith.constant 2.100000e+01 : f32
    %ge3A_735 = vector.broadcast %ge3A_734 : f32 to vector<16xf32>
    %ge3A_736 = arith.cmpf oge, %get3A_716, %ge3A_735 : vector<16xf32>
    %add3A_737 = arith.addi %select_n3A_733, %broadcast_in_dim3A_723 : vector<16xi32>
    %select_n3A_738 = arith.select %ge3A_736, %add3A_737, %select_n3A_733 : vector<16xi1>, vector<16xi32>
    %ge3A_739 = arith.constant 3.100000e+01 : f32
    %ge3A_740 = vector.broadcast %ge3A_739 : f32 to vector<16xf32>
    %ge3A_741 = arith.cmpf oge, %get3A_716, %ge3A_740 : vector<16xf32>
    %add3A_742 = arith.addi %select_n3A_738, %broadcast_in_dim3A_723 : vector<16xi32>
    %select_n3A_743 = arith.select %ge3A_741, %add3A_742, %select_n3A_738 : vector<16xi1>, vector<16xi32>
    %ge3A_744 = arith.constant 4.100000e+01 : f32
    %ge3A_745 = vector.broadcast %ge3A_744 : f32 to vector<16xf32>
    %ge3A_746 = arith.cmpf oge, %get3A_716, %ge3A_745 : vector<16xf32>
    %add3A_747 = arith.addi %select_n3A_743, %broadcast_in_dim3A_723 : vector<16xi32>
    %select_n3A_748 = arith.select %ge3A_746, %add3A_747, %select_n3A_743 : vector<16xi1>, vector<16xi32>
    %ge3A_749 = arith.constant 5.100000e+01 : f32
    %ge3A_750 = vector.broadcast %ge3A_749 : f32 to vector<16xf32>
    %ge3A_751 = arith.cmpf oge, %get3A_716, %ge3A_750 : vector<16xf32>
    %add3A_752 = arith.addi %select_n3A_748, %broadcast_in_dim3A_723 : vector<16xi32>
    %select_n3A_753 = arith.select %ge3A_751, %add3A_752, %select_n3A_748 : vector<16xi1>, vector<16xi32>
    %ge3A_754 = arith.constant 6.100000e+01 : f32
    %ge3A_755 = vector.broadcast %ge3A_754 : f32 to vector<16xf32>
    %ge3A_756 = arith.cmpf oge, %get3A_716, %ge3A_755 : vector<16xf32>
    %add3A_757 = arith.addi %select_n3A_753, %broadcast_in_dim3A_723 : vector<16xi32>
    %select_n3A_758 = arith.select %ge3A_756, %add3A_757, %select_n3A_753 : vector<16xi1>, vector<16xi32>
    %ge3A_759 = arith.constant 7.100000e+01 : f32
    %ge3A_760 = vector.broadcast %ge3A_759 : f32 to vector<16xf32>
    %ge3A_761 = arith.cmpf oge, %get3A_716, %ge3A_760 : vector<16xf32>
    %add3A_762 = arith.addi %select_n3A_758, %broadcast_in_dim3A_723 : vector<16xi32>
    %select_n3A_763 = arith.select %ge3A_761, %add3A_762, %select_n3A_758 : vector<16xi1>, vector<16xi32>
    %ge3A_764 = arith.constant 8.100000e+01 : f32
    %ge3A_765 = vector.broadcast %ge3A_764 : f32 to vector<16xf32>
    %ge3A_766 = arith.cmpf oge, %get3A_716, %ge3A_765 : vector<16xf32>
    %add3A_767 = arith.addi %select_n3A_763, %broadcast_in_dim3A_723 : vector<16xi32>
    %select_n3A_768 = arith.select %ge3A_766, %add3A_767, %select_n3A_763 : vector<16xi1>, vector<16xi32>
    %ge3A_769 = arith.constant 9.100000e+01 : f32
    %ge3A_770 = vector.broadcast %ge3A_769 : f32 to vector<16xf32>
    %ge3A_771 = arith.cmpf oge, %get3A_716, %ge3A_770 : vector<16xf32>
    %add3A_772 = arith.addi %select_n3A_768, %broadcast_in_dim3A_723 : vector<16xi32>
    %select_n3A_773 = arith.select %ge3A_771, %add3A_772, %select_n3A_768 : vector<16xi1>, vector<16xi32>
    %mul3A_774 = arith.constant 128 : i32
    %mul3A_775 = vector.broadcast %mul3A_774 : i32 to vector<16xi32>
    %mul3A_776 = arith.muli %select_n3A_773, %mul3A_775 : vector<16xi32>
    %add3A_777 = arith.addi %get3A_719, %mul3A_776 : vector<16xi32>
    %swap3A_778 = arith.constant 1 : i32
    %swap3A_779 = arith.index_cast %swap3A_778 : i32 to index
    %swap3A_780 = arith.constant 32 : index
    %swap3A_781 = tpu.vector_load %arg8[%swap3A_779, %swap3A_780] {strides = array<i32>} : memref<4x128xi32, #tpu.memory_space<vmem>>, vector<1x16xi32>,
    %swap3A_782 = vector.shape_cast %swap3A_781 : vector<1x16xi32> to vector<16xi32>
    %swap3A_783 = vector.shape_cast %add3A_777 : vector<16xi32> to vector<1x16xi32>
    tpu.vector_store %arg8[%swap3A_779, %swap3A_780], %swap3A_783 {strides = array<i32>} : memref<4x128xi32, #tpu.memory_space<vmem>>, vector<1x16xi32>,
    %get3A_784 = arith.constant 176 : index
    %get3A_785 = tpu.vector_load %arg7[%get3A_784] {strides = array<i32>} : memref<512xf32, #tpu.memory_space<vmem>>, vector<16xf32>,
    %get3A_786 = vector.shape_cast %get3A_785 : vector<16xf32> to vector<16xf32>
    %get3A_787 = arith.constant 176 : index
    %get3A_788 = tpu.vector_load %arg6[%get3A_787] {strides = array<i32>} : memref<512xi32, #tpu.memory_space<vmem>>, vector<16xi32>,
    %get3A_789 = vector.shape_cast %get3A_788 : vector<16xi32> to vector<16xi32>
    %broadcast_in_dim3A_790 = arith.constant 0 : i32
    %broadcast_in_dim3A_791 = vector.broadcast %broadcast_in_dim3A_790 : i32 to vector<16xi32>
    %broadcast_in_dim3A_792 = arith.constant 1 : i32
    %broadcast_in_dim3A_793 = vector.broadcast %broadcast_in_dim3A_792 : i32 to vector<16xi32>
    %ge3A_794 = arith.constant 1.000000e+00 : f32
    %ge3A_795 = vector.broadcast %ge3A_794 : f32 to vector<16xf32>
    %ge3A_796 = arith.cmpf oge, %get3A_786, %ge3A_795 : vector<16xf32>
    %add3A_797 = arith.addi %broadcast_in_dim3A_791, %broadcast_in_dim3A_793 : vector<16xi32>
    %select_n3A_798 = arith.select %ge3A_796, %add3A_797, %broadcast_in_dim3A_791 : vector<16xi1>, vector<16xi32>
    %ge3A_799 = arith.constant 1.100000e+01 : f32
    %ge3A_800 = vector.broadcast %ge3A_799 : f32 to vector<16xf32>
    %ge3A_801 = arith.cmpf oge, %get3A_786, %ge3A_800 : vector<16xf32>
    %add3A_802 = arith.addi %select_n3A_798, %broadcast_in_dim3A_793 : vector<16xi32>
    %select_n3A_803 = arith.select %ge3A_801, %add3A_802, %select_n3A_798 : vector<16xi1>, vector<16xi32>
    %ge3A_804 = arith.constant 2.100000e+01 : f32
    %ge3A_805 = vector.broadcast %ge3A_804 : f32 to vector<16xf32>
    %ge3A_806 = arith.cmpf oge, %get3A_786, %ge3A_805 : vector<16xf32>
    %add3A_807 = arith.addi %select_n3A_803, %broadcast_in_dim3A_793 : vector<16xi32>
    %select_n3A_808 = arith.select %ge3A_806, %add3A_807, %select_n3A_803 : vector<16xi1>, vector<16xi32>
    %ge3A_809 = arith.constant 3.100000e+01 : f32
    %ge3A_810 = vector.broadcast %ge3A_809 : f32 to vector<16xf32>
    %ge3A_811 = arith.cmpf oge, %get3A_786, %ge3A_810 : vector<16xf32>
    %add3A_812 = arith.addi %select_n3A_808, %broadcast_in_dim3A_793 : vector<16xi32>
    %select_n3A_813 = arith.select %ge3A_811, %add3A_812, %select_n3A_808 : vector<16xi1>, vector<16xi32>
    %ge3A_814 = arith.constant 4.100000e+01 : f32
    %ge3A_815 = vector.broadcast %ge3A_814 : f32 to vector<16xf32>
    %ge3A_816 = arith.cmpf oge, %get3A_786, %ge3A_815 : vector<16xf32>
    %add3A_817 = arith.addi %select_n3A_813, %broadcast_in_dim3A_793 : vector<16xi32>
    %select_n3A_818 = arith.select %ge3A_816, %add3A_817, %select_n3A_813 : vector<16xi1>, vector<16xi32>
    %ge3A_819 = arith.constant 5.100000e+01 : f32
    %ge3A_820 = vector.broadcast %ge3A_819 : f32 to vector<16xf32>
    %ge3A_821 = arith.cmpf oge, %get3A_786, %ge3A_820 : vector<16xf32>
    %add3A_822 = arith.addi %select_n3A_818, %broadcast_in_dim3A_793 : vector<16xi32>
    %select_n3A_823 = arith.select %ge3A_821, %add3A_822, %select_n3A_818 : vector<16xi1>, vector<16xi32>
    %ge3A_824 = arith.constant 6.100000e+01 : f32
    %ge3A_825 = vector.broadcast %ge3A_824 : f32 to vector<16xf32>
    %ge3A_826 = arith.cmpf oge, %get3A_786, %ge3A_825 : vector<16xf32>
    %add3A_827 = arith.addi %select_n3A_823, %broadcast_in_dim3A_793 : vector<16xi32>
    %select_n3A_828 = arith.select %ge3A_826, %add3A_827, %select_n3A_823 : vector<16xi1>, vector<16xi32>
    %ge3A_829 = arith.constant 7.100000e+01 : f32
    %ge3A_830 = vector.broadcast %ge3A_829 : f32 to vector<16xf32>
    %ge3A_831 = arith.cmpf oge, %get3A_786, %ge3A_830 : vector<16xf32>
    %add3A_832 = arith.addi %select_n3A_828, %broadcast_in_dim3A_793 : vector<16xi32>
    %select_n3A_833 = arith.select %ge3A_831, %add3A_832, %select_n3A_828 : vector<16xi1>, vector<16xi32>
    %ge3A_834 = arith.constant 8.100000e+01 : f32
    %ge3A_835 = vector.broadcast %ge3A_834 : f32 to vector<16xf32>
    %ge3A_836 = arith.cmpf oge, %get3A_786, %ge3A_835 : vector<16xf32>
    %add3A_837 = arith.addi %select_n3A_833, %broadcast_in_dim3A_793 : vector<16xi32>
    %select_n3A_838 = arith.select %ge3A_836, %add3A_837, %select_n3A_833 : vector<16xi1>, vector<16xi32>
    %ge3A_839 = arith.constant 9.100000e+01 : f32
    %ge3A_840 = vector.broadcast %ge3A_839 : f32 to vector<16xf32>
    %ge3A_841 = arith.cmpf oge, %get3A_786, %ge3A_840 : vector<16xf32>
    %add3A_842 = arith.addi %select_n3A_838, %broadcast_in_dim3A_793 : vector<16xi32>
    %select_n3A_843 = arith.select %ge3A_841, %add3A_842, %select_n3A_838 : vector<16xi1>, vector<16xi32>
    %mul3A_844 = arith.constant 128 : i32
    %mul3A_845 = vector.broadcast %mul3A_844 : i32 to vector<16xi32>
    %mul3A_846 = arith.muli %select_n3A_843, %mul3A_845 : vector<16xi32>
    %add3A_847 = arith.addi %get3A_789, %mul3A_846 : vector<16xi32>
    %swap3A_848 = arith.constant 1 : i32
    %swap3A_849 = arith.index_cast %swap3A_848 : i32 to index
    %swap3A_850 = arith.constant 48 : index
    %swap3A_851 = tpu.vector_load %arg8[%swap3A_849, %swap3A_850] {strides = array<i32>} : memref<4x128xi32, #tpu.memory_space<vmem>>, vector<1x16xi32>,
    %swap3A_852 = vector.shape_cast %swap3A_851 : vector<1x16xi32> to vector<16xi32>
    %swap3A_853 = vector.shape_cast %add3A_847 : vector<16xi32> to vector<1x16xi32>
    tpu.vector_store %arg8[%swap3A_849, %swap3A_850], %swap3A_853 {strides = array<i32>} : memref<4x128xi32, #tpu.memory_space<vmem>>, vector<1x16xi32>,
    %get3A_854 = arith.constant 192 : index
    %get3A_855 = tpu.vector_load %arg7[%get3A_854] {strides = array<i32>} : memref<512xf32, #tpu.memory_space<vmem>>, vector<16xf32>,
    %get3A_856 = vector.shape_cast %get3A_855 : vector<16xf32> to vector<16xf32>
    %get3A_857 = arith.constant 192 : index
    %get3A_858 = tpu.vector_load %arg6[%get3A_857] {strides = array<i32>} : memref<512xi32, #tpu.memory_space<vmem>>, vector<16xi32>,
    %get3A_859 = vector.shape_cast %get3A_858 : vector<16xi32> to vector<16xi32>
    %broadcast_in_dim3A_860 = arith.constant 0 : i32
    %broadcast_in_dim3A_861 = vector.broadcast %broadcast_in_dim3A_860 : i32 to vector<16xi32>
    %broadcast_in_dim3A_862 = arith.constant 1 : i32
    %broadcast_in_dim3A_863 = vector.broadcast %broadcast_in_dim3A_862 : i32 to vector<16xi32>
    %ge3A_864 = arith.constant 1.000000e+00 : f32
    %ge3A_865 = vector.broadcast %ge3A_864 : f32 to vector<16xf32>
    %ge3A_866 = arith.cmpf oge, %get3A_856, %ge3A_865 : vector<16xf32>
    %add3A_867 = arith.addi %broadcast_in_dim3A_861, %broadcast_in_dim3A_863 : vector<16xi32>
    %select_n3A_868 = arith.select %ge3A_866, %add3A_867, %broadcast_in_dim3A_861 : vector<16xi1>, vector<16xi32>
    %ge3A_869 = arith.constant 1.100000e+01 : f32
    %ge3A_870 = vector.broadcast %ge3A_869 : f32 to vector<16xf32>
    %ge3A_871 = arith.cmpf oge, %get3A_856, %ge3A_870 : vector<16xf32>
    %add3A_872 = arith.addi %select_n3A_868, %broadcast_in_dim3A_863 : vector<16xi32>
    %select_n3A_873 = arith.select %ge3A_871, %add3A_872, %select_n3A_868 : vector<16xi1>, vector<16xi32>
    %ge3A_874 = arith.constant 2.100000e+01 : f32
    %ge3A_875 = vector.broadcast %ge3A_874 : f32 to vector<16xf32>
    %ge3A_876 = arith.cmpf oge, %get3A_856, %ge3A_875 : vector<16xf32>
    %add3A_877 = arith.addi %select_n3A_873, %broadcast_in_dim3A_863 : vector<16xi32>
    %select_n3A_878 = arith.select %ge3A_876, %add3A_877, %select_n3A_873 : vector<16xi1>, vector<16xi32>
    %ge3A_879 = arith.constant 3.100000e+01 : f32
    %ge3A_880 = vector.broadcast %ge3A_879 : f32 to vector<16xf32>
    %ge3A_881 = arith.cmpf oge, %get3A_856, %ge3A_880 : vector<16xf32>
    %add3A_882 = arith.addi %select_n3A_878, %broadcast_in_dim3A_863 : vector<16xi32>
    %select_n3A_883 = arith.select %ge3A_881, %add3A_882, %select_n3A_878 : vector<16xi1>, vector<16xi32>
    %ge3A_884 = arith.constant 4.100000e+01 : f32
    %ge3A_885 = vector.broadcast %ge3A_884 : f32 to vector<16xf32>
    %ge3A_886 = arith.cmpf oge, %get3A_856, %ge3A_885 : vector<16xf32>
    %add3A_887 = arith.addi %select_n3A_883, %broadcast_in_dim3A_863 : vector<16xi32>
    %select_n3A_888 = arith.select %ge3A_886, %add3A_887, %select_n3A_883 : vector<16xi1>, vector<16xi32>
    %ge3A_889 = arith.constant 5.100000e+01 : f32
    %ge3A_890 = vector.broadcast %ge3A_889 : f32 to vector<16xf32>
    %ge3A_891 = arith.cmpf oge, %get3A_856, %ge3A_890 : vector<16xf32>
    %add3A_892 = arith.addi %select_n3A_888, %broadcast_in_dim3A_863 : vector<16xi32>
    %select_n3A_893 = arith.select %ge3A_891, %add3A_892, %select_n3A_888 : vector<16xi1>, vector<16xi32>
    %ge3A_894 = arith.constant 6.100000e+01 : f32
    %ge3A_895 = vector.broadcast %ge3A_894 : f32 to vector<16xf32>
    %ge3A_896 = arith.cmpf oge, %get3A_856, %ge3A_895 : vector<16xf32>
    %add3A_897 = arith.addi %select_n3A_893, %broadcast_in_dim3A_863 : vector<16xi32>
    %select_n3A_898 = arith.select %ge3A_896, %add3A_897, %select_n3A_893 : vector<16xi1>, vector<16xi32>
    %ge3A_899 = arith.constant 7.100000e+01 : f32
    %ge3A_900 = vector.broadcast %ge3A_899 : f32 to vector<16xf32>
    %ge3A_901 = arith.cmpf oge, %get3A_856, %ge3A_900 : vector<16xf32>
    %add3A_902 = arith.addi %select_n3A_898, %broadcast_in_dim3A_863 : vector<16xi32>
    %select_n3A_903 = arith.select %ge3A_901, %add3A_902, %select_n3A_898 : vector<16xi1>, vector<16xi32>
    %ge3A_904 = arith.constant 8.100000e+01 : f32
    %ge3A_905 = vector.broadcast %ge3A_904 : f32 to vector<16xf32>
    %ge3A_906 = arith.cmpf oge, %get3A_856, %ge3A_905 : vector<16xf32>
    %add3A_907 = arith.addi %select_n3A_903, %broadcast_in_dim3A_863 : vector<16xi32>
    %select_n3A_908 = arith.select %ge3A_906, %add3A_907, %select_n3A_903 : vector<16xi1>, vector<16xi32>
    %ge3A_909 = arith.constant 9.100000e+01 : f32
    %ge3A_910 = vector.broadcast %ge3A_909 : f32 to vector<16xf32>
    %ge3A_911 = arith.cmpf oge, %get3A_856, %ge3A_910 : vector<16xf32>
    %add3A_912 = arith.addi %select_n3A_908, %broadcast_in_dim3A_863 : vector<16xi32>
    %select_n3A_913 = arith.select %ge3A_911, %add3A_912, %select_n3A_908 : vector<16xi1>, vector<16xi32>
    %mul3A_914 = arith.constant 128 : i32
    %mul3A_915 = vector.broadcast %mul3A_914 : i32 to vector<16xi32>
    %mul3A_916 = arith.muli %select_n3A_913, %mul3A_915 : vector<16xi32>
    %add3A_917 = arith.addi %get3A_859, %mul3A_916 : vector<16xi32>
    %swap3A_918 = arith.constant 1 : i32
    %swap3A_919 = arith.index_cast %swap3A_918 : i32 to index
    %swap3A_920 = arith.constant 64 : index
    %swap3A_921 = tpu.vector_load %arg8[%swap3A_919, %swap3A_920] {strides = array<i32>} : memref<4x128xi32, #tpu.memory_space<vmem>>, vector<1x16xi32>,
    %swap3A_922 = vector.shape_cast %swap3A_921 : vector<1x16xi32> to vector<16xi32>
    %swap3A_923 = vector.shape_cast %add3A_917 : vector<16xi32> to vector<1x16xi32>
    tpu.vector_store %arg8[%swap3A_919, %swap3A_920], %swap3A_923 {strides = array<i32>} : memref<4x128xi32, #tpu.memory_space<vmem>>, vector<1x16xi32>,
    %get3A_924 = arith.constant 208 : index
    %get3A_925 = tpu.vector_load %arg7[%get3A_924] {strides = array<i32>} : memref<512xf32, #tpu.memory_space<vmem>>, vector<16xf32>,
    %get3A_926 = vector.shape_cast %get3A_925 : vector<16xf32> to vector<16xf32>
    %get3A_927 = arith.constant 208 : index
    %get3A_928 = tpu.vector_load %arg6[%get3A_927] {strides = array<i32>} : memref<512xi32, #tpu.memory_space<vmem>>, vector<16xi32>,
    %get3A_929 = vector.shape_cast %get3A_928 : vector<16xi32> to vector<16xi32>
    %broadcast_in_dim3A_930 = arith.constant 0 : i32
    %broadcast_in_dim3A_931 = vector.broadcast %broadcast_in_dim3A_930 : i32 to vector<16xi32>
    %broadcast_in_dim3A_932 = arith.constant 1 : i32
    %broadcast_in_dim3A_933 = vector.broadcast %broadcast_in_dim3A_932 : i32 to vector<16xi32>
    %ge3A_934 = arith.constant 1.000000e+00 : f32
    %ge3A_935 = vector.broadcast %ge3A_934 : f32 to vector<16xf32>
    %ge3A_936 = arith.cmpf oge, %get3A_926, %ge3A_935 : vector<16xf32>
    %add3A_937 = arith.addi %broadcast_in_dim3A_931, %broadcast_in_dim3A_933 : vector<16xi32>
    %select_n3A_938 = arith.select %ge3A_936, %add3A_937, %broadcast_in_dim3A_931 : vector<16xi1>, vector<16xi32>
    %ge3A_939 = arith.constant 1.100000e+01 : f32
    %ge3A_940 = vector.broadcast %ge3A_939 : f32 to vector<16xf32>
    %ge3A_941 = arith.cmpf oge, %get3A_926, %ge3A_940 : vector<16xf32>
    %add3A_942 = arith.addi %select_n3A_938, %broadcast_in_dim3A_933 : vector<16xi32>
    %select_n3A_943 = arith.select %ge3A_941, %add3A_942, %select_n3A_938 : vector<16xi1>, vector<16xi32>
    %ge3A_944 = arith.constant 2.100000e+01 : f32
    %ge3A_945 = vector.broadcast %ge3A_944 : f32 to vector<16xf32>
    %ge3A_946 = arith.cmpf oge, %get3A_926, %ge3A_945 : vector<16xf32>
    %add3A_947 = arith.addi %select_n3A_943, %broadcast_in_dim3A_933 : vector<16xi32>
    %select_n3A_948 = arith.select %ge3A_946, %add3A_947, %select_n3A_943 : vector<16xi1>, vector<16xi32>
    %ge3A_949 = arith.constant 3.100000e+01 : f32
    %ge3A_950 = vector.broadcast %ge3A_949 : f32 to vector<16xf32>
    %ge3A_951 = arith.cmpf oge, %get3A_926, %ge3A_950 : vector<16xf32>
    %add3A_952 = arith.addi %select_n3A_948, %broadcast_in_dim3A_933 : vector<16xi32>
    %select_n3A_953 = arith.select %ge3A_951, %add3A_952, %select_n3A_948 : vector<16xi1>, vector<16xi32>
    %ge3A_954 = arith.constant 4.100000e+01 : f32
    %ge3A_955 = vector.broadcast %ge3A_954 : f32 to vector<16xf32>
    %ge3A_956 = arith.cmpf oge, %get3A_926, %ge3A_955 : vector<16xf32>
    %add3A_957 = arith.addi %select_n3A_953, %broadcast_in_dim3A_933 : vector<16xi32>
    %select_n3A_958 = arith.select %ge3A_956, %add3A_957, %select_n3A_953 : vector<16xi1>, vector<16xi32>
    %ge3A_959 = arith.constant 5.100000e+01 : f32
    %ge3A_960 = vector.broadcast %ge3A_959 : f32 to vector<16xf32>
    %ge3A_961 = arith.cmpf oge, %get3A_926, %ge3A_960 : vector<16xf32>
    %add3A_962 = arith.addi %select_n3A_958, %broadcast_in_dim3A_933 : vector<16xi32>
    %select_n3A_963 = arith.select %ge3A_961, %add3A_962, %select_n3A_958 : vector<16xi1>, vector<16xi32>
    %ge3A_964 = arith.constant 6.100000e+01 : f32
    %ge3A_965 = vector.broadcast %ge3A_964 : f32 to vector<16xf32>
    %ge3A_966 = arith.cmpf oge, %get3A_926, %ge3A_965 : vector<16xf32>
    %add3A_967 = arith.addi %select_n3A_963, %broadcast_in_dim3A_933 : vector<16xi32>
    %select_n3A_968 = arith.select %ge3A_966, %add3A_967, %select_n3A_963 : vector<16xi1>, vector<16xi32>
    %ge3A_969 = arith.constant 7.100000e+01 : f32
    %ge3A_970 = vector.broadcast %ge3A_969 : f32 to vector<16xf32>
    %ge3A_971 = arith.cmpf oge, %get3A_926, %ge3A_970 : vector<16xf32>
    %add3A_972 = arith.addi %select_n3A_968, %broadcast_in_dim3A_933 : vector<16xi32>
    %select_n3A_973 = arith.select %ge3A_971, %add3A_972, %select_n3A_968 : vector<16xi1>, vector<16xi32>
    %ge3A_974 = arith.constant 8.100000e+01 : f32
    %ge3A_975 = vector.broadcast %ge3A_974 : f32 to vector<16xf32>
    %ge3A_976 = arith.cmpf oge, %get3A_926, %ge3A_975 : vector<16xf32>
    %add3A_977 = arith.addi %select_n3A_973, %broadcast_in_dim3A_933 : vector<16xi32>
    %select_n3A_978 = arith.select %ge3A_976, %add3A_977, %select_n3A_973 : vector<16xi1>, vector<16xi32>
    %ge3A_979 = arith.constant 9.100000e+01 : f32
    %ge3A_980 = vector.broadcast %ge3A_979 : f32 to vector<16xf32>
    %ge3A_981 = arith.cmpf oge, %get3A_926, %ge3A_980 : vector<16xf32>
    %add3A_982 = arith.addi %select_n3A_978, %broadcast_in_dim3A_933 : vector<16xi32>
    %select_n3A_983 = arith.select %ge3A_981, %add3A_982, %select_n3A_978 : vector<16xi1>, vector<16xi32>
    %mul3A_984 = arith.constant 128 : i32
    %mul3A_985 = vector.broadcast %mul3A_984 : i32 to vector<16xi32>
    %mul3A_986 = arith.muli %select_n3A_983, %mul3A_985 : vector<16xi32>
    %add3A_987 = arith.addi %get3A_929, %mul3A_986 : vector<16xi32>
    %swap3A_988 = arith.constant 1 : i32
    %swap3A_989 = arith.index_cast %swap3A_988 : i32 to index
    %swap3A_990 = arith.constant 80 : index
    %swap3A_991 = tpu.vector_load %arg8[%swap3A_989, %swap3A_990] {strides = array<i32>} : memref<4x128xi32, #tpu.memory_space<vmem>>, vector<1x16xi32>,
    %swap3A_992 = vector.shape_cast %swap3A_991 : vector<1x16xi32> to vector<16xi32>
    %swap3A_993 = vector.shape_cast %add3A_987 : vector<16xi32> to vector<1x16xi32>
    tpu.vector_store %arg8[%swap3A_989, %swap3A_990], %swap3A_993 {strides = array<i32>} : memref<4x128xi32, #tpu.memory_space<vmem>>, vector<1x16xi32>,
    %get3A_994 = arith.constant 224 : index
    %get3A_995 = tpu.vector_load %arg7[%get3A_994] {strides = array<i32>} : memref<512xf32, #tpu.memory_space<vmem>>, vector<16xf32>,
    %get3A_996 = vector.shape_cast %get3A_995 : vector<16xf32> to vector<16xf32>
    %get3A_997 = arith.constant 224 : index
    %get3A_998 = tpu.vector_load %arg6[%get3A_997] {strides = array<i32>} : memref<512xi32, #tpu.memory_space<vmem>>, vector<16xi32>,
    %get3A_999 = vector.shape_cast %get3A_998 : vector<16xi32> to vector<16xi32>
    %broadcast_in_dim3A_1000 = arith.constant 0 : i32
    %broadcast_in_dim3A_1001 = vector.broadcast %broadcast_in_dim3A_1000 : i32 to vector<16xi32>
    %broadcast_in_dim3A_1002 = arith.constant 1 : i32
    %broadcast_in_dim3A_1003 = vector.broadcast %broadcast_in_dim3A_1002 : i32 to vector<16xi32>
    %ge3A_1004 = arith.constant 1.000000e+00 : f32
    %ge3A_1005 = vector.broadcast %ge3A_1004 : f32 to vector<16xf32>
    %ge3A_1006 = arith.cmpf oge, %get3A_996, %ge3A_1005 : vector<16xf32>
    %add3A_1007 = arith.addi %broadcast_in_dim3A_1001, %broadcast_in_dim3A_1003 : vector<16xi32>
    %select_n3A_1008 = arith.select %ge3A_1006, %add3A_1007, %broadcast_in_dim3A_1001 : vector<16xi1>, vector<16xi32>
    %ge3A_1009 = arith.constant 1.100000e+01 : f32
    %ge3A_1010 = vector.broadcast %ge3A_1009 : f32 to vector<16xf32>
    %ge3A_1011 = arith.cmpf oge, %get3A_996, %ge3A_1010 : vector<16xf32>
    %add3A_1012 = arith.addi %select_n3A_1008, %broadcast_in_dim3A_1003 : vector<16xi32>
    %select_n3A_1013 = arith.select %ge3A_1011, %add3A_1012, %select_n3A_1008 : vector<16xi1>, vector<16xi32>
    %ge3A_1014 = arith.constant 2.100000e+01 : f32
    %ge3A_1015 = vector.broadcast %ge3A_1014 : f32 to vector<16xf32>
    %ge3A_1016 = arith.cmpf oge, %get3A_996, %ge3A_1015 : vector<16xf32>
    %add3A_1017 = arith.addi %select_n3A_1013, %broadcast_in_dim3A_1003 : vector<16xi32>
    %select_n3A_1018 = arith.select %ge3A_1016, %add3A_1017, %select_n3A_1013 : vector<16xi1>, vector<16xi32>
    %ge3A_1019 = arith.constant 3.100000e+01 : f32
    %ge3A_1020 = vector.broadcast %ge3A_1019 : f32 to vector<16xf32>
    %ge3A_1021 = arith.cmpf oge, %get3A_996, %ge3A_1020 : vector<16xf32>
    %add3A_1022 = arith.addi %select_n3A_1018, %broadcast_in_dim3A_1003 : vector<16xi32>
    %select_n3A_1023 = arith.select %ge3A_1021, %add3A_1022, %select_n3A_1018 : vector<16xi1>, vector<16xi32>
    %ge3A_1024 = arith.constant 4.100000e+01 : f32
    %ge3A_1025 = vector.broadcast %ge3A_1024 : f32 to vector<16xf32>
    %ge3A_1026 = arith.cmpf oge, %get3A_996, %ge3A_1025 : vector<16xf32>
    %add3A_1027 = arith.addi %select_n3A_1023, %broadcast_in_dim3A_1003 : vector<16xi32>
    %select_n3A_1028 = arith.select %ge3A_1026, %add3A_1027, %select_n3A_1023 : vector<16xi1>, vector<16xi32>
    %ge3A_1029 = arith.constant 5.100000e+01 : f32
    %ge3A_1030 = vector.broadcast %ge3A_1029 : f32 to vector<16xf32>
    %ge3A_1031 = arith.cmpf oge, %get3A_996, %ge3A_1030 : vector<16xf32>
    %add3A_1032 = arith.addi %select_n3A_1028, %broadcast_in_dim3A_1003 : vector<16xi32>
    %select_n3A_1033 = arith.select %ge3A_1031, %add3A_1032, %select_n3A_1028 : vector<16xi1>, vector<16xi32>
    %ge3A_1034 = arith.constant 6.100000e+01 : f32
    %ge3A_1035 = vector.broadcast %ge3A_1034 : f32 to vector<16xf32>
    %ge3A_1036 = arith.cmpf oge, %get3A_996, %ge3A_1035 : vector<16xf32>
    %add3A_1037 = arith.addi %select_n3A_1033, %broadcast_in_dim3A_1003 : vector<16xi32>
    %select_n3A_1038 = arith.select %ge3A_1036, %add3A_1037, %select_n3A_1033 : vector<16xi1>, vector<16xi32>
    %ge3A_1039 = arith.constant 7.100000e+01 : f32
    %ge3A_1040 = vector.broadcast %ge3A_1039 : f32 to vector<16xf32>
    %ge3A_1041 = arith.cmpf oge, %get3A_996, %ge3A_1040 : vector<16xf32>
    %add3A_1042 = arith.addi %select_n3A_1038, %broadcast_in_dim3A_1003 : vector<16xi32>
    %select_n3A_1043 = arith.select %ge3A_1041, %add3A_1042, %select_n3A_1038 : vector<16xi1>, vector<16xi32>
    %ge3A_1044 = arith.constant 8.100000e+01 : f32
    %ge3A_1045 = vector.broadcast %ge3A_1044 : f32 to vector<16xf32>
    %ge3A_1046 = arith.cmpf oge, %get3A_996, %ge3A_1045 : vector<16xf32>
    %add3A_1047 = arith.addi %select_n3A_1043, %broadcast_in_dim3A_1003 : vector<16xi32>
    %select_n3A_1048 = arith.select %ge3A_1046, %add3A_1047, %select_n3A_1043 : vector<16xi1>, vector<16xi32>
    %ge3A_1049 = arith.constant 9.100000e+01 : f32
    %ge3A_1050 = vector.broadcast %ge3A_1049 : f32 to vector<16xf32>
    %ge3A_1051 = arith.cmpf oge, %get3A_996, %ge3A_1050 : vector<16xf32>
    %add3A_1052 = arith.addi %select_n3A_1048, %broadcast_in_dim3A_1003 : vector<16xi32>
    %select_n3A_1053 = arith.select %ge3A_1051, %add3A_1052, %select_n3A_1048 : vector<16xi1>, vector<16xi32>
    %mul3A_1054 = arith.constant 128 : i32
    %mul3A_1055 = vector.broadcast %mul3A_1054 : i32 to vector<16xi32>
    %mul3A_1056 = arith.muli %select_n3A_1053, %mul3A_1055 : vector<16xi32>
    %add3A_1057 = arith.addi %get3A_999, %mul3A_1056 : vector<16xi32>
    %swap3A_1058 = arith.constant 1 : i32
    %swap3A_1059 = arith.index_cast %swap3A_1058 : i32 to index
    %swap3A_1060 = arith.constant 96 : index
    %swap3A_1061 = tpu.vector_load %arg8[%swap3A_1059, %swap3A_1060] {strides = array<i32>} : memref<4x128xi32, #tpu.memory_space<vmem>>, vector<1x16xi32>,
    %swap3A_1062 = vector.shape_cast %swap3A_1061 : vector<1x16xi32> to vector<16xi32>
    %swap3A_1063 = vector.shape_cast %add3A_1057 : vector<16xi32> to vector<1x16xi32>
    tpu.vector_store %arg8[%swap3A_1059, %swap3A_1060], %swap3A_1063 {strides = array<i32>} : memref<4x128xi32, #tpu.memory_space<vmem>>, vector<1x16xi32>,
    %get3A_1064 = arith.constant 240 : index
    %get3A_1065 = tpu.vector_load %arg7[%get3A_1064] {strides = array<i32>} : memref<512xf32, #tpu.memory_space<vmem>>, vector<16xf32>,
    %get3A_1066 = vector.shape_cast %get3A_1065 : vector<16xf32> to vector<16xf32>
    %get3A_1067 = arith.constant 240 : index
    %get3A_1068 = tpu.vector_load %arg6[%get3A_1067] {strides = array<i32>} : memref<512xi32, #tpu.memory_space<vmem>>, vector<16xi32>,
    %get3A_1069 = vector.shape_cast %get3A_1068 : vector<16xi32> to vector<16xi32>
    %broadcast_in_dim3A_1070 = arith.constant 0 : i32
    %broadcast_in_dim3A_1071 = vector.broadcast %broadcast_in_dim3A_1070 : i32 to vector<16xi32>
    %broadcast_in_dim3A_1072 = arith.constant 1 : i32
    %broadcast_in_dim3A_1073 = vector.broadcast %broadcast_in_dim3A_1072 : i32 to vector<16xi32>
    %ge3A_1074 = arith.constant 1.000000e+00 : f32
    %ge3A_1075 = vector.broadcast %ge3A_1074 : f32 to vector<16xf32>
    %ge3A_1076 = arith.cmpf oge, %get3A_1066, %ge3A_1075 : vector<16xf32>
    %add3A_1077 = arith.addi %broadcast_in_dim3A_1071, %broadcast_in_dim3A_1073 : vector<16xi32>
    %select_n3A_1078 = arith.select %ge3A_1076, %add3A_1077, %broadcast_in_dim3A_1071 : vector<16xi1>, vector<16xi32>
    %ge3A_1079 = arith.constant 1.100000e+01 : f32
    %ge3A_1080 = vector.broadcast %ge3A_1079 : f32 to vector<16xf32>
    %ge3A_1081 = arith.cmpf oge, %get3A_1066, %ge3A_1080 : vector<16xf32>
    %add3A_1082 = arith.addi %select_n3A_1078, %broadcast_in_dim3A_1073 : vector<16xi32>
    %select_n3A_1083 = arith.select %ge3A_1081, %add3A_1082, %select_n3A_1078 : vector<16xi1>, vector<16xi32>
    %ge3A_1084 = arith.constant 2.100000e+01 : f32
    %ge3A_1085 = vector.broadcast %ge3A_1084 : f32 to vector<16xf32>
    %ge3A_1086 = arith.cmpf oge, %get3A_1066, %ge3A_1085 : vector<16xf32>
    %add3A_1087 = arith.addi %select_n3A_1083, %broadcast_in_dim3A_1073 : vector<16xi32>
    %select_n3A_1088 = arith.select %ge3A_1086, %add3A_1087, %select_n3A_1083 : vector<16xi1>, vector<16xi32>
    %ge3A_1089 = arith.constant 3.100000e+01 : f32
    %ge3A_1090 = vector.broadcast %ge3A_1089 : f32 to vector<16xf32>
    %ge3A_1091 = arith.cmpf oge, %get3A_1066, %ge3A_1090 : vector<16xf32>
    %add3A_1092 = arith.addi %select_n3A_1088, %broadcast_in_dim3A_1073 : vector<16xi32>
    %select_n3A_1093 = arith.select %ge3A_1091, %add3A_1092, %select_n3A_1088 : vector<16xi1>, vector<16xi32>
    %ge3A_1094 = arith.constant 4.100000e+01 : f32
    %ge3A_1095 = vector.broadcast %ge3A_1094 : f32 to vector<16xf32>
    %ge3A_1096 = arith.cmpf oge, %get3A_1066, %ge3A_1095 : vector<16xf32>
    %add3A_1097 = arith.addi %select_n3A_1093, %broadcast_in_dim3A_1073 : vector<16xi32>
    %select_n3A_1098 = arith.select %ge3A_1096, %add3A_1097, %select_n3A_1093 : vector<16xi1>, vector<16xi32>
    %ge3A_1099 = arith.constant 5.100000e+01 : f32
    %ge3A_1100 = vector.broadcast %ge3A_1099 : f32 to vector<16xf32>
    %ge3A_1101 = arith.cmpf oge, %get3A_1066, %ge3A_1100 : vector<16xf32>
    %add3A_1102 = arith.addi %select_n3A_1098, %broadcast_in_dim3A_1073 : vector<16xi32>
    %select_n3A_1103 = arith.select %ge3A_1101, %add3A_1102, %select_n3A_1098 : vector<16xi1>, vector<16xi32>
    %ge3A_1104 = arith.constant 6.100000e+01 : f32
    %ge3A_1105 = vector.broadcast %ge3A_1104 : f32 to vector<16xf32>
    %ge3A_1106 = arith.cmpf oge, %get3A_1066, %ge3A_1105 : vector<16xf32>
    %add3A_1107 = arith.addi %select_n3A_1103, %broadcast_in_dim3A_1073 : vector<16xi32>
    %select_n3A_1108 = arith.select %ge3A_1106, %add3A_1107, %select_n3A_1103 : vector<16xi1>, vector<16xi32>
    %ge3A_1109 = arith.constant 7.100000e+01 : f32
    %ge3A_1110 = vector.broadcast %ge3A_1109 : f32 to vector<16xf32>
    %ge3A_1111 = arith.cmpf oge, %get3A_1066, %ge3A_1110 : vector<16xf32>
    %add3A_1112 = arith.addi %select_n3A_1108, %broadcast_in_dim3A_1073 : vector<16xi32>
    %select_n3A_1113 = arith.select %ge3A_1111, %add3A_1112, %select_n3A_1108 : vector<16xi1>, vector<16xi32>
    %ge3A_1114 = arith.constant 8.100000e+01 : f32
    %ge3A_1115 = vector.broadcast %ge3A_1114 : f32 to vector<16xf32>
    %ge3A_1116 = arith.cmpf oge, %get3A_1066, %ge3A_1115 : vector<16xf32>
    %add3A_1117 = arith.addi %select_n3A_1113, %broadcast_in_dim3A_1073 : vector<16xi32>
    %select_n3A_1118 = arith.select %ge3A_1116, %add3A_1117, %select_n3A_1113 : vector<16xi1>, vector<16xi32>
    %ge3A_1119 = arith.constant 9.100000e+01 : f32
    %ge3A_1120 = vector.broadcast %ge3A_1119 : f32 to vector<16xf32>
    %ge3A_1121 = arith.cmpf oge, %get3A_1066, %ge3A_1120 : vector<16xf32>
    %add3A_1122 = arith.addi %select_n3A_1118, %broadcast_in_dim3A_1073 : vector<16xi32>
    %select_n3A_1123 = arith.select %ge3A_1121, %add3A_1122, %select_n3A_1118 : vector<16xi1>, vector<16xi32>
    %mul3A_1124 = arith.constant 128 : i32
    %mul3A_1125 = vector.broadcast %mul3A_1124 : i32 to vector<16xi32>
    %mul3A_1126 = arith.muli %select_n3A_1123, %mul3A_1125 : vector<16xi32>
    %add3A_1127 = arith.addi %get3A_1069, %mul3A_1126 : vector<16xi32>
    %swap3A_1128 = arith.constant 1 : i32
    %swap3A_1129 = arith.index_cast %swap3A_1128 : i32 to index
    %swap3A_1130 = arith.constant 112 : index
    %swap3A_1131 = tpu.vector_load %arg8[%swap3A_1129, %swap3A_1130] {strides = array<i32>} : memref<4x128xi32, #tpu.memory_space<vmem>>, vector<1x16xi32>,
    %swap3A_1132 = vector.shape_cast %swap3A_1131 : vector<1x16xi32> to vector<16xi32>
    %swap3A_1133 = vector.shape_cast %add3A_1127 : vector<16xi32> to vector<1x16xi32>
    tpu.vector_store %arg8[%swap3A_1129, %swap3A_1130], %swap3A_1133 {strides = array<i32>} : memref<4x128xi32, #tpu.memory_space<vmem>>, vector<1x16xi32>,
    %dma_start3A_1134 = arith.constant 1 : i32
    %dma_start3A_1135 = arith.constant 128 : i32
    %dma_start3A_1136 = arith.constant 0 : i32
    %dma_start3A_1137 = tpu.memref_slice %arg9[%dma_start3A_1135, %dma_start3A_1136] : memref<512x16xf32, #tpu.memory_space<vmem>> -> memref<128x16xf32, #tpu.memory_space<vmem>>
    %dma_start3A_1138 = arith.constant 0 : i32
    %dma_start3A_1139 = tpu.memref_slice %arg8[%dma_start3A_1134, %dma_start3A_1138] : memref<4x128xi32, #tpu.memory_space<vmem>> -> memref<1x128xi32, #tpu.memory_space<vmem>>
    %dma_start3A_1140 = tpu.memref_squeeze %dma_start3A_1139 : memref<1x128xi32, #tpu.memory_space<vmem>> -> memref<128xi32, #tpu.memory_space<vmem>>
    %dma_start3A_1141 = arith.constant 0 : i32
    %dma_start3A_1142 = arith.constant 0 : i32
    %dma_start3A_1143 = tpu.memref_slice %arg2[%dma_start3A_1141, %dma_start3A_1142] : memref<1408x16xf32, #tpu.memory_space<hbm>> -> memref<1408x16xf32, #tpu.memory_space<hbm>>
    tpu.enqueue_indirect_dma source(%dma_start3A_1143 : memref<1408x16xf32, #tpu.memory_space<hbm>>) target(%dma_start3A_1137 : memref<128x16xf32, #tpu.memory_space<vmem>>) offsets(%dma_start3A_1140 : memref<128xi32, #tpu.memory_space<vmem>>) semaphore(%arg11 : memref<!tpu.dma_semaphore, #tpu.memory_space<semaphore_mem>>)
    %get3A_1144 = arith.constant 256 : index
    %get3A_1145 = tpu.vector_load %arg7[%get3A_1144] {strides = array<i32>} : memref<512xf32, #tpu.memory_space<vmem>>, vector<16xf32>,
    %get3A_1146 = vector.shape_cast %get3A_1145 : vector<16xf32> to vector<16xf32>
    %get3A_1147 = arith.constant 256 : index
    %get3A_1148 = tpu.vector_load %arg6[%get3A_1147] {strides = array<i32>} : memref<512xi32, #tpu.memory_space<vmem>>, vector<16xi32>,
    %get3A_1149 = vector.shape_cast %get3A_1148 : vector<16xi32> to vector<16xi32>
    %broadcast_in_dim3A_1150 = arith.constant 0 : i32
    %broadcast_in_dim3A_1151 = vector.broadcast %broadcast_in_dim3A_1150 : i32 to vector<16xi32>
    %broadcast_in_dim3A_1152 = arith.constant 1 : i32
    %broadcast_in_dim3A_1153 = vector.broadcast %broadcast_in_dim3A_1152 : i32 to vector<16xi32>
    %ge3A_1154 = arith.constant 1.000000e+00 : f32
    %ge3A_1155 = vector.broadcast %ge3A_1154 : f32 to vector<16xf32>
    %ge3A_1156 = arith.cmpf oge, %get3A_1146, %ge3A_1155 : vector<16xf32>
    %add3A_1157 = arith.addi %broadcast_in_dim3A_1151, %broadcast_in_dim3A_1153 : vector<16xi32>
    %select_n3A_1158 = arith.select %ge3A_1156, %add3A_1157, %broadcast_in_dim3A_1151 : vector<16xi1>, vector<16xi32>
    %ge3A_1159 = arith.constant 1.100000e+01 : f32
    %ge3A_1160 = vector.broadcast %ge3A_1159 : f32 to vector<16xf32>
    %ge3A_1161 = arith.cmpf oge, %get3A_1146, %ge3A_1160 : vector<16xf32>
    %add3A_1162 = arith.addi %select_n3A_1158, %broadcast_in_dim3A_1153 : vector<16xi32>
    %select_n3A_1163 = arith.select %ge3A_1161, %add3A_1162, %select_n3A_1158 : vector<16xi1>, vector<16xi32>
    %ge3A_1164 = arith.constant 2.100000e+01 : f32
    %ge3A_1165 = vector.broadcast %ge3A_1164 : f32 to vector<16xf32>
    %ge3A_1166 = arith.cmpf oge, %get3A_1146, %ge3A_1165 : vector<16xf32>
    %add3A_1167 = arith.addi %select_n3A_1163, %broadcast_in_dim3A_1153 : vector<16xi32>
    %select_n3A_1168 = arith.select %ge3A_1166, %add3A_1167, %select_n3A_1163 : vector<16xi1>, vector<16xi32>
    %ge3A_1169 = arith.constant 3.100000e+01 : f32
    %ge3A_1170 = vector.broadcast %ge3A_1169 : f32 to vector<16xf32>
    %ge3A_1171 = arith.cmpf oge, %get3A_1146, %ge3A_1170 : vector<16xf32>
    %add3A_1172 = arith.addi %select_n3A_1168, %broadcast_in_dim3A_1153 : vector<16xi32>
    %select_n3A_1173 = arith.select %ge3A_1171, %add3A_1172, %select_n3A_1168 : vector<16xi1>, vector<16xi32>
    %ge3A_1174 = arith.constant 4.100000e+01 : f32
    %ge3A_1175 = vector.broadcast %ge3A_1174 : f32 to vector<16xf32>
    %ge3A_1176 = arith.cmpf oge, %get3A_1146, %ge3A_1175 : vector<16xf32>
    %add3A_1177 = arith.addi %select_n3A_1173, %broadcast_in_dim3A_1153 : vector<16xi32>
    %select_n3A_1178 = arith.select %ge3A_1176, %add3A_1177, %select_n3A_1173 : vector<16xi1>, vector<16xi32>
    %ge3A_1179 = arith.constant 5.100000e+01 : f32
    %ge3A_1180 = vector.broadcast %ge3A_1179 : f32 to vector<16xf32>
    %ge3A_1181 = arith.cmpf oge, %get3A_1146, %ge3A_1180 : vector<16xf32>
    %add3A_1182 = arith.addi %select_n3A_1178, %broadcast_in_dim3A_1153 : vector<16xi32>
    %select_n3A_1183 = arith.select %ge3A_1181, %add3A_1182, %select_n3A_1178 : vector<16xi1>, vector<16xi32>
    %ge3A_1184 = arith.constant 6.100000e+01 : f32
    %ge3A_1185 = vector.broadcast %ge3A_1184 : f32 to vector<16xf32>
    %ge3A_1186 = arith.cmpf oge, %get3A_1146, %ge3A_1185 : vector<16xf32>
    %add3A_1187 = arith.addi %select_n3A_1183, %broadcast_in_dim3A_1153 : vector<16xi32>
    %select_n3A_1188 = arith.select %ge3A_1186, %add3A_1187, %select_n3A_1183 : vector<16xi1>, vector<16xi32>
    %ge3A_1189 = arith.constant 7.100000e+01 : f32
    %ge3A_1190 = vector.broadcast %ge3A_1189 : f32 to vector<16xf32>
    %ge3A_1191 = arith.cmpf oge, %get3A_1146, %ge3A_1190 : vector<16xf32>
    %add3A_1192 = arith.addi %select_n3A_1188, %broadcast_in_dim3A_1153 : vector<16xi32>
    %select_n3A_1193 = arith.select %ge3A_1191, %add3A_1192, %select_n3A_1188 : vector<16xi1>, vector<16xi32>
    %ge3A_1194 = arith.constant 8.100000e+01 : f32
    %ge3A_1195 = vector.broadcast %ge3A_1194 : f32 to vector<16xf32>
    %ge3A_1196 = arith.cmpf oge, %get3A_1146, %ge3A_1195 : vector<16xf32>
    %add3A_1197 = arith.addi %select_n3A_1193, %broadcast_in_dim3A_1153 : vector<16xi32>
    %select_n3A_1198 = arith.select %ge3A_1196, %add3A_1197, %select_n3A_1193 : vector<16xi1>, vector<16xi32>
    %ge3A_1199 = arith.constant 9.100000e+01 : f32
    %ge3A_1200 = vector.broadcast %ge3A_1199 : f32 to vector<16xf32>
    %ge3A_1201 = arith.cmpf oge, %get3A_1146, %ge3A_1200 : vector<16xf32>
    %add3A_1202 = arith.addi %select_n3A_1198, %broadcast_in_dim3A_1153 : vector<16xi32>
    %select_n3A_1203 = arith.select %ge3A_1201, %add3A_1202, %select_n3A_1198 : vector<16xi1>, vector<16xi32>
    %mul3A_1204 = arith.constant 128 : i32
    %mul3A_1205 = vector.broadcast %mul3A_1204 : i32 to vector<16xi32>
    %mul3A_1206 = arith.muli %select_n3A_1203, %mul3A_1205 : vector<16xi32>
    %add3A_1207 = arith.addi %get3A_1149, %mul3A_1206 : vector<16xi32>
    %swap3A_1208 = arith.constant 2 : i32
    %swap3A_1209 = arith.index_cast %swap3A_1208 : i32 to index
    %swap3A_1210 = arith.constant 0 : index
    %swap3A_1211 = tpu.vector_load %arg8[%swap3A_1209, %swap3A_1210] {strides = array<i32>} : memref<4x128xi32, #tpu.memory_space<vmem>>, vector<1x16xi32>,
    %swap3A_1212 = vector.shape_cast %swap3A_1211 : vector<1x16xi32> to vector<16xi32>
    %swap3A_1213 = vector.shape_cast %add3A_1207 : vector<16xi32> to vector<1x16xi32>
    tpu.vector_store %arg8[%swap3A_1209, %swap3A_1210], %swap3A_1213 {strides = array<i32>} : memref<4x128xi32, #tpu.memory_space<vmem>>, vector<1x16xi32>,
    %get3A_1214 = arith.constant 272 : index
    %get3A_1215 = tpu.vector_load %arg7[%get3A_1214] {strides = array<i32>} : memref<512xf32, #tpu.memory_space<vmem>>, vector<16xf32>,
    %get3A_1216 = vector.shape_cast %get3A_1215 : vector<16xf32> to vector<16xf32>
    %get3A_1217 = arith.constant 272 : index
    %get3A_1218 = tpu.vector_load %arg6[%get3A_1217] {strides = array<i32>} : memref<512xi32, #tpu.memory_space<vmem>>, vector<16xi32>,
    %get3A_1219 = vector.shape_cast %get3A_1218 : vector<16xi32> to vector<16xi32>
    %broadcast_in_dim3A_1220 = arith.constant 0 : i32
    %broadcast_in_dim3A_1221 = vector.broadcast %broadcast_in_dim3A_1220 : i32 to vector<16xi32>
    %broadcast_in_dim3A_1222 = arith.constant 1 : i32
    %broadcast_in_dim3A_1223 = vector.broadcast %broadcast_in_dim3A_1222 : i32 to vector<16xi32>
    %ge3A_1224 = arith.constant 1.000000e+00 : f32
    %ge3A_1225 = vector.broadcast %ge3A_1224 : f32 to vector<16xf32>
    %ge3A_1226 = arith.cmpf oge, %get3A_1216, %ge3A_1225 : vector<16xf32>
    %add3A_1227 = arith.addi %broadcast_in_dim3A_1221, %broadcast_in_dim3A_1223 : vector<16xi32>
    %select_n3A_1228 = arith.select %ge3A_1226, %add3A_1227, %broadcast_in_dim3A_1221 : vector<16xi1>, vector<16xi32>
    %ge3A_1229 = arith.constant 1.100000e+01 : f32
    %ge3A_1230 = vector.broadcast %ge3A_1229 : f32 to vector<16xf32>
    %ge3A_1231 = arith.cmpf oge, %get3A_1216, %ge3A_1230 : vector<16xf32>
    %add3A_1232 = arith.addi %select_n3A_1228, %broadcast_in_dim3A_1223 : vector<16xi32>
    %select_n3A_1233 = arith.select %ge3A_1231, %add3A_1232, %select_n3A_1228 : vector<16xi1>, vector<16xi32>
    %ge3A_1234 = arith.constant 2.100000e+01 : f32
    %ge3A_1235 = vector.broadcast %ge3A_1234 : f32 to vector<16xf32>
    %ge3A_1236 = arith.cmpf oge, %get3A_1216, %ge3A_1235 : vector<16xf32>
    %add3A_1237 = arith.addi %select_n3A_1233, %broadcast_in_dim3A_1223 : vector<16xi32>
    %select_n3A_1238 = arith.select %ge3A_1236, %add3A_1237, %select_n3A_1233 : vector<16xi1>, vector<16xi32>
    %ge3A_1239 = arith.constant 3.100000e+01 : f32
    %ge3A_1240 = vector.broadcast %ge3A_1239 : f32 to vector<16xf32>
    %ge3A_1241 = arith.cmpf oge, %get3A_1216, %ge3A_1240 : vector<16xf32>
    %add3A_1242 = arith.addi %select_n3A_1238, %broadcast_in_dim3A_1223 : vector<16xi32>
    %select_n3A_1243 = arith.select %ge3A_1241, %add3A_1242, %select_n3A_1238 : vector<16xi1>, vector<16xi32>
    %ge3A_1244 = arith.constant 4.100000e+01 : f32
    %ge3A_1245 = vector.broadcast %ge3A_1244 : f32 to vector<16xf32>
    %ge3A_1246 = arith.cmpf oge, %get3A_1216, %ge3A_1245 : vector<16xf32>
    %add3A_1247 = arith.addi %select_n3A_1243, %broadcast_in_dim3A_1223 : vector<16xi32>
    %select_n3A_1248 = arith.select %ge3A_1246, %add3A_1247, %select_n3A_1243 : vector<16xi1>, vector<16xi32>
    %ge3A_1249 = arith.constant 5.100000e+01 : f32
    %ge3A_1250 = vector.broadcast %ge3A_1249 : f32 to vector<16xf32>
    %ge3A_1251 = arith.cmpf oge, %get3A_1216, %ge3A_1250 : vector<16xf32>
    %add3A_1252 = arith.addi %select_n3A_1248, %broadcast_in_dim3A_1223 : vector<16xi32>
    %select_n3A_1253 = arith.select %ge3A_1251, %add3A_1252, %select_n3A_1248 : vector<16xi1>, vector<16xi32>
    %ge3A_1254 = arith.constant 6.100000e+01 : f32
    %ge3A_1255 = vector.broadcast %ge3A_1254 : f32 to vector<16xf32>
    %ge3A_1256 = arith.cmpf oge, %get3A_1216, %ge3A_1255 : vector<16xf32>
    %add3A_1257 = arith.addi %select_n3A_1253, %broadcast_in_dim3A_1223 : vector<16xi32>
    %select_n3A_1258 = arith.select %ge3A_1256, %add3A_1257, %select_n3A_1253 : vector<16xi1>, vector<16xi32>
    %ge3A_1259 = arith.constant 7.100000e+01 : f32
    %ge3A_1260 = vector.broadcast %ge3A_1259 : f32 to vector<16xf32>
    %ge3A_1261 = arith.cmpf oge, %get3A_1216, %ge3A_1260 : vector<16xf32>
    %add3A_1262 = arith.addi %select_n3A_1258, %broadcast_in_dim3A_1223 : vector<16xi32>
    %select_n3A_1263 = arith.select %ge3A_1261, %add3A_1262, %select_n3A_1258 : vector<16xi1>, vector<16xi32>
    %ge3A_1264 = arith.constant 8.100000e+01 : f32
    %ge3A_1265 = vector.broadcast %ge3A_1264 : f32 to vector<16xf32>
    %ge3A_1266 = arith.cmpf oge, %get3A_1216, %ge3A_1265 : vector<16xf32>
    %add3A_1267 = arith.addi %select_n3A_1263, %broadcast_in_dim3A_1223 : vector<16xi32>
    %select_n3A_1268 = arith.select %ge3A_1266, %add3A_1267, %select_n3A_1263 : vector<16xi1>, vector<16xi32>
    %ge3A_1269 = arith.constant 9.100000e+01 : f32
    %ge3A_1270 = vector.broadcast %ge3A_1269 : f32 to vector<16xf32>
    %ge3A_1271 = arith.cmpf oge, %get3A_1216, %ge3A_1270 : vector<16xf32>
    %add3A_1272 = arith.addi %select_n3A_1268, %broadcast_in_dim3A_1223 : vector<16xi32>
    %select_n3A_1273 = arith.select %ge3A_1271, %add3A_1272, %select_n3A_1268 : vector<16xi1>, vector<16xi32>
    %mul3A_1274 = arith.constant 128 : i32
    %mul3A_1275 = vector.broadcast %mul3A_1274 : i32 to vector<16xi32>
    %mul3A_1276 = arith.muli %select_n3A_1273, %mul3A_1275 : vector<16xi32>
    %add3A_1277 = arith.addi %get3A_1219, %mul3A_1276 : vector<16xi32>
    %swap3A_1278 = arith.constant 2 : i32
    %swap3A_1279 = arith.index_cast %swap3A_1278 : i32 to index
    %swap3A_1280 = arith.constant 16 : index
    %swap3A_1281 = tpu.vector_load %arg8[%swap3A_1279, %swap3A_1280] {strides = array<i32>} : memref<4x128xi32, #tpu.memory_space<vmem>>, vector<1x16xi32>,
    %swap3A_1282 = vector.shape_cast %swap3A_1281 : vector<1x16xi32> to vector<16xi32>
    %swap3A_1283 = vector.shape_cast %add3A_1277 : vector<16xi32> to vector<1x16xi32>
    tpu.vector_store %arg8[%swap3A_1279, %swap3A_1280], %swap3A_1283 {strides = array<i32>} : memref<4x128xi32, #tpu.memory_space<vmem>>, vector<1x16xi32>,
    %get3A_1284 = arith.constant 288 : index
    %get3A_1285 = tpu.vector_load %arg7[%get3A_1284] {strides = array<i32>} : memref<512xf32, #tpu.memory_space<vmem>>, vector<16xf32>,
    %get3A_1286 = vector.shape_cast %get3A_1285 : vector<16xf32> to vector<16xf32>
    %get3A_1287 = arith.constant 288 : index
    %get3A_1288 = tpu.vector_load %arg6[%get3A_1287] {strides = array<i32>} : memref<512xi32, #tpu.memory_space<vmem>>, vector<16xi32>,
    %get3A_1289 = vector.shape_cast %get3A_1288 : vector<16xi32> to vector<16xi32>
    %broadcast_in_dim3A_1290 = arith.constant 0 : i32
    %broadcast_in_dim3A_1291 = vector.broadcast %broadcast_in_dim3A_1290 : i32 to vector<16xi32>
    %broadcast_in_dim3A_1292 = arith.constant 1 : i32
    %broadcast_in_dim3A_1293 = vector.broadcast %broadcast_in_dim3A_1292 : i32 to vector<16xi32>
    %ge3A_1294 = arith.constant 1.000000e+00 : f32
    %ge3A_1295 = vector.broadcast %ge3A_1294 : f32 to vector<16xf32>
    %ge3A_1296 = arith.cmpf oge, %get3A_1286, %ge3A_1295 : vector<16xf32>
    %add3A_1297 = arith.addi %broadcast_in_dim3A_1291, %broadcast_in_dim3A_1293 : vector<16xi32>
    %select_n3A_1298 = arith.select %ge3A_1296, %add3A_1297, %broadcast_in_dim3A_1291 : vector<16xi1>, vector<16xi32>
    %ge3A_1299 = arith.constant 1.100000e+01 : f32
    %ge3A_1300 = vector.broadcast %ge3A_1299 : f32 to vector<16xf32>
    %ge3A_1301 = arith.cmpf oge, %get3A_1286, %ge3A_1300 : vector<16xf32>
    %add3A_1302 = arith.addi %select_n3A_1298, %broadcast_in_dim3A_1293 : vector<16xi32>
    %select_n3A_1303 = arith.select %ge3A_1301, %add3A_1302, %select_n3A_1298 : vector<16xi1>, vector<16xi32>
    %ge3A_1304 = arith.constant 2.100000e+01 : f32
    %ge3A_1305 = vector.broadcast %ge3A_1304 : f32 to vector<16xf32>
    %ge3A_1306 = arith.cmpf oge, %get3A_1286, %ge3A_1305 : vector<16xf32>
    %add3A_1307 = arith.addi %select_n3A_1303, %broadcast_in_dim3A_1293 : vector<16xi32>
    %select_n3A_1308 = arith.select %ge3A_1306, %add3A_1307, %select_n3A_1303 : vector<16xi1>, vector<16xi32>
    %ge3A_1309 = arith.constant 3.100000e+01 : f32
    %ge3A_1310 = vector.broadcast %ge3A_1309 : f32 to vector<16xf32>
    %ge3A_1311 = arith.cmpf oge, %get3A_1286, %ge3A_1310 : vector<16xf32>
    %add3A_1312 = arith.addi %select_n3A_1308, %broadcast_in_dim3A_1293 : vector<16xi32>
    %select_n3A_1313 = arith.select %ge3A_1311, %add3A_1312, %select_n3A_1308 : vector<16xi1>, vector<16xi32>
    %ge3A_1314 = arith.constant 4.100000e+01 : f32
    %ge3A_1315 = vector.broadcast %ge3A_1314 : f32 to vector<16xf32>
    %ge3A_1316 = arith.cmpf oge, %get3A_1286, %ge3A_1315 : vector<16xf32>
    %add3A_1317 = arith.addi %select_n3A_1313, %broadcast_in_dim3A_1293 : vector<16xi32>
    %select_n3A_1318 = arith.select %ge3A_1316, %add3A_1317, %select_n3A_1313 : vector<16xi1>, vector<16xi32>
    %ge3A_1319 = arith.constant 5.100000e+01 : f32
    %ge3A_1320 = vector.broadcast %ge3A_1319 : f32 to vector<16xf32>
    %ge3A_1321 = arith.cmpf oge, %get3A_1286, %ge3A_1320 : vector<16xf32>
    %add3A_1322 = arith.addi %select_n3A_1318, %broadcast_in_dim3A_1293 : vector<16xi32>
    %select_n3A_1323 = arith.select %ge3A_1321, %add3A_1322, %select_n3A_1318 : vector<16xi1>, vector<16xi32>
    %ge3A_1324 = arith.constant 6.100000e+01 : f32
    %ge3A_1325 = vector.broadcast %ge3A_1324 : f32 to vector<16xf32>
    %ge3A_1326 = arith.cmpf oge, %get3A_1286, %ge3A_1325 : vector<16xf32>
    %add3A_1327 = arith.addi %select_n3A_1323, %broadcast_in_dim3A_1293 : vector<16xi32>
    %select_n3A_1328 = arith.select %ge3A_1326, %add3A_1327, %select_n3A_1323 : vector<16xi1>, vector<16xi32>
    %ge3A_1329 = arith.constant 7.100000e+01 : f32
    %ge3A_1330 = vector.broadcast %ge3A_1329 : f32 to vector<16xf32>
    %ge3A_1331 = arith.cmpf oge, %get3A_1286, %ge3A_1330 : vector<16xf32>
    %add3A_1332 = arith.addi %select_n3A_1328, %broadcast_in_dim3A_1293 : vector<16xi32>
    %select_n3A_1333 = arith.select %ge3A_1331, %add3A_1332, %select_n3A_1328 : vector<16xi1>, vector<16xi32>
    %ge3A_1334 = arith.constant 8.100000e+01 : f32
    %ge3A_1335 = vector.broadcast %ge3A_1334 : f32 to vector<16xf32>
    %ge3A_1336 = arith.cmpf oge, %get3A_1286, %ge3A_1335 : vector<16xf32>
    %add3A_1337 = arith.addi %select_n3A_1333, %broadcast_in_dim3A_1293 : vector<16xi32>
    %select_n3A_1338 = arith.select %ge3A_1336, %add3A_1337, %select_n3A_1333 : vector<16xi1>, vector<16xi32>
    %ge3A_1339 = arith.constant 9.100000e+01 : f32
    %ge3A_1340 = vector.broadcast %ge3A_1339 : f32 to vector<16xf32>
    %ge3A_1341 = arith.cmpf oge, %get3A_1286, %ge3A_1340 : vector<16xf32>
    %add3A_1342 = arith.addi %select_n3A_1338, %broadcast_in_dim3A_1293 : vector<16xi32>
    %select_n3A_1343 = arith.select %ge3A_1341, %add3A_1342, %select_n3A_1338 : vector<16xi1>, vector<16xi32>
    %mul3A_1344 = arith.constant 128 : i32
    %mul3A_1345 = vector.broadcast %mul3A_1344 : i32 to vector<16xi32>
    %mul3A_1346 = arith.muli %select_n3A_1343, %mul3A_1345 : vector<16xi32>
    %add3A_1347 = arith.addi %get3A_1289, %mul3A_1346 : vector<16xi32>
    %swap3A_1348 = arith.constant 2 : i32
    %swap3A_1349 = arith.index_cast %swap3A_1348 : i32 to index
    %swap3A_1350 = arith.constant 32 : index
    %swap3A_1351 = tpu.vector_load %arg8[%swap3A_1349, %swap3A_1350] {strides = array<i32>} : memref<4x128xi32, #tpu.memory_space<vmem>>, vector<1x16xi32>,
    %swap3A_1352 = vector.shape_cast %swap3A_1351 : vector<1x16xi32> to vector<16xi32>
    %swap3A_1353 = vector.shape_cast %add3A_1347 : vector<16xi32> to vector<1x16xi32>
    tpu.vector_store %arg8[%swap3A_1349, %swap3A_1350], %swap3A_1353 {strides = array<i32>} : memref<4x128xi32, #tpu.memory_space<vmem>>, vector<1x16xi32>,
    %get3A_1354 = arith.constant 304 : index
    %get3A_1355 = tpu.vector_load %arg7[%get3A_1354] {strides = array<i32>} : memref<512xf32, #tpu.memory_space<vmem>>, vector<16xf32>,
    %get3A_1356 = vector.shape_cast %get3A_1355 : vector<16xf32> to vector<16xf32>
    %get3A_1357 = arith.constant 304 : index
    %get3A_1358 = tpu.vector_load %arg6[%get3A_1357] {strides = array<i32>} : memref<512xi32, #tpu.memory_space<vmem>>, vector<16xi32>,
    %get3A_1359 = vector.shape_cast %get3A_1358 : vector<16xi32> to vector<16xi32>
    %broadcast_in_dim3A_1360 = arith.constant 0 : i32
    %broadcast_in_dim3A_1361 = vector.broadcast %broadcast_in_dim3A_1360 : i32 to vector<16xi32>
    %broadcast_in_dim3A_1362 = arith.constant 1 : i32
    %broadcast_in_dim3A_1363 = vector.broadcast %broadcast_in_dim3A_1362 : i32 to vector<16xi32>
    %ge3A_1364 = arith.constant 1.000000e+00 : f32
    %ge3A_1365 = vector.broadcast %ge3A_1364 : f32 to vector<16xf32>
    %ge3A_1366 = arith.cmpf oge, %get3A_1356, %ge3A_1365 : vector<16xf32>
    %add3A_1367 = arith.addi %broadcast_in_dim3A_1361, %broadcast_in_dim3A_1363 : vector<16xi32>
    %select_n3A_1368 = arith.select %ge3A_1366, %add3A_1367, %broadcast_in_dim3A_1361 : vector<16xi1>, vector<16xi32>
    %ge3A_1369 = arith.constant 1.100000e+01 : f32
    %ge3A_1370 = vector.broadcast %ge3A_1369 : f32 to vector<16xf32>
    %ge3A_1371 = arith.cmpf oge, %get3A_1356, %ge3A_1370 : vector<16xf32>
    %add3A_1372 = arith.addi %select_n3A_1368, %broadcast_in_dim3A_1363 : vector<16xi32>
    %select_n3A_1373 = arith.select %ge3A_1371, %add3A_1372, %select_n3A_1368 : vector<16xi1>, vector<16xi32>
    %ge3A_1374 = arith.constant 2.100000e+01 : f32
    %ge3A_1375 = vector.broadcast %ge3A_1374 : f32 to vector<16xf32>
    %ge3A_1376 = arith.cmpf oge, %get3A_1356, %ge3A_1375 : vector<16xf32>
    %add3A_1377 = arith.addi %select_n3A_1373, %broadcast_in_dim3A_1363 : vector<16xi32>
    %select_n3A_1378 = arith.select %ge3A_1376, %add3A_1377, %select_n3A_1373 : vector<16xi1>, vector<16xi32>
    %ge3A_1379 = arith.constant 3.100000e+01 : f32
    %ge3A_1380 = vector.broadcast %ge3A_1379 : f32 to vector<16xf32>
    %ge3A_1381 = arith.cmpf oge, %get3A_1356, %ge3A_1380 : vector<16xf32>
    %add3A_1382 = arith.addi %select_n3A_1378, %broadcast_in_dim3A_1363 : vector<16xi32>
    %select_n3A_1383 = arith.select %ge3A_1381, %add3A_1382, %select_n3A_1378 : vector<16xi1>, vector<16xi32>
    %ge3A_1384 = arith.constant 4.100000e+01 : f32
    %ge3A_1385 = vector.broadcast %ge3A_1384 : f32 to vector<16xf32>
    %ge3A_1386 = arith.cmpf oge, %get3A_1356, %ge3A_1385 : vector<16xf32>
    %add3A_1387 = arith.addi %select_n3A_1383, %broadcast_in_dim3A_1363 : vector<16xi32>
    %select_n3A_1388 = arith.select %ge3A_1386, %add3A_1387, %select_n3A_1383 : vector<16xi1>, vector<16xi32>
    %ge3A_1389 = arith.constant 5.100000e+01 : f32
    %ge3A_1390 = vector.broadcast %ge3A_1389 : f32 to vector<16xf32>
    %ge3A_1391 = arith.cmpf oge, %get3A_1356, %ge3A_1390 : vector<16xf32>
    %add3A_1392 = arith.addi %select_n3A_1388, %broadcast_in_dim3A_1363 : vector<16xi32>
    %select_n3A_1393 = arith.select %ge3A_1391, %add3A_1392, %select_n3A_1388 : vector<16xi1>, vector<16xi32>
    %ge3A_1394 = arith.constant 6.100000e+01 : f32
    %ge3A_1395 = vector.broadcast %ge3A_1394 : f32 to vector<16xf32>
    %ge3A_1396 = arith.cmpf oge, %get3A_1356, %ge3A_1395 : vector<16xf32>
    %add3A_1397 = arith.addi %select_n3A_1393, %broadcast_in_dim3A_1363 : vector<16xi32>
    %select_n3A_1398 = arith.select %ge3A_1396, %add3A_1397, %select_n3A_1393 : vector<16xi1>, vector<16xi32>
    %ge3A_1399 = arith.constant 7.100000e+01 : f32
    %ge3A_1400 = vector.broadcast %ge3A_1399 : f32 to vector<16xf32>
    %ge3A_1401 = arith.cmpf oge, %get3A_1356, %ge3A_1400 : vector<16xf32>
    %add3A_1402 = arith.addi %select_n3A_1398, %broadcast_in_dim3A_1363 : vector<16xi32>
    %select_n3A_1403 = arith.select %ge3A_1401, %add3A_1402, %select_n3A_1398 : vector<16xi1>, vector<16xi32>
    %ge3A_1404 = arith.constant 8.100000e+01 : f32
    %ge3A_1405 = vector.broadcast %ge3A_1404 : f32 to vector<16xf32>
    %ge3A_1406 = arith.cmpf oge, %get3A_1356, %ge3A_1405 : vector<16xf32>
    %add3A_1407 = arith.addi %select_n3A_1403, %broadcast_in_dim3A_1363 : vector<16xi32>
    %select_n3A_1408 = arith.select %ge3A_1406, %add3A_1407, %select_n3A_1403 : vector<16xi1>, vector<16xi32>
    %ge3A_1409 = arith.constant 9.100000e+01 : f32
    %ge3A_1410 = vector.broadcast %ge3A_1409 : f32 to vector<16xf32>
    %ge3A_1411 = arith.cmpf oge, %get3A_1356, %ge3A_1410 : vector<16xf32>
    %add3A_1412 = arith.addi %select_n3A_1408, %broadcast_in_dim3A_1363 : vector<16xi32>
    %select_n3A_1413 = arith.select %ge3A_1411, %add3A_1412, %select_n3A_1408 : vector<16xi1>, vector<16xi32>
    %mul3A_1414 = arith.constant 128 : i32
    %mul3A_1415 = vector.broadcast %mul3A_1414 : i32 to vector<16xi32>
    %mul3A_1416 = arith.muli %select_n3A_1413, %mul3A_1415 : vector<16xi32>
    %add3A_1417 = arith.addi %get3A_1359, %mul3A_1416 : vector<16xi32>
    %swap3A_1418 = arith.constant 2 : i32
    %swap3A_1419 = arith.index_cast %swap3A_1418 : i32 to index
    %swap3A_1420 = arith.constant 48 : index
    %swap3A_1421 = tpu.vector_load %arg8[%swap3A_1419, %swap3A_1420] {strides = array<i32>} : memref<4x128xi32, #tpu.memory_space<vmem>>, vector<1x16xi32>,
    %swap3A_1422 = vector.shape_cast %swap3A_1421 : vector<1x16xi32> to vector<16xi32>
    %swap3A_1423 = vector.shape_cast %add3A_1417 : vector<16xi32> to vector<1x16xi32>
    tpu.vector_store %arg8[%swap3A_1419, %swap3A_1420], %swap3A_1423 {strides = array<i32>} : memref<4x128xi32, #tpu.memory_space<vmem>>, vector<1x16xi32>,
    %get3A_1424 = arith.constant 320 : index
    %get3A_1425 = tpu.vector_load %arg7[%get3A_1424] {strides = array<i32>} : memref<512xf32, #tpu.memory_space<vmem>>, vector<16xf32>,
    %get3A_1426 = vector.shape_cast %get3A_1425 : vector<16xf32> to vector<16xf32>
    %get3A_1427 = arith.constant 320 : index
    %get3A_1428 = tpu.vector_load %arg6[%get3A_1427] {strides = array<i32>} : memref<512xi32, #tpu.memory_space<vmem>>, vector<16xi32>,
    %get3A_1429 = vector.shape_cast %get3A_1428 : vector<16xi32> to vector<16xi32>
    %broadcast_in_dim3A_1430 = arith.constant 0 : i32
    %broadcast_in_dim3A_1431 = vector.broadcast %broadcast_in_dim3A_1430 : i32 to vector<16xi32>
    %broadcast_in_dim3A_1432 = arith.constant 1 : i32
    %broadcast_in_dim3A_1433 = vector.broadcast %broadcast_in_dim3A_1432 : i32 to vector<16xi32>
    %ge3A_1434 = arith.constant 1.000000e+00 : f32
    %ge3A_1435 = vector.broadcast %ge3A_1434 : f32 to vector<16xf32>
    %ge3A_1436 = arith.cmpf oge, %get3A_1426, %ge3A_1435 : vector<16xf32>
    %add3A_1437 = arith.addi %broadcast_in_dim3A_1431, %broadcast_in_dim3A_1433 : vector<16xi32>
    %select_n3A_1438 = arith.select %ge3A_1436, %add3A_1437, %broadcast_in_dim3A_1431 : vector<16xi1>, vector<16xi32>
    %ge3A_1439 = arith.constant 1.100000e+01 : f32
    %ge3A_1440 = vector.broadcast %ge3A_1439 : f32 to vector<16xf32>
    %ge3A_1441 = arith.cmpf oge, %get3A_1426, %ge3A_1440 : vector<16xf32>
    %add3A_1442 = arith.addi %select_n3A_1438, %broadcast_in_dim3A_1433 : vector<16xi32>
    %select_n3A_1443 = arith.select %ge3A_1441, %add3A_1442, %select_n3A_1438 : vector<16xi1>, vector<16xi32>
    %ge3A_1444 = arith.constant 2.100000e+01 : f32
    %ge3A_1445 = vector.broadcast %ge3A_1444 : f32 to vector<16xf32>
    %ge3A_1446 = arith.cmpf oge, %get3A_1426, %ge3A_1445 : vector<16xf32>
    %add3A_1447 = arith.addi %select_n3A_1443, %broadcast_in_dim3A_1433 : vector<16xi32>
    %select_n3A_1448 = arith.select %ge3A_1446, %add3A_1447, %select_n3A_1443 : vector<16xi1>, vector<16xi32>
    %ge3A_1449 = arith.constant 3.100000e+01 : f32
    %ge3A_1450 = vector.broadcast %ge3A_1449 : f32 to vector<16xf32>
    %ge3A_1451 = arith.cmpf oge, %get3A_1426, %ge3A_1450 : vector<16xf32>
    %add3A_1452 = arith.addi %select_n3A_1448, %broadcast_in_dim3A_1433 : vector<16xi32>
    %select_n3A_1453 = arith.select %ge3A_1451, %add3A_1452, %select_n3A_1448 : vector<16xi1>, vector<16xi32>
    %ge3A_1454 = arith.constant 4.100000e+01 : f32
    %ge3A_1455 = vector.broadcast %ge3A_1454 : f32 to vector<16xf32>
    %ge3A_1456 = arith.cmpf oge, %get3A_1426, %ge3A_1455 : vector<16xf32>
    %add3A_1457 = arith.addi %select_n3A_1453, %broadcast_in_dim3A_1433 : vector<16xi32>
    %select_n3A_1458 = arith.select %ge3A_1456, %add3A_1457, %select_n3A_1453 : vector<16xi1>, vector<16xi32>
    %ge3A_1459 = arith.constant 5.100000e+01 : f32
    %ge3A_1460 = vector.broadcast %ge3A_1459 : f32 to vector<16xf32>
    %ge3A_1461 = arith.cmpf oge, %get3A_1426, %ge3A_1460 : vector<16xf32>
    %add3A_1462 = arith.addi %select_n3A_1458, %broadcast_in_dim3A_1433 : vector<16xi32>
    %select_n3A_1463 = arith.select %ge3A_1461, %add3A_1462, %select_n3A_1458 : vector<16xi1>, vector<16xi32>
    %ge3A_1464 = arith.constant 6.100000e+01 : f32
    %ge3A_1465 = vector.broadcast %ge3A_1464 : f32 to vector<16xf32>
    %ge3A_1466 = arith.cmpf oge, %get3A_1426, %ge3A_1465 : vector<16xf32>
    %add3A_1467 = arith.addi %select_n3A_1463, %broadcast_in_dim3A_1433 : vector<16xi32>
    %select_n3A_1468 = arith.select %ge3A_1466, %add3A_1467, %select_n3A_1463 : vector<16xi1>, vector<16xi32>
    %ge3A_1469 = arith.constant 7.100000e+01 : f32
    %ge3A_1470 = vector.broadcast %ge3A_1469 : f32 to vector<16xf32>
    %ge3A_1471 = arith.cmpf oge, %get3A_1426, %ge3A_1470 : vector<16xf32>
    %add3A_1472 = arith.addi %select_n3A_1468, %broadcast_in_dim3A_1433 : vector<16xi32>
    %select_n3A_1473 = arith.select %ge3A_1471, %add3A_1472, %select_n3A_1468 : vector<16xi1>, vector<16xi32>
    %ge3A_1474 = arith.constant 8.100000e+01 : f32
    %ge3A_1475 = vector.broadcast %ge3A_1474 : f32 to vector<16xf32>
    %ge3A_1476 = arith.cmpf oge, %get3A_1426, %ge3A_1475 : vector<16xf32>
    %add3A_1477 = arith.addi %select_n3A_1473, %broadcast_in_dim3A_1433 : vector<16xi32>
    %select_n3A_1478 = arith.select %ge3A_1476, %add3A_1477, %select_n3A_1473 : vector<16xi1>, vector<16xi32>
    %ge3A_1479 = arith.constant 9.100000e+01 : f32
    %ge3A_1480 = vector.broadcast %ge3A_1479 : f32 to vector<16xf32>
    %ge3A_1481 = arith.cmpf oge, %get3A_1426, %ge3A_1480 : vector<16xf32>
    %add3A_1482 = arith.addi %select_n3A_1478, %broadcast_in_dim3A_1433 : vector<16xi32>
    %select_n3A_1483 = arith.select %ge3A_1481, %add3A_1482, %select_n3A_1478 : vector<16xi1>, vector<16xi32>
    %mul3A_1484 = arith.constant 128 : i32
    %mul3A_1485 = vector.broadcast %mul3A_1484 : i32 to vector<16xi32>
    %mul3A_1486 = arith.muli %select_n3A_1483, %mul3A_1485 : vector<16xi32>
    %add3A_1487 = arith.addi %get3A_1429, %mul3A_1486 : vector<16xi32>
    %swap3A_1488 = arith.constant 2 : i32
    %swap3A_1489 = arith.index_cast %swap3A_1488 : i32 to index
    %swap3A_1490 = arith.constant 64 : index
    %swap3A_1491 = tpu.vector_load %arg8[%swap3A_1489, %swap3A_1490] {strides = array<i32>} : memref<4x128xi32, #tpu.memory_space<vmem>>, vector<1x16xi32>,
    %swap3A_1492 = vector.shape_cast %swap3A_1491 : vector<1x16xi32> to vector<16xi32>
    %swap3A_1493 = vector.shape_cast %add3A_1487 : vector<16xi32> to vector<1x16xi32>
    tpu.vector_store %arg8[%swap3A_1489, %swap3A_1490], %swap3A_1493 {strides = array<i32>} : memref<4x128xi32, #tpu.memory_space<vmem>>, vector<1x16xi32>,
    %get3A_1494 = arith.constant 336 : index
    %get3A_1495 = tpu.vector_load %arg7[%get3A_1494] {strides = array<i32>} : memref<512xf32, #tpu.memory_space<vmem>>, vector<16xf32>,
    %get3A_1496 = vector.shape_cast %get3A_1495 : vector<16xf32> to vector<16xf32>
    %get3A_1497 = arith.constant 336 : index
    %get3A_1498 = tpu.vector_load %arg6[%get3A_1497] {strides = array<i32>} : memref<512xi32, #tpu.memory_space<vmem>>, vector<16xi32>,
    %get3A_1499 = vector.shape_cast %get3A_1498 : vector<16xi32> to vector<16xi32>
    %broadcast_in_dim3A_1500 = arith.constant 0 : i32
    %broadcast_in_dim3A_1501 = vector.broadcast %broadcast_in_dim3A_1500 : i32 to vector<16xi32>
    %broadcast_in_dim3A_1502 = arith.constant 1 : i32
    %broadcast_in_dim3A_1503 = vector.broadcast %broadcast_in_dim3A_1502 : i32 to vector<16xi32>
    %ge3A_1504 = arith.constant 1.000000e+00 : f32
    %ge3A_1505 = vector.broadcast %ge3A_1504 : f32 to vector<16xf32>
    %ge3A_1506 = arith.cmpf oge, %get3A_1496, %ge3A_1505 : vector<16xf32>
    %add3A_1507 = arith.addi %broadcast_in_dim3A_1501, %broadcast_in_dim3A_1503 : vector<16xi32>
    %select_n3A_1508 = arith.select %ge3A_1506, %add3A_1507, %broadcast_in_dim3A_1501 : vector<16xi1>, vector<16xi32>
    %ge3A_1509 = arith.constant 1.100000e+01 : f32
    %ge3A_1510 = vector.broadcast %ge3A_1509 : f32 to vector<16xf32>
    %ge3A_1511 = arith.cmpf oge, %get3A_1496, %ge3A_1510 : vector<16xf32>
    %add3A_1512 = arith.addi %select_n3A_1508, %broadcast_in_dim3A_1503 : vector<16xi32>
    %select_n3A_1513 = arith.select %ge3A_1511, %add3A_1512, %select_n3A_1508 : vector<16xi1>, vector<16xi32>
    %ge3A_1514 = arith.constant 2.100000e+01 : f32
    %ge3A_1515 = vector.broadcast %ge3A_1514 : f32 to vector<16xf32>
    %ge3A_1516 = arith.cmpf oge, %get3A_1496, %ge3A_1515 : vector<16xf32>
    %add3A_1517 = arith.addi %select_n3A_1513, %broadcast_in_dim3A_1503 : vector<16xi32>
    %select_n3A_1518 = arith.select %ge3A_1516, %add3A_1517, %select_n3A_1513 : vector<16xi1>, vector<16xi32>
    %ge3A_1519 = arith.constant 3.100000e+01 : f32
    %ge3A_1520 = vector.broadcast %ge3A_1519 : f32 to vector<16xf32>
    %ge3A_1521 = arith.cmpf oge, %get3A_1496, %ge3A_1520 : vector<16xf32>
    %add3A_1522 = arith.addi %select_n3A_1518, %broadcast_in_dim3A_1503 : vector<16xi32>
    %select_n3A_1523 = arith.select %ge3A_1521, %add3A_1522, %select_n3A_1518 : vector<16xi1>, vector<16xi32>
    %ge3A_1524 = arith.constant 4.100000e+01 : f32
    %ge3A_1525 = vector.broadcast %ge3A_1524 : f32 to vector<16xf32>
    %ge3A_1526 = arith.cmpf oge, %get3A_1496, %ge3A_1525 : vector<16xf32>
    %add3A_1527 = arith.addi %select_n3A_1523, %broadcast_in_dim3A_1503 : vector<16xi32>
    %select_n3A_1528 = arith.select %ge3A_1526, %add3A_1527, %select_n3A_1523 : vector<16xi1>, vector<16xi32>
    %ge3A_1529 = arith.constant 5.100000e+01 : f32
    %ge3A_1530 = vector.broadcast %ge3A_1529 : f32 to vector<16xf32>
    %ge3A_1531 = arith.cmpf oge, %get3A_1496, %ge3A_1530 : vector<16xf32>
    %add3A_1532 = arith.addi %select_n3A_1528, %broadcast_in_dim3A_1503 : vector<16xi32>
    %select_n3A_1533 = arith.select %ge3A_1531, %add3A_1532, %select_n3A_1528 : vector<16xi1>, vector<16xi32>
    %ge3A_1534 = arith.constant 6.100000e+01 : f32
    %ge3A_1535 = vector.broadcast %ge3A_1534 : f32 to vector<16xf32>
    %ge3A_1536 = arith.cmpf oge, %get3A_1496, %ge3A_1535 : vector<16xf32>
    %add3A_1537 = arith.addi %select_n3A_1533, %broadcast_in_dim3A_1503 : vector<16xi32>
    %select_n3A_1538 = arith.select %ge3A_1536, %add3A_1537, %select_n3A_1533 : vector<16xi1>, vector<16xi32>
    %ge3A_1539 = arith.constant 7.100000e+01 : f32
    %ge3A_1540 = vector.broadcast %ge3A_1539 : f32 to vector<16xf32>
    %ge3A_1541 = arith.cmpf oge, %get3A_1496, %ge3A_1540 : vector<16xf32>
    %add3A_1542 = arith.addi %select_n3A_1538, %broadcast_in_dim3A_1503 : vector<16xi32>
    %select_n3A_1543 = arith.select %ge3A_1541, %add3A_1542, %select_n3A_1538 : vector<16xi1>, vector<16xi32>
    %ge3A_1544 = arith.constant 8.100000e+01 : f32
    %ge3A_1545 = vector.broadcast %ge3A_1544 : f32 to vector<16xf32>
    %ge3A_1546 = arith.cmpf oge, %get3A_1496, %ge3A_1545 : vector<16xf32>
    %add3A_1547 = arith.addi %select_n3A_1543, %broadcast_in_dim3A_1503 : vector<16xi32>
    %select_n3A_1548 = arith.select %ge3A_1546, %add3A_1547, %select_n3A_1543 : vector<16xi1>, vector<16xi32>
    %ge3A_1549 = arith.constant 9.100000e+01 : f32
    %ge3A_1550 = vector.broadcast %ge3A_1549 : f32 to vector<16xf32>
    %ge3A_1551 = arith.cmpf oge, %get3A_1496, %ge3A_1550 : vector<16xf32>
    %add3A_1552 = arith.addi %select_n3A_1548, %broadcast_in_dim3A_1503 : vector<16xi32>
    %select_n3A_1553 = arith.select %ge3A_1551, %add3A_1552, %select_n3A_1548 : vector<16xi1>, vector<16xi32>
    %mul3A_1554 = arith.constant 128 : i32
    %mul3A_1555 = vector.broadcast %mul3A_1554 : i32 to vector<16xi32>
    %mul3A_1556 = arith.muli %select_n3A_1553, %mul3A_1555 : vector<16xi32>
    %add3A_1557 = arith.addi %get3A_1499, %mul3A_1556 : vector<16xi32>
    %swap3A_1558 = arith.constant 2 : i32
    %swap3A_1559 = arith.index_cast %swap3A_1558 : i32 to index
    %swap3A_1560 = arith.constant 80 : index
    %swap3A_1561 = tpu.vector_load %arg8[%swap3A_1559, %swap3A_1560] {strides = array<i32>} : memref<4x128xi32, #tpu.memory_space<vmem>>, vector<1x16xi32>,
    %swap3A_1562 = vector.shape_cast %swap3A_1561 : vector<1x16xi32> to vector<16xi32>
    %swap3A_1563 = vector.shape_cast %add3A_1557 : vector<16xi32> to vector<1x16xi32>
    tpu.vector_store %arg8[%swap3A_1559, %swap3A_1560], %swap3A_1563 {strides = array<i32>} : memref<4x128xi32, #tpu.memory_space<vmem>>, vector<1x16xi32>,
    %get3A_1564 = arith.constant 352 : index
    %get3A_1565 = tpu.vector_load %arg7[%get3A_1564] {strides = array<i32>} : memref<512xf32, #tpu.memory_space<vmem>>, vector<16xf32>,
    %get3A_1566 = vector.shape_cast %get3A_1565 : vector<16xf32> to vector<16xf32>
    %get3A_1567 = arith.constant 352 : index
    %get3A_1568 = tpu.vector_load %arg6[%get3A_1567] {strides = array<i32>} : memref<512xi32, #tpu.memory_space<vmem>>, vector<16xi32>,
    %get3A_1569 = vector.shape_cast %get3A_1568 : vector<16xi32> to vector<16xi32>
    %broadcast_in_dim3A_1570 = arith.constant 0 : i32
    %broadcast_in_dim3A_1571 = vector.broadcast %broadcast_in_dim3A_1570 : i32 to vector<16xi32>
    %broadcast_in_dim3A_1572 = arith.constant 1 : i32
    %broadcast_in_dim3A_1573 = vector.broadcast %broadcast_in_dim3A_1572 : i32 to vector<16xi32>
    %ge3A_1574 = arith.constant 1.000000e+00 : f32
    %ge3A_1575 = vector.broadcast %ge3A_1574 : f32 to vector<16xf32>
    %ge3A_1576 = arith.cmpf oge, %get3A_1566, %ge3A_1575 : vector<16xf32>
    %add3A_1577 = arith.addi %broadcast_in_dim3A_1571, %broadcast_in_dim3A_1573 : vector<16xi32>
    %select_n3A_1578 = arith.select %ge3A_1576, %add3A_1577, %broadcast_in_dim3A_1571 : vector<16xi1>, vector<16xi32>
    %ge3A_1579 = arith.constant 1.100000e+01 : f32
    %ge3A_1580 = vector.broadcast %ge3A_1579 : f32 to vector<16xf32>
    %ge3A_1581 = arith.cmpf oge, %get3A_1566, %ge3A_1580 : vector<16xf32>
    %add3A_1582 = arith.addi %select_n3A_1578, %broadcast_in_dim3A_1573 : vector<16xi32>
    %select_n3A_1583 = arith.select %ge3A_1581, %add3A_1582, %select_n3A_1578 : vector<16xi1>, vector<16xi32>
    %ge3A_1584 = arith.constant 2.100000e+01 : f32
    %ge3A_1585 = vector.broadcast %ge3A_1584 : f32 to vector<16xf32>
    %ge3A_1586 = arith.cmpf oge, %get3A_1566, %ge3A_1585 : vector<16xf32>
    %add3A_1587 = arith.addi %select_n3A_1583, %broadcast_in_dim3A_1573 : vector<16xi32>
    %select_n3A_1588 = arith.select %ge3A_1586, %add3A_1587, %select_n3A_1583 : vector<16xi1>, vector<16xi32>
    %ge3A_1589 = arith.constant 3.100000e+01 : f32
    %ge3A_1590 = vector.broadcast %ge3A_1589 : f32 to vector<16xf32>
    %ge3A_1591 = arith.cmpf oge, %get3A_1566, %ge3A_1590 : vector<16xf32>
    %add3A_1592 = arith.addi %select_n3A_1588, %broadcast_in_dim3A_1573 : vector<16xi32>
    %select_n3A_1593 = arith.select %ge3A_1591, %add3A_1592, %select_n3A_1588 : vector<16xi1>, vector<16xi32>
    %ge3A_1594 = arith.constant 4.100000e+01 : f32
    %ge3A_1595 = vector.broadcast %ge3A_1594 : f32 to vector<16xf32>
    %ge3A_1596 = arith.cmpf oge, %get3A_1566, %ge3A_1595 : vector<16xf32>
    %add3A_1597 = arith.addi %select_n3A_1593, %broadcast_in_dim3A_1573 : vector<16xi32>
    %select_n3A_1598 = arith.select %ge3A_1596, %add3A_1597, %select_n3A_1593 : vector<16xi1>, vector<16xi32>
    %ge3A_1599 = arith.constant 5.100000e+01 : f32
    %ge3A_1600 = vector.broadcast %ge3A_1599 : f32 to vector<16xf32>
    %ge3A_1601 = arith.cmpf oge, %get3A_1566, %ge3A_1600 : vector<16xf32>
    %add3A_1602 = arith.addi %select_n3A_1598, %broadcast_in_dim3A_1573 : vector<16xi32>
    %select_n3A_1603 = arith.select %ge3A_1601, %add3A_1602, %select_n3A_1598 : vector<16xi1>, vector<16xi32>
    %ge3A_1604 = arith.constant 6.100000e+01 : f32
    %ge3A_1605 = vector.broadcast %ge3A_1604 : f32 to vector<16xf32>
    %ge3A_1606 = arith.cmpf oge, %get3A_1566, %ge3A_1605 : vector<16xf32>
    %add3A_1607 = arith.addi %select_n3A_1603, %broadcast_in_dim3A_1573 : vector<16xi32>
    %select_n3A_1608 = arith.select %ge3A_1606, %add3A_1607, %select_n3A_1603 : vector<16xi1>, vector<16xi32>
    %ge3A_1609 = arith.constant 7.100000e+01 : f32
    %ge3A_1610 = vector.broadcast %ge3A_1609 : f32 to vector<16xf32>
    %ge3A_1611 = arith.cmpf oge, %get3A_1566, %ge3A_1610 : vector<16xf32>
    %add3A_1612 = arith.addi %select_n3A_1608, %broadcast_in_dim3A_1573 : vector<16xi32>
    %select_n3A_1613 = arith.select %ge3A_1611, %add3A_1612, %select_n3A_1608 : vector<16xi1>, vector<16xi32>
    %ge3A_1614 = arith.constant 8.100000e+01 : f32
    %ge3A_1615 = vector.broadcast %ge3A_1614 : f32 to vector<16xf32>
    %ge3A_1616 = arith.cmpf oge, %get3A_1566, %ge3A_1615 : vector<16xf32>
    %add3A_1617 = arith.addi %select_n3A_1613, %broadcast_in_dim3A_1573 : vector<16xi32>
    %select_n3A_1618 = arith.select %ge3A_1616, %add3A_1617, %select_n3A_1613 : vector<16xi1>, vector<16xi32>
    %ge3A_1619 = arith.constant 9.100000e+01 : f32
    %ge3A_1620 = vector.broadcast %ge3A_1619 : f32 to vector<16xf32>
    %ge3A_1621 = arith.cmpf oge, %get3A_1566, %ge3A_1620 : vector<16xf32>
    %add3A_1622 = arith.addi %select_n3A_1618, %broadcast_in_dim3A_1573 : vector<16xi32>
    %select_n3A_1623 = arith.select %ge3A_1621, %add3A_1622, %select_n3A_1618 : vector<16xi1>, vector<16xi32>
    %mul3A_1624 = arith.constant 128 : i32
    %mul3A_1625 = vector.broadcast %mul3A_1624 : i32 to vector<16xi32>
    %mul3A_1626 = arith.muli %select_n3A_1623, %mul3A_1625 : vector<16xi32>
    %add3A_1627 = arith.addi %get3A_1569, %mul3A_1626 : vector<16xi32>
    %swap3A_1628 = arith.constant 2 : i32
    %swap3A_1629 = arith.index_cast %swap3A_1628 : i32 to index
    %swap3A_1630 = arith.constant 96 : index
    %swap3A_1631 = tpu.vector_load %arg8[%swap3A_1629, %swap3A_1630] {strides = array<i32>} : memref<4x128xi32, #tpu.memory_space<vmem>>, vector<1x16xi32>,
    %swap3A_1632 = vector.shape_cast %swap3A_1631 : vector<1x16xi32> to vector<16xi32>
    %swap3A_1633 = vector.shape_cast %add3A_1627 : vector<16xi32> to vector<1x16xi32>
    tpu.vector_store %arg8[%swap3A_1629, %swap3A_1630], %swap3A_1633 {strides = array<i32>} : memref<4x128xi32, #tpu.memory_space<vmem>>, vector<1x16xi32>,
    %get3A_1634 = arith.constant 368 : index
    %get3A_1635 = tpu.vector_load %arg7[%get3A_1634] {strides = array<i32>} : memref<512xf32, #tpu.memory_space<vmem>>, vector<16xf32>,
    %get3A_1636 = vector.shape_cast %get3A_1635 : vector<16xf32> to vector<16xf32>
    %get3A_1637 = arith.constant 368 : index
    %get3A_1638 = tpu.vector_load %arg6[%get3A_1637] {strides = array<i32>} : memref<512xi32, #tpu.memory_space<vmem>>, vector<16xi32>,
    %get3A_1639 = vector.shape_cast %get3A_1638 : vector<16xi32> to vector<16xi32>
    %broadcast_in_dim3A_1640 = arith.constant 0 : i32
    %broadcast_in_dim3A_1641 = vector.broadcast %broadcast_in_dim3A_1640 : i32 to vector<16xi32>
    %broadcast_in_dim3A_1642 = arith.constant 1 : i32
    %broadcast_in_dim3A_1643 = vector.broadcast %broadcast_in_dim3A_1642 : i32 to vector<16xi32>
    %ge3A_1644 = arith.constant 1.000000e+00 : f32
    %ge3A_1645 = vector.broadcast %ge3A_1644 : f32 to vector<16xf32>
    %ge3A_1646 = arith.cmpf oge, %get3A_1636, %ge3A_1645 : vector<16xf32>
    %add3A_1647 = arith.addi %broadcast_in_dim3A_1641, %broadcast_in_dim3A_1643 : vector<16xi32>
    %select_n3A_1648 = arith.select %ge3A_1646, %add3A_1647, %broadcast_in_dim3A_1641 : vector<16xi1>, vector<16xi32>
    %ge3A_1649 = arith.constant 1.100000e+01 : f32
    %ge3A_1650 = vector.broadcast %ge3A_1649 : f32 to vector<16xf32>
    %ge3A_1651 = arith.cmpf oge, %get3A_1636, %ge3A_1650 : vector<16xf32>
    %add3A_1652 = arith.addi %select_n3A_1648, %broadcast_in_dim3A_1643 : vector<16xi32>
    %select_n3A_1653 = arith.select %ge3A_1651, %add3A_1652, %select_n3A_1648 : vector<16xi1>, vector<16xi32>
    %ge3A_1654 = arith.constant 2.100000e+01 : f32
    %ge3A_1655 = vector.broadcast %ge3A_1654 : f32 to vector<16xf32>
    %ge3A_1656 = arith.cmpf oge, %get3A_1636, %ge3A_1655 : vector<16xf32>
    %add3A_1657 = arith.addi %select_n3A_1653, %broadcast_in_dim3A_1643 : vector<16xi32>
    %select_n3A_1658 = arith.select %ge3A_1656, %add3A_1657, %select_n3A_1653 : vector<16xi1>, vector<16xi32>
    %ge3A_1659 = arith.constant 3.100000e+01 : f32
    %ge3A_1660 = vector.broadcast %ge3A_1659 : f32 to vector<16xf32>
    %ge3A_1661 = arith.cmpf oge, %get3A_1636, %ge3A_1660 : vector<16xf32>
    %add3A_1662 = arith.addi %select_n3A_1658, %broadcast_in_dim3A_1643 : vector<16xi32>
    %select_n3A_1663 = arith.select %ge3A_1661, %add3A_1662, %select_n3A_1658 : vector<16xi1>, vector<16xi32>
    %ge3A_1664 = arith.constant 4.100000e+01 : f32
    %ge3A_1665 = vector.broadcast %ge3A_1664 : f32 to vector<16xf32>
    %ge3A_1666 = arith.cmpf oge, %get3A_1636, %ge3A_1665 : vector<16xf32>
    %add3A_1667 = arith.addi %select_n3A_1663, %broadcast_in_dim3A_1643 : vector<16xi32>
    %select_n3A_1668 = arith.select %ge3A_1666, %add3A_1667, %select_n3A_1663 : vector<16xi1>, vector<16xi32>
    %ge3A_1669 = arith.constant 5.100000e+01 : f32
    %ge3A_1670 = vector.broadcast %ge3A_1669 : f32 to vector<16xf32>
    %ge3A_1671 = arith.cmpf oge, %get3A_1636, %ge3A_1670 : vector<16xf32>
    %add3A_1672 = arith.addi %select_n3A_1668, %broadcast_in_dim3A_1643 : vector<16xi32>
    %select_n3A_1673 = arith.select %ge3A_1671, %add3A_1672, %select_n3A_1668 : vector<16xi1>, vector<16xi32>
    %ge3A_1674 = arith.constant 6.100000e+01 : f32
    %ge3A_1675 = vector.broadcast %ge3A_1674 : f32 to vector<16xf32>
    %ge3A_1676 = arith.cmpf oge, %get3A_1636, %ge3A_1675 : vector<16xf32>
    %add3A_1677 = arith.addi %select_n3A_1673, %broadcast_in_dim3A_1643 : vector<16xi32>
    %select_n3A_1678 = arith.select %ge3A_1676, %add3A_1677, %select_n3A_1673 : vector<16xi1>, vector<16xi32>
    %ge3A_1679 = arith.constant 7.100000e+01 : f32
    %ge3A_1680 = vector.broadcast %ge3A_1679 : f32 to vector<16xf32>
    %ge3A_1681 = arith.cmpf oge, %get3A_1636, %ge3A_1680 : vector<16xf32>
    %add3A_1682 = arith.addi %select_n3A_1678, %broadcast_in_dim3A_1643 : vector<16xi32>
    %select_n3A_1683 = arith.select %ge3A_1681, %add3A_1682, %select_n3A_1678 : vector<16xi1>, vector<16xi32>
    %ge3A_1684 = arith.constant 8.100000e+01 : f32
    %ge3A_1685 = vector.broadcast %ge3A_1684 : f32 to vector<16xf32>
    %ge3A_1686 = arith.cmpf oge, %get3A_1636, %ge3A_1685 : vector<16xf32>
    %add3A_1687 = arith.addi %select_n3A_1683, %broadcast_in_dim3A_1643 : vector<16xi32>
    %select_n3A_1688 = arith.select %ge3A_1686, %add3A_1687, %select_n3A_1683 : vector<16xi1>, vector<16xi32>
    %ge3A_1689 = arith.constant 9.100000e+01 : f32
    %ge3A_1690 = vector.broadcast %ge3A_1689 : f32 to vector<16xf32>
    %ge3A_1691 = arith.cmpf oge, %get3A_1636, %ge3A_1690 : vector<16xf32>
    %add3A_1692 = arith.addi %select_n3A_1688, %broadcast_in_dim3A_1643 : vector<16xi32>
    %select_n3A_1693 = arith.select %ge3A_1691, %add3A_1692, %select_n3A_1688 : vector<16xi1>, vector<16xi32>
    %mul3A_1694 = arith.constant 128 : i32
    %mul3A_1695 = vector.broadcast %mul3A_1694 : i32 to vector<16xi32>
    %mul3A_1696 = arith.muli %select_n3A_1693, %mul3A_1695 : vector<16xi32>
    %add3A_1697 = arith.addi %get3A_1639, %mul3A_1696 : vector<16xi32>
    %swap3A_1698 = arith.constant 2 : i32
    %swap3A_1699 = arith.index_cast %swap3A_1698 : i32 to index
    %swap3A_1700 = arith.constant 112 : index
    %swap3A_1701 = tpu.vector_load %arg8[%swap3A_1699, %swap3A_1700] {strides = array<i32>} : memref<4x128xi32, #tpu.memory_space<vmem>>, vector<1x16xi32>,
    %swap3A_1702 = vector.shape_cast %swap3A_1701 : vector<1x16xi32> to vector<16xi32>
    %swap3A_1703 = vector.shape_cast %add3A_1697 : vector<16xi32> to vector<1x16xi32>
    tpu.vector_store %arg8[%swap3A_1699, %swap3A_1700], %swap3A_1703 {strides = array<i32>} : memref<4x128xi32, #tpu.memory_space<vmem>>, vector<1x16xi32>,
    %dma_start3A_1704 = arith.constant 2 : i32
    %dma_start3A_1705 = arith.constant 256 : i32
    %dma_start3A_1706 = arith.constant 0 : i32
    %dma_start3A_1707 = tpu.memref_slice %arg9[%dma_start3A_1705, %dma_start3A_1706] : memref<512x16xf32, #tpu.memory_space<vmem>> -> memref<128x16xf32, #tpu.memory_space<vmem>>
    %dma_start3A_1708 = arith.constant 0 : i32
    %dma_start3A_1709 = tpu.memref_slice %arg8[%dma_start3A_1704, %dma_start3A_1708] : memref<4x128xi32, #tpu.memory_space<vmem>> -> memref<1x128xi32, #tpu.memory_space<vmem>>
    %dma_start3A_1710 = tpu.memref_squeeze %dma_start3A_1709 : memref<1x128xi32, #tpu.memory_space<vmem>> -> memref<128xi32, #tpu.memory_space<vmem>>
    %dma_start3A_1711 = arith.constant 0 : i32
    %dma_start3A_1712 = arith.constant 0 : i32
    %dma_start3A_1713 = tpu.memref_slice %arg2[%dma_start3A_1711, %dma_start3A_1712] : memref<1408x16xf32, #tpu.memory_space<hbm>> -> memref<1408x16xf32, #tpu.memory_space<hbm>>
    tpu.enqueue_indirect_dma source(%dma_start3A_1713 : memref<1408x16xf32, #tpu.memory_space<hbm>>) target(%dma_start3A_1707 : memref<128x16xf32, #tpu.memory_space<vmem>>) offsets(%dma_start3A_1710 : memref<128xi32, #tpu.memory_space<vmem>>) semaphore(%arg11 : memref<!tpu.dma_semaphore, #tpu.memory_space<semaphore_mem>>)
    %get3A_1714 = arith.constant 384 : index
    %get3A_1715 = tpu.vector_load %arg7[%get3A_1714] {strides = array<i32>} : memref<512xf32, #tpu.memory_space<vmem>>, vector<16xf32>,
    %get3A_1716 = vector.shape_cast %get3A_1715 : vector<16xf32> to vector<16xf32>
    %get3A_1717 = arith.constant 384 : index
    %get3A_1718 = tpu.vector_load %arg6[%get3A_1717] {strides = array<i32>} : memref<512xi32, #tpu.memory_space<vmem>>, vector<16xi32>,
    %get3A_1719 = vector.shape_cast %get3A_1718 : vector<16xi32> to vector<16xi32>
    %broadcast_in_dim3A_1720 = arith.constant 0 : i32
    %broadcast_in_dim3A_1721 = vector.broadcast %broadcast_in_dim3A_1720 : i32 to vector<16xi32>
    %broadcast_in_dim3A_1722 = arith.constant 1 : i32
    %broadcast_in_dim3A_1723 = vector.broadcast %broadcast_in_dim3A_1722 : i32 to vector<16xi32>
    %ge3A_1724 = arith.constant 1.000000e+00 : f32
    %ge3A_1725 = vector.broadcast %ge3A_1724 : f32 to vector<16xf32>
    %ge3A_1726 = arith.cmpf oge, %get3A_1716, %ge3A_1725 : vector<16xf32>
    %add3A_1727 = arith.addi %broadcast_in_dim3A_1721, %broadcast_in_dim3A_1723 : vector<16xi32>
    %select_n3A_1728 = arith.select %ge3A_1726, %add3A_1727, %broadcast_in_dim3A_1721 : vector<16xi1>, vector<16xi32>
    %ge3A_1729 = arith.constant 1.100000e+01 : f32
    %ge3A_1730 = vector.broadcast %ge3A_1729 : f32 to vector<16xf32>
    %ge3A_1731 = arith.cmpf oge, %get3A_1716, %ge3A_1730 : vector<16xf32>
    %add3A_1732 = arith.addi %select_n3A_1728, %broadcast_in_dim3A_1723 : vector<16xi32>
    %select_n3A_1733 = arith.select %ge3A_1731, %add3A_1732, %select_n3A_1728 : vector<16xi1>, vector<16xi32>
    %ge3A_1734 = arith.constant 2.100000e+01 : f32
    %ge3A_1735 = vector.broadcast %ge3A_1734 : f32 to vector<16xf32>
    %ge3A_1736 = arith.cmpf oge, %get3A_1716, %ge3A_1735 : vector<16xf32>
    %add3A_1737 = arith.addi %select_n3A_1733, %broadcast_in_dim3A_1723 : vector<16xi32>
    %select_n3A_1738 = arith.select %ge3A_1736, %add3A_1737, %select_n3A_1733 : vector<16xi1>, vector<16xi32>
    %ge3A_1739 = arith.constant 3.100000e+01 : f32
    %ge3A_1740 = vector.broadcast %ge3A_1739 : f32 to vector<16xf32>
    %ge3A_1741 = arith.cmpf oge, %get3A_1716, %ge3A_1740 : vector<16xf32>
    %add3A_1742 = arith.addi %select_n3A_1738, %broadcast_in_dim3A_1723 : vector<16xi32>
    %select_n3A_1743 = arith.select %ge3A_1741, %add3A_1742, %select_n3A_1738 : vector<16xi1>, vector<16xi32>
    %ge3A_1744 = arith.constant 4.100000e+01 : f32
    %ge3A_1745 = vector.broadcast %ge3A_1744 : f32 to vector<16xf32>
    %ge3A_1746 = arith.cmpf oge, %get3A_1716, %ge3A_1745 : vector<16xf32>
    %add3A_1747 = arith.addi %select_n3A_1743, %broadcast_in_dim3A_1723 : vector<16xi32>
    %select_n3A_1748 = arith.select %ge3A_1746, %add3A_1747, %select_n3A_1743 : vector<16xi1>, vector<16xi32>
    %ge3A_1749 = arith.constant 5.100000e+01 : f32
    %ge3A_1750 = vector.broadcast %ge3A_1749 : f32 to vector<16xf32>
    %ge3A_1751 = arith.cmpf oge, %get3A_1716, %ge3A_1750 : vector<16xf32>
    %add3A_1752 = arith.addi %select_n3A_1748, %broadcast_in_dim3A_1723 : vector<16xi32>
    %select_n3A_1753 = arith.select %ge3A_1751, %add3A_1752, %select_n3A_1748 : vector<16xi1>, vector<16xi32>
    %ge3A_1754 = arith.constant 6.100000e+01 : f32
    %ge3A_1755 = vector.broadcast %ge3A_1754 : f32 to vector<16xf32>
    %ge3A_1756 = arith.cmpf oge, %get3A_1716, %ge3A_1755 : vector<16xf32>
    %add3A_1757 = arith.addi %select_n3A_1753, %broadcast_in_dim3A_1723 : vector<16xi32>
    %select_n3A_1758 = arith.select %ge3A_1756, %add3A_1757, %select_n3A_1753 : vector<16xi1>, vector<16xi32>
    %ge3A_1759 = arith.constant 7.100000e+01 : f32
    %ge3A_1760 = vector.broadcast %ge3A_1759 : f32 to vector<16xf32>
    %ge3A_1761 = arith.cmpf oge, %get3A_1716, %ge3A_1760 : vector<16xf32>
    %add3A_1762 = arith.addi %select_n3A_1758, %broadcast_in_dim3A_1723 : vector<16xi32>
    %select_n3A_1763 = arith.select %ge3A_1761, %add3A_1762, %select_n3A_1758 : vector<16xi1>, vector<16xi32>
    %ge3A_1764 = arith.constant 8.100000e+01 : f32
    %ge3A_1765 = vector.broadcast %ge3A_1764 : f32 to vector<16xf32>
    %ge3A_1766 = arith.cmpf oge, %get3A_1716, %ge3A_1765 : vector<16xf32>
    %add3A_1767 = arith.addi %select_n3A_1763, %broadcast_in_dim3A_1723 : vector<16xi32>
    %select_n3A_1768 = arith.select %ge3A_1766, %add3A_1767, %select_n3A_1763 : vector<16xi1>, vector<16xi32>
    %ge3A_1769 = arith.constant 9.100000e+01 : f32
    %ge3A_1770 = vector.broadcast %ge3A_1769 : f32 to vector<16xf32>
    %ge3A_1771 = arith.cmpf oge, %get3A_1716, %ge3A_1770 : vector<16xf32>
    %add3A_1772 = arith.addi %select_n3A_1768, %broadcast_in_dim3A_1723 : vector<16xi32>
    %select_n3A_1773 = arith.select %ge3A_1771, %add3A_1772, %select_n3A_1768 : vector<16xi1>, vector<16xi32>
    %mul3A_1774 = arith.constant 128 : i32
    %mul3A_1775 = vector.broadcast %mul3A_1774 : i32 to vector<16xi32>
    %mul3A_1776 = arith.muli %select_n3A_1773, %mul3A_1775 : vector<16xi32>
    %add3A_1777 = arith.addi %get3A_1719, %mul3A_1776 : vector<16xi32>
    %swap3A_1778 = arith.constant 3 : i32
    %swap3A_1779 = arith.index_cast %swap3A_1778 : i32 to index
    %swap3A_1780 = arith.constant 0 : index
    %swap3A_1781 = tpu.vector_load %arg8[%swap3A_1779, %swap3A_1780] {strides = array<i32>} : memref<4x128xi32, #tpu.memory_space<vmem>>, vector<1x16xi32>,
    %swap3A_1782 = vector.shape_cast %swap3A_1781 : vector<1x16xi32> to vector<16xi32>
    %swap3A_1783 = vector.shape_cast %add3A_1777 : vector<16xi32> to vector<1x16xi32>
    tpu.vector_store %arg8[%swap3A_1779, %swap3A_1780], %swap3A_1783 {strides = array<i32>} : memref<4x128xi32, #tpu.memory_space<vmem>>, vector<1x16xi32>,
    %get3A_1784 = arith.constant 400 : index
    %get3A_1785 = tpu.vector_load %arg7[%get3A_1784] {strides = array<i32>} : memref<512xf32, #tpu.memory_space<vmem>>, vector<16xf32>,
    %get3A_1786 = vector.shape_cast %get3A_1785 : vector<16xf32> to vector<16xf32>
    %get3A_1787 = arith.constant 400 : index
    %get3A_1788 = tpu.vector_load %arg6[%get3A_1787] {strides = array<i32>} : memref<512xi32, #tpu.memory_space<vmem>>, vector<16xi32>,
    %get3A_1789 = vector.shape_cast %get3A_1788 : vector<16xi32> to vector<16xi32>
    %broadcast_in_dim3A_1790 = arith.constant 0 : i32
    %broadcast_in_dim3A_1791 = vector.broadcast %broadcast_in_dim3A_1790 : i32 to vector<16xi32>
    %broadcast_in_dim3A_1792 = arith.constant 1 : i32
    %broadcast_in_dim3A_1793 = vector.broadcast %broadcast_in_dim3A_1792 : i32 to vector<16xi32>
    %ge3A_1794 = arith.constant 1.000000e+00 : f32
    %ge3A_1795 = vector.broadcast %ge3A_1794 : f32 to vector<16xf32>
    %ge3A_1796 = arith.cmpf oge, %get3A_1786, %ge3A_1795 : vector<16xf32>
    %add3A_1797 = arith.addi %broadcast_in_dim3A_1791, %broadcast_in_dim3A_1793 : vector<16xi32>
    %select_n3A_1798 = arith.select %ge3A_1796, %add3A_1797, %broadcast_in_dim3A_1791 : vector<16xi1>, vector<16xi32>
    %ge3A_1799 = arith.constant 1.100000e+01 : f32
    %ge3A_1800 = vector.broadcast %ge3A_1799 : f32 to vector<16xf32>
    %ge3A_1801 = arith.cmpf oge, %get3A_1786, %ge3A_1800 : vector<16xf32>
    %add3A_1802 = arith.addi %select_n3A_1798, %broadcast_in_dim3A_1793 : vector<16xi32>
    %select_n3A_1803 = arith.select %ge3A_1801, %add3A_1802, %select_n3A_1798 : vector<16xi1>, vector<16xi32>
    %ge3A_1804 = arith.constant 2.100000e+01 : f32
    %ge3A_1805 = vector.broadcast %ge3A_1804 : f32 to vector<16xf32>
    %ge3A_1806 = arith.cmpf oge, %get3A_1786, %ge3A_1805 : vector<16xf32>
    %add3A_1807 = arith.addi %select_n3A_1803, %broadcast_in_dim3A_1793 : vector<16xi32>
    %select_n3A_1808 = arith.select %ge3A_1806, %add3A_1807, %select_n3A_1803 : vector<16xi1>, vector<16xi32>
    %ge3A_1809 = arith.constant 3.100000e+01 : f32
    %ge3A_1810 = vector.broadcast %ge3A_1809 : f32 to vector<16xf32>
    %ge3A_1811 = arith.cmpf oge, %get3A_1786, %ge3A_1810 : vector<16xf32>
    %add3A_1812 = arith.addi %select_n3A_1808, %broadcast_in_dim3A_1793 : vector<16xi32>
    %select_n3A_1813 = arith.select %ge3A_1811, %add3A_1812, %select_n3A_1808 : vector<16xi1>, vector<16xi32>
    %ge3A_1814 = arith.constant 4.100000e+01 : f32
    %ge3A_1815 = vector.broadcast %ge3A_1814 : f32 to vector<16xf32>
    %ge3A_1816 = arith.cmpf oge, %get3A_1786, %ge3A_1815 : vector<16xf32>
    %add3A_1817 = arith.addi %select_n3A_1813, %broadcast_in_dim3A_1793 : vector<16xi32>
    %select_n3A_1818 = arith.select %ge3A_1816, %add3A_1817, %select_n3A_1813 : vector<16xi1>, vector<16xi32>
    %ge3A_1819 = arith.constant 5.100000e+01 : f32
    %ge3A_1820 = vector.broadcast %ge3A_1819 : f32 to vector<16xf32>
    %ge3A_1821 = arith.cmpf oge, %get3A_1786, %ge3A_1820 : vector<16xf32>
    %add3A_1822 = arith.addi %select_n3A_1818, %broadcast_in_dim3A_1793 : vector<16xi32>
    %select_n3A_1823 = arith.select %ge3A_1821, %add3A_1822, %select_n3A_1818 : vector<16xi1>, vector<16xi32>
    %ge3A_1824 = arith.constant 6.100000e+01 : f32
    %ge3A_1825 = vector.broadcast %ge3A_1824 : f32 to vector<16xf32>
    %ge3A_1826 = arith.cmpf oge, %get3A_1786, %ge3A_1825 : vector<16xf32>
    %add3A_1827 = arith.addi %select_n3A_1823, %broadcast_in_dim3A_1793 : vector<16xi32>
    %select_n3A_1828 = arith.select %ge3A_1826, %add3A_1827, %select_n3A_1823 : vector<16xi1>, vector<16xi32>
    %ge3A_1829 = arith.constant 7.100000e+01 : f32
    %ge3A_1830 = vector.broadcast %ge3A_1829 : f32 to vector<16xf32>
    %ge3A_1831 = arith.cmpf oge, %get3A_1786, %ge3A_1830 : vector<16xf32>
    %add3A_1832 = arith.addi %select_n3A_1828, %broadcast_in_dim3A_1793 : vector<16xi32>
    %select_n3A_1833 = arith.select %ge3A_1831, %add3A_1832, %select_n3A_1828 : vector<16xi1>, vector<16xi32>
    %ge3A_1834 = arith.constant 8.100000e+01 : f32
    %ge3A_1835 = vector.broadcast %ge3A_1834 : f32 to vector<16xf32>
    %ge3A_1836 = arith.cmpf oge, %get3A_1786, %ge3A_1835 : vector<16xf32>
    %add3A_1837 = arith.addi %select_n3A_1833, %broadcast_in_dim3A_1793 : vector<16xi32>
    %select_n3A_1838 = arith.select %ge3A_1836, %add3A_1837, %select_n3A_1833 : vector<16xi1>, vector<16xi32>
    %ge3A_1839 = arith.constant 9.100000e+01 : f32
    %ge3A_1840 = vector.broadcast %ge3A_1839 : f32 to vector<16xf32>
    %ge3A_1841 = arith.cmpf oge, %get3A_1786, %ge3A_1840 : vector<16xf32>
    %add3A_1842 = arith.addi %select_n3A_1838, %broadcast_in_dim3A_1793 : vector<16xi32>
    %select_n3A_1843 = arith.select %ge3A_1841, %add3A_1842, %select_n3A_1838 : vector<16xi1>, vector<16xi32>
    %mul3A_1844 = arith.constant 128 : i32
    %mul3A_1845 = vector.broadcast %mul3A_1844 : i32 to vector<16xi32>
    %mul3A_1846 = arith.muli %select_n3A_1843, %mul3A_1845 : vector<16xi32>
    %add3A_1847 = arith.addi %get3A_1789, %mul3A_1846 : vector<16xi32>
    %swap3A_1848 = arith.constant 3 : i32
    %swap3A_1849 = arith.index_cast %swap3A_1848 : i32 to index
    %swap3A_1850 = arith.constant 16 : index
    %swap3A_1851 = tpu.vector_load %arg8[%swap3A_1849, %swap3A_1850] {strides = array<i32>} : memref<4x128xi32, #tpu.memory_space<vmem>>, vector<1x16xi32>,
    %swap3A_1852 = vector.shape_cast %swap3A_1851 : vector<1x16xi32> to vector<16xi32>
    %swap3A_1853 = vector.shape_cast %add3A_1847 : vector<16xi32> to vector<1x16xi32>
    tpu.vector_store %arg8[%swap3A_1849, %swap3A_1850], %swap3A_1853 {strides = array<i32>} : memref<4x128xi32, #tpu.memory_space<vmem>>, vector<1x16xi32>,
    %get3A_1854 = arith.constant 416 : index
    %get3A_1855 = tpu.vector_load %arg7[%get3A_1854] {strides = array<i32>} : memref<512xf32, #tpu.memory_space<vmem>>, vector<16xf32>,
    %get3A_1856 = vector.shape_cast %get3A_1855 : vector<16xf32> to vector<16xf32>
    %get3A_1857 = arith.constant 416 : index
    %get3A_1858 = tpu.vector_load %arg6[%get3A_1857] {strides = array<i32>} : memref<512xi32, #tpu.memory_space<vmem>>, vector<16xi32>,
    %get3A_1859 = vector.shape_cast %get3A_1858 : vector<16xi32> to vector<16xi32>
    %broadcast_in_dim3A_1860 = arith.constant 0 : i32
    %broadcast_in_dim3A_1861 = vector.broadcast %broadcast_in_dim3A_1860 : i32 to vector<16xi32>
    %broadcast_in_dim3A_1862 = arith.constant 1 : i32
    %broadcast_in_dim3A_1863 = vector.broadcast %broadcast_in_dim3A_1862 : i32 to vector<16xi32>
    %ge3A_1864 = arith.constant 1.000000e+00 : f32
    %ge3A_1865 = vector.broadcast %ge3A_1864 : f32 to vector<16xf32>
    %ge3A_1866 = arith.cmpf oge, %get3A_1856, %ge3A_1865 : vector<16xf32>
    %add3A_1867 = arith.addi %broadcast_in_dim3A_1861, %broadcast_in_dim3A_1863 : vector<16xi32>
    %select_n3A_1868 = arith.select %ge3A_1866, %add3A_1867, %broadcast_in_dim3A_1861 : vector<16xi1>, vector<16xi32>
    %ge3A_1869 = arith.constant 1.100000e+01 : f32
    %ge3A_1870 = vector.broadcast %ge3A_1869 : f32 to vector<16xf32>
    %ge3A_1871 = arith.cmpf oge, %get3A_1856, %ge3A_1870 : vector<16xf32>
    %add3A_1872 = arith.addi %select_n3A_1868, %broadcast_in_dim3A_1863 : vector<16xi32>
    %select_n3A_1873 = arith.select %ge3A_1871, %add3A_1872, %select_n3A_1868 : vector<16xi1>, vector<16xi32>
    %ge3A_1874 = arith.constant 2.100000e+01 : f32
    %ge3A_1875 = vector.broadcast %ge3A_1874 : f32 to vector<16xf32>
    %ge3A_1876 = arith.cmpf oge, %get3A_1856, %ge3A_1875 : vector<16xf32>
    %add3A_1877 = arith.addi %select_n3A_1873, %broadcast_in_dim3A_1863 : vector<16xi32>
    %select_n3A_1878 = arith.select %ge3A_1876, %add3A_1877, %select_n3A_1873 : vector<16xi1>, vector<16xi32>
    %ge3A_1879 = arith.constant 3.100000e+01 : f32
    %ge3A_1880 = vector.broadcast %ge3A_1879 : f32 to vector<16xf32>
    %ge3A_1881 = arith.cmpf oge, %get3A_1856, %ge3A_1880 : vector<16xf32>
    %add3A_1882 = arith.addi %select_n3A_1878, %broadcast_in_dim3A_1863 : vector<16xi32>
    %select_n3A_1883 = arith.select %ge3A_1881, %add3A_1882, %select_n3A_1878 : vector<16xi1>, vector<16xi32>
    %ge3A_1884 = arith.constant 4.100000e+01 : f32
    %ge3A_1885 = vector.broadcast %ge3A_1884 : f32 to vector<16xf32>
    %ge3A_1886 = arith.cmpf oge, %get3A_1856, %ge3A_1885 : vector<16xf32>
    %add3A_1887 = arith.addi %select_n3A_1883, %broadcast_in_dim3A_1863 : vector<16xi32>
    %select_n3A_1888 = arith.select %ge3A_1886, %add3A_1887, %select_n3A_1883 : vector<16xi1>, vector<16xi32>
    %ge3A_1889 = arith.constant 5.100000e+01 : f32
    %ge3A_1890 = vector.broadcast %ge3A_1889 : f32 to vector<16xf32>
    %ge3A_1891 = arith.cmpf oge, %get3A_1856, %ge3A_1890 : vector<16xf32>
    %add3A_1892 = arith.addi %select_n3A_1888, %broadcast_in_dim3A_1863 : vector<16xi32>
    %select_n3A_1893 = arith.select %ge3A_1891, %add3A_1892, %select_n3A_1888 : vector<16xi1>, vector<16xi32>
    %ge3A_1894 = arith.constant 6.100000e+01 : f32
    %ge3A_1895 = vector.broadcast %ge3A_1894 : f32 to vector<16xf32>
    %ge3A_1896 = arith.cmpf oge, %get3A_1856, %ge3A_1895 : vector<16xf32>
    %add3A_1897 = arith.addi %select_n3A_1893, %broadcast_in_dim3A_1863 : vector<16xi32>
    %select_n3A_1898 = arith.select %ge3A_1896, %add3A_1897, %select_n3A_1893 : vector<16xi1>, vector<16xi32>
    %ge3A_1899 = arith.constant 7.100000e+01 : f32
    %ge3A_1900 = vector.broadcast %ge3A_1899 : f32 to vector<16xf32>
    %ge3A_1901 = arith.cmpf oge, %get3A_1856, %ge3A_1900 : vector<16xf32>
    %add3A_1902 = arith.addi %select_n3A_1898, %broadcast_in_dim3A_1863 : vector<16xi32>
    %select_n3A_1903 = arith.select %ge3A_1901, %add3A_1902, %select_n3A_1898 : vector<16xi1>, vector<16xi32>
    %ge3A_1904 = arith.constant 8.100000e+01 : f32
    %ge3A_1905 = vector.broadcast %ge3A_1904 : f32 to vector<16xf32>
    %ge3A_1906 = arith.cmpf oge, %get3A_1856, %ge3A_1905 : vector<16xf32>
    %add3A_1907 = arith.addi %select_n3A_1903, %broadcast_in_dim3A_1863 : vector<16xi32>
    %select_n3A_1908 = arith.select %ge3A_1906, %add3A_1907, %select_n3A_1903 : vector<16xi1>, vector<16xi32>
    %ge3A_1909 = arith.constant 9.100000e+01 : f32
    %ge3A_1910 = vector.broadcast %ge3A_1909 : f32 to vector<16xf32>
    %ge3A_1911 = arith.cmpf oge, %get3A_1856, %ge3A_1910 : vector<16xf32>
    %add3A_1912 = arith.addi %select_n3A_1908, %broadcast_in_dim3A_1863 : vector<16xi32>
    %select_n3A_1913 = arith.select %ge3A_1911, %add3A_1912, %select_n3A_1908 : vector<16xi1>, vector<16xi32>
    %mul3A_1914 = arith.constant 128 : i32
    %mul3A_1915 = vector.broadcast %mul3A_1914 : i32 to vector<16xi32>
    %mul3A_1916 = arith.muli %select_n3A_1913, %mul3A_1915 : vector<16xi32>
    %add3A_1917 = arith.addi %get3A_1859, %mul3A_1916 : vector<16xi32>
    %swap3A_1918 = arith.constant 3 : i32
    %swap3A_1919 = arith.index_cast %swap3A_1918 : i32 to index
    %swap3A_1920 = arith.constant 32 : index
    %swap3A_1921 = tpu.vector_load %arg8[%swap3A_1919, %swap3A_1920] {strides = array<i32>} : memref<4x128xi32, #tpu.memory_space<vmem>>, vector<1x16xi32>,
    %swap3A_1922 = vector.shape_cast %swap3A_1921 : vector<1x16xi32> to vector<16xi32>
    %swap3A_1923 = vector.shape_cast %add3A_1917 : vector<16xi32> to vector<1x16xi32>
    tpu.vector_store %arg8[%swap3A_1919, %swap3A_1920], %swap3A_1923 {strides = array<i32>} : memref<4x128xi32, #tpu.memory_space<vmem>>, vector<1x16xi32>,
    %get3A_1924 = arith.constant 432 : index
    %get3A_1925 = tpu.vector_load %arg7[%get3A_1924] {strides = array<i32>} : memref<512xf32, #tpu.memory_space<vmem>>, vector<16xf32>,
    %get3A_1926 = vector.shape_cast %get3A_1925 : vector<16xf32> to vector<16xf32>
    %get3A_1927 = arith.constant 432 : index
    %get3A_1928 = tpu.vector_load %arg6[%get3A_1927] {strides = array<i32>} : memref<512xi32, #tpu.memory_space<vmem>>, vector<16xi32>,
    %get3A_1929 = vector.shape_cast %get3A_1928 : vector<16xi32> to vector<16xi32>
    %broadcast_in_dim3A_1930 = arith.constant 0 : i32
    %broadcast_in_dim3A_1931 = vector.broadcast %broadcast_in_dim3A_1930 : i32 to vector<16xi32>
    %broadcast_in_dim3A_1932 = arith.constant 1 : i32
    %broadcast_in_dim3A_1933 = vector.broadcast %broadcast_in_dim3A_1932 : i32 to vector<16xi32>
    %ge3A_1934 = arith.constant 1.000000e+00 : f32
    %ge3A_1935 = vector.broadcast %ge3A_1934 : f32 to vector<16xf32>
    %ge3A_1936 = arith.cmpf oge, %get3A_1926, %ge3A_1935 : vector<16xf32>
    %add3A_1937 = arith.addi %broadcast_in_dim3A_1931, %broadcast_in_dim3A_1933 : vector<16xi32>
    %select_n3A_1938 = arith.select %ge3A_1936, %add3A_1937, %broadcast_in_dim3A_1931 : vector<16xi1>, vector<16xi32>
    %ge3A_1939 = arith.constant 1.100000e+01 : f32
    %ge3A_1940 = vector.broadcast %ge3A_1939 : f32 to vector<16xf32>
    %ge3A_1941 = arith.cmpf oge, %get3A_1926, %ge3A_1940 : vector<16xf32>
    %add3A_1942 = arith.addi %select_n3A_1938, %broadcast_in_dim3A_1933 : vector<16xi32>
    %select_n3A_1943 = arith.select %ge3A_1941, %add3A_1942, %select_n3A_1938 : vector<16xi1>, vector<16xi32>
    %ge3A_1944 = arith.constant 2.100000e+01 : f32
    %ge3A_1945 = vector.broadcast %ge3A_1944 : f32 to vector<16xf32>
    %ge3A_1946 = arith.cmpf oge, %get3A_1926, %ge3A_1945 : vector<16xf32>
    %add3A_1947 = arith.addi %select_n3A_1943, %broadcast_in_dim3A_1933 : vector<16xi32>
    %select_n3A_1948 = arith.select %ge3A_1946, %add3A_1947, %select_n3A_1943 : vector<16xi1>, vector<16xi32>
    %ge3A_1949 = arith.constant 3.100000e+01 : f32
    %ge3A_1950 = vector.broadcast %ge3A_1949 : f32 to vector<16xf32>
    %ge3A_1951 = arith.cmpf oge, %get3A_1926, %ge3A_1950 : vector<16xf32>
    %add3A_1952 = arith.addi %select_n3A_1948, %broadcast_in_dim3A_1933 : vector<16xi32>
    %select_n3A_1953 = arith.select %ge3A_1951, %add3A_1952, %select_n3A_1948 : vector<16xi1>, vector<16xi32>
    %ge3A_1954 = arith.constant 4.100000e+01 : f32
    %ge3A_1955 = vector.broadcast %ge3A_1954 : f32 to vector<16xf32>
    %ge3A_1956 = arith.cmpf oge, %get3A_1926, %ge3A_1955 : vector<16xf32>
    %add3A_1957 = arith.addi %select_n3A_1953, %broadcast_in_dim3A_1933 : vector<16xi32>
    %select_n3A_1958 = arith.select %ge3A_1956, %add3A_1957, %select_n3A_1953 : vector<16xi1>, vector<16xi32>
    %ge3A_1959 = arith.constant 5.100000e+01 : f32
    %ge3A_1960 = vector.broadcast %ge3A_1959 : f32 to vector<16xf32>
    %ge3A_1961 = arith.cmpf oge, %get3A_1926, %ge3A_1960 : vector<16xf32>
    %add3A_1962 = arith.addi %select_n3A_1958, %broadcast_in_dim3A_1933 : vector<16xi32>
    %select_n3A_1963 = arith.select %ge3A_1961, %add3A_1962, %select_n3A_1958 : vector<16xi1>, vector<16xi32>
    %ge3A_1964 = arith.constant 6.100000e+01 : f32
    %ge3A_1965 = vector.broadcast %ge3A_1964 : f32 to vector<16xf32>
    %ge3A_1966 = arith.cmpf oge, %get3A_1926, %ge3A_1965 : vector<16xf32>
    %add3A_1967 = arith.addi %select_n3A_1963, %broadcast_in_dim3A_1933 : vector<16xi32>
    %select_n3A_1968 = arith.select %ge3A_1966, %add3A_1967, %select_n3A_1963 : vector<16xi1>, vector<16xi32>
    %ge3A_1969 = arith.constant 7.100000e+01 : f32
    %ge3A_1970 = vector.broadcast %ge3A_1969 : f32 to vector<16xf32>
    %ge3A_1971 = arith.cmpf oge, %get3A_1926, %ge3A_1970 : vector<16xf32>
    %add3A_1972 = arith.addi %select_n3A_1968, %broadcast_in_dim3A_1933 : vector<16xi32>
    %select_n3A_1973 = arith.select %ge3A_1971, %add3A_1972, %select_n3A_1968 : vector<16xi1>, vector<16xi32>
    %ge3A_1974 = arith.constant 8.100000e+01 : f32
    %ge3A_1975 = vector.broadcast %ge3A_1974 : f32 to vector<16xf32>
    %ge3A_1976 = arith.cmpf oge, %get3A_1926, %ge3A_1975 : vector<16xf32>
    %add3A_1977 = arith.addi %select_n3A_1973, %broadcast_in_dim3A_1933 : vector<16xi32>
    %select_n3A_1978 = arith.select %ge3A_1976, %add3A_1977, %select_n3A_1973 : vector<16xi1>, vector<16xi32>
    %ge3A_1979 = arith.constant 9.100000e+01 : f32
    %ge3A_1980 = vector.broadcast %ge3A_1979 : f32 to vector<16xf32>
    %ge3A_1981 = arith.cmpf oge, %get3A_1926, %ge3A_1980 : vector<16xf32>
    %add3A_1982 = arith.addi %select_n3A_1978, %broadcast_in_dim3A_1933 : vector<16xi32>
    %select_n3A_1983 = arith.select %ge3A_1981, %add3A_1982, %select_n3A_1978 : vector<16xi1>, vector<16xi32>
    %mul3A_1984 = arith.constant 128 : i32
    %mul3A_1985 = vector.broadcast %mul3A_1984 : i32 to vector<16xi32>
    %mul3A_1986 = arith.muli %select_n3A_1983, %mul3A_1985 : vector<16xi32>
    %add3A_1987 = arith.addi %get3A_1929, %mul3A_1986 : vector<16xi32>
    %swap3A_1988 = arith.constant 3 : i32
    %swap3A_1989 = arith.index_cast %swap3A_1988 : i32 to index
    %swap3A_1990 = arith.constant 48 : index
    %swap3A_1991 = tpu.vector_load %arg8[%swap3A_1989, %swap3A_1990] {strides = array<i32>} : memref<4x128xi32, #tpu.memory_space<vmem>>, vector<1x16xi32>,
    %swap3A_1992 = vector.shape_cast %swap3A_1991 : vector<1x16xi32> to vector<16xi32>
    %swap3A_1993 = vector.shape_cast %add3A_1987 : vector<16xi32> to vector<1x16xi32>
    tpu.vector_store %arg8[%swap3A_1989, %swap3A_1990], %swap3A_1993 {strides = array<i32>} : memref<4x128xi32, #tpu.memory_space<vmem>>, vector<1x16xi32>,
    %get3A_1994 = arith.constant 448 : index
    %get3A_1995 = tpu.vector_load %arg7[%get3A_1994] {strides = array<i32>} : memref<512xf32, #tpu.memory_space<vmem>>, vector<16xf32>,
    %get3A_1996 = vector.shape_cast %get3A_1995 : vector<16xf32> to vector<16xf32>
    %get3A_1997 = arith.constant 448 : index
    %get3A_1998 = tpu.vector_load %arg6[%get3A_1997] {strides = array<i32>} : memref<512xi32, #tpu.memory_space<vmem>>, vector<16xi32>,
    %get3A_1999 = vector.shape_cast %get3A_1998 : vector<16xi32> to vector<16xi32>
    %broadcast_in_dim3A_2000 = arith.constant 0 : i32
    %broadcast_in_dim3A_2001 = vector.broadcast %broadcast_in_dim3A_2000 : i32 to vector<16xi32>
    %broadcast_in_dim3A_2002 = arith.constant 1 : i32
    %broadcast_in_dim3A_2003 = vector.broadcast %broadcast_in_dim3A_2002 : i32 to vector<16xi32>
    %ge3A_2004 = arith.constant 1.000000e+00 : f32
    %ge3A_2005 = vector.broadcast %ge3A_2004 : f32 to vector<16xf32>
    %ge3A_2006 = arith.cmpf oge, %get3A_1996, %ge3A_2005 : vector<16xf32>
    %add3A_2007 = arith.addi %broadcast_in_dim3A_2001, %broadcast_in_dim3A_2003 : vector<16xi32>
    %select_n3A_2008 = arith.select %ge3A_2006, %add3A_2007, %broadcast_in_dim3A_2001 : vector<16xi1>, vector<16xi32>
    %ge3A_2009 = arith.constant 1.100000e+01 : f32
    %ge3A_2010 = vector.broadcast %ge3A_2009 : f32 to vector<16xf32>
    %ge3A_2011 = arith.cmpf oge, %get3A_1996, %ge3A_2010 : vector<16xf32>
    %add3A_2012 = arith.addi %select_n3A_2008, %broadcast_in_dim3A_2003 : vector<16xi32>
    %select_n3A_2013 = arith.select %ge3A_2011, %add3A_2012, %select_n3A_2008 : vector<16xi1>, vector<16xi32>
    %ge3A_2014 = arith.constant 2.100000e+01 : f32
    %ge3A_2015 = vector.broadcast %ge3A_2014 : f32 to vector<16xf32>
    %ge3A_2016 = arith.cmpf oge, %get3A_1996, %ge3A_2015 : vector<16xf32>
    %add3A_2017 = arith.addi %select_n3A_2013, %broadcast_in_dim3A_2003 : vector<16xi32>
    %select_n3A_2018 = arith.select %ge3A_2016, %add3A_2017, %select_n3A_2013 : vector<16xi1>, vector<16xi32>
    %ge3A_2019 = arith.constant 3.100000e+01 : f32
    %ge3A_2020 = vector.broadcast %ge3A_2019 : f32 to vector<16xf32>
    %ge3A_2021 = arith.cmpf oge, %get3A_1996, %ge3A_2020 : vector<16xf32>
    %add3A_2022 = arith.addi %select_n3A_2018, %broadcast_in_dim3A_2003 : vector<16xi32>
    %select_n3A_2023 = arith.select %ge3A_2021, %add3A_2022, %select_n3A_2018 : vector<16xi1>, vector<16xi32>
    %ge3A_2024 = arith.constant 4.100000e+01 : f32
    %ge3A_2025 = vector.broadcast %ge3A_2024 : f32 to vector<16xf32>
    %ge3A_2026 = arith.cmpf oge, %get3A_1996, %ge3A_2025 : vector<16xf32>
    %add3A_2027 = arith.addi %select_n3A_2023, %broadcast_in_dim3A_2003 : vector<16xi32>
    %select_n3A_2028 = arith.select %ge3A_2026, %add3A_2027, %select_n3A_2023 : vector<16xi1>, vector<16xi32>
    %ge3A_2029 = arith.constant 5.100000e+01 : f32
    %ge3A_2030 = vector.broadcast %ge3A_2029 : f32 to vector<16xf32>
    %ge3A_2031 = arith.cmpf oge, %get3A_1996, %ge3A_2030 : vector<16xf32>
    %add3A_2032 = arith.addi %select_n3A_2028, %broadcast_in_dim3A_2003 : vector<16xi32>
    %select_n3A_2033 = arith.select %ge3A_2031, %add3A_2032, %select_n3A_2028 : vector<16xi1>, vector<16xi32>
    %ge3A_2034 = arith.constant 6.100000e+01 : f32
    %ge3A_2035 = vector.broadcast %ge3A_2034 : f32 to vector<16xf32>
    %ge3A_2036 = arith.cmpf oge, %get3A_1996, %ge3A_2035 : vector<16xf32>
    %add3A_2037 = arith.addi %select_n3A_2033, %broadcast_in_dim3A_2003 : vector<16xi32>
    %select_n3A_2038 = arith.select %ge3A_2036, %add3A_2037, %select_n3A_2033 : vector<16xi1>, vector<16xi32>
    %ge3A_2039 = arith.constant 7.100000e+01 : f32
    %ge3A_2040 = vector.broadcast %ge3A_2039 : f32 to vector<16xf32>
    %ge3A_2041 = arith.cmpf oge, %get3A_1996, %ge3A_2040 : vector<16xf32>
    %add3A_2042 = arith.addi %select_n3A_2038, %broadcast_in_dim3A_2003 : vector<16xi32>
    %select_n3A_2043 = arith.select %ge3A_2041, %add3A_2042, %select_n3A_2038 : vector<16xi1>, vector<16xi32>
    %ge3A_2044 = arith.constant 8.100000e+01 : f32
    %ge3A_2045 = vector.broadcast %ge3A_2044 : f32 to vector<16xf32>
    %ge3A_2046 = arith.cmpf oge, %get3A_1996, %ge3A_2045 : vector<16xf32>
    %add3A_2047 = arith.addi %select_n3A_2043, %broadcast_in_dim3A_2003 : vector<16xi32>
    %select_n3A_2048 = arith.select %ge3A_2046, %add3A_2047, %select_n3A_2043 : vector<16xi1>, vector<16xi32>
    %ge3A_2049 = arith.constant 9.100000e+01 : f32
    %ge3A_2050 = vector.broadcast %ge3A_2049 : f32 to vector<16xf32>
    %ge3A_2051 = arith.cmpf oge, %get3A_1996, %ge3A_2050 : vector<16xf32>
    %add3A_2052 = arith.addi %select_n3A_2048, %broadcast_in_dim3A_2003 : vector<16xi32>
    %select_n3A_2053 = arith.select %ge3A_2051, %add3A_2052, %select_n3A_2048 : vector<16xi1>, vector<16xi32>
    %mul3A_2054 = arith.constant 128 : i32
    %mul3A_2055 = vector.broadcast %mul3A_2054 : i32 to vector<16xi32>
    %mul3A_2056 = arith.muli %select_n3A_2053, %mul3A_2055 : vector<16xi32>
    %add3A_2057 = arith.addi %get3A_1999, %mul3A_2056 : vector<16xi32>
    %swap3A_2058 = arith.constant 3 : i32
    %swap3A_2059 = arith.index_cast %swap3A_2058 : i32 to index
    %swap3A_2060 = arith.constant 64 : index
    %swap3A_2061 = tpu.vector_load %arg8[%swap3A_2059, %swap3A_2060] {strides = array<i32>} : memref<4x128xi32, #tpu.memory_space<vmem>>, vector<1x16xi32>,
    %swap3A_2062 = vector.shape_cast %swap3A_2061 : vector<1x16xi32> to vector<16xi32>
    %swap3A_2063 = vector.shape_cast %add3A_2057 : vector<16xi32> to vector<1x16xi32>
    tpu.vector_store %arg8[%swap3A_2059, %swap3A_2060], %swap3A_2063 {strides = array<i32>} : memref<4x128xi32, #tpu.memory_space<vmem>>, vector<1x16xi32>,
    %get3A_2064 = arith.constant 464 : index
    %get3A_2065 = tpu.vector_load %arg7[%get3A_2064] {strides = array<i32>} : memref<512xf32, #tpu.memory_space<vmem>>, vector<16xf32>,
    %get3A_2066 = vector.shape_cast %get3A_2065 : vector<16xf32> to vector<16xf32>
    %get3A_2067 = arith.constant 464 : index
    %get3A_2068 = tpu.vector_load %arg6[%get3A_2067] {strides = array<i32>} : memref<512xi32, #tpu.memory_space<vmem>>, vector<16xi32>,
    %get3A_2069 = vector.shape_cast %get3A_2068 : vector<16xi32> to vector<16xi32>
    %broadcast_in_dim3A_2070 = arith.constant 0 : i32
    %broadcast_in_dim3A_2071 = vector.broadcast %broadcast_in_dim3A_2070 : i32 to vector<16xi32>
    %broadcast_in_dim3A_2072 = arith.constant 1 : i32
    %broadcast_in_dim3A_2073 = vector.broadcast %broadcast_in_dim3A_2072 : i32 to vector<16xi32>
    %ge3A_2074 = arith.constant 1.000000e+00 : f32
    %ge3A_2075 = vector.broadcast %ge3A_2074 : f32 to vector<16xf32>
    %ge3A_2076 = arith.cmpf oge, %get3A_2066, %ge3A_2075 : vector<16xf32>
    %add3A_2077 = arith.addi %broadcast_in_dim3A_2071, %broadcast_in_dim3A_2073 : vector<16xi32>
    %select_n3A_2078 = arith.select %ge3A_2076, %add3A_2077, %broadcast_in_dim3A_2071 : vector<16xi1>, vector<16xi32>
    %ge3A_2079 = arith.constant 1.100000e+01 : f32
    %ge3A_2080 = vector.broadcast %ge3A_2079 : f32 to vector<16xf32>
    %ge3A_2081 = arith.cmpf oge, %get3A_2066, %ge3A_2080 : vector<16xf32>
    %add3A_2082 = arith.addi %select_n3A_2078, %broadcast_in_dim3A_2073 : vector<16xi32>
    %select_n3A_2083 = arith.select %ge3A_2081, %add3A_2082, %select_n3A_2078 : vector<16xi1>, vector<16xi32>
    %ge3A_2084 = arith.constant 2.100000e+01 : f32
    %ge3A_2085 = vector.broadcast %ge3A_2084 : f32 to vector<16xf32>
    %ge3A_2086 = arith.cmpf oge, %get3A_2066, %ge3A_2085 : vector<16xf32>
    %add3A_2087 = arith.addi %select_n3A_2083, %broadcast_in_dim3A_2073 : vector<16xi32>
    %select_n3A_2088 = arith.select %ge3A_2086, %add3A_2087, %select_n3A_2083 : vector<16xi1>, vector<16xi32>
    %ge3A_2089 = arith.constant 3.100000e+01 : f32
    %ge3A_2090 = vector.broadcast %ge3A_2089 : f32 to vector<16xf32>
    %ge3A_2091 = arith.cmpf oge, %get3A_2066, %ge3A_2090 : vector<16xf32>
    %add3A_2092 = arith.addi %select_n3A_2088, %broadcast_in_dim3A_2073 : vector<16xi32>
    %select_n3A_2093 = arith.select %ge3A_2091, %add3A_2092, %select_n3A_2088 : vector<16xi1>, vector<16xi32>
    %ge3A_2094 = arith.constant 4.100000e+01 : f32
    %ge3A_2095 = vector.broadcast %ge3A_2094 : f32 to vector<16xf32>
    %ge3A_2096 = arith.cmpf oge, %get3A_2066, %ge3A_2095 : vector<16xf32>
    %add3A_2097 = arith.addi %select_n3A_2093, %broadcast_in_dim3A_2073 : vector<16xi32>
    %select_n3A_2098 = arith.select %ge3A_2096, %add3A_2097, %select_n3A_2093 : vector<16xi1>, vector<16xi32>
    %ge3A_2099 = arith.constant 5.100000e+01 : f32
    %ge3A_2100 = vector.broadcast %ge3A_2099 : f32 to vector<16xf32>
    %ge3A_2101 = arith.cmpf oge, %get3A_2066, %ge3A_2100 : vector<16xf32>
    %add3A_2102 = arith.addi %select_n3A_2098, %broadcast_in_dim3A_2073 : vector<16xi32>
    %select_n3A_2103 = arith.select %ge3A_2101, %add3A_2102, %select_n3A_2098 : vector<16xi1>, vector<16xi32>
    %ge3A_2104 = arith.constant 6.100000e+01 : f32
    %ge3A_2105 = vector.broadcast %ge3A_2104 : f32 to vector<16xf32>
    %ge3A_2106 = arith.cmpf oge, %get3A_2066, %ge3A_2105 : vector<16xf32>
    %add3A_2107 = arith.addi %select_n3A_2103, %broadcast_in_dim3A_2073 : vector<16xi32>
    %select_n3A_2108 = arith.select %ge3A_2106, %add3A_2107, %select_n3A_2103 : vector<16xi1>, vector<16xi32>
    %ge3A_2109 = arith.constant 7.100000e+01 : f32
    %ge3A_2110 = vector.broadcast %ge3A_2109 : f32 to vector<16xf32>
    %ge3A_2111 = arith.cmpf oge, %get3A_2066, %ge3A_2110 : vector<16xf32>
    %add3A_2112 = arith.addi %select_n3A_2108, %broadcast_in_dim3A_2073 : vector<16xi32>
    %select_n3A_2113 = arith.select %ge3A_2111, %add3A_2112, %select_n3A_2108 : vector<16xi1>, vector<16xi32>
    %ge3A_2114 = arith.constant 8.100000e+01 : f32
    %ge3A_2115 = vector.broadcast %ge3A_2114 : f32 to vector<16xf32>
    %ge3A_2116 = arith.cmpf oge, %get3A_2066, %ge3A_2115 : vector<16xf32>
    %add3A_2117 = arith.addi %select_n3A_2113, %broadcast_in_dim3A_2073 : vector<16xi32>
    %select_n3A_2118 = arith.select %ge3A_2116, %add3A_2117, %select_n3A_2113 : vector<16xi1>, vector<16xi32>
    %ge3A_2119 = arith.constant 9.100000e+01 : f32
    %ge3A_2120 = vector.broadcast %ge3A_2119 : f32 to vector<16xf32>
    %ge3A_2121 = arith.cmpf oge, %get3A_2066, %ge3A_2120 : vector<16xf32>
    %add3A_2122 = arith.addi %select_n3A_2118, %broadcast_in_dim3A_2073 : vector<16xi32>
    %select_n3A_2123 = arith.select %ge3A_2121, %add3A_2122, %select_n3A_2118 : vector<16xi1>, vector<16xi32>
    %mul3A_2124 = arith.constant 128 : i32
    %mul3A_2125 = vector.broadcast %mul3A_2124 : i32 to vector<16xi32>
    %mul3A_2126 = arith.muli %select_n3A_2123, %mul3A_2125 : vector<16xi32>
    %add3A_2127 = arith.addi %get3A_2069, %mul3A_2126 : vector<16xi32>
    %swap3A_2128 = arith.constant 3 : i32
    %swap3A_2129 = arith.index_cast %swap3A_2128 : i32 to index
    %swap3A_2130 = arith.constant 80 : index
    %swap3A_2131 = tpu.vector_load %arg8[%swap3A_2129, %swap3A_2130] {strides = array<i32>} : memref<4x128xi32, #tpu.memory_space<vmem>>, vector<1x16xi32>,
    %swap3A_2132 = vector.shape_cast %swap3A_2131 : vector<1x16xi32> to vector<16xi32>
    %swap3A_2133 = vector.shape_cast %add3A_2127 : vector<16xi32> to vector<1x16xi32>
    tpu.vector_store %arg8[%swap3A_2129, %swap3A_2130], %swap3A_2133 {strides = array<i32>} : memref<4x128xi32, #tpu.memory_space<vmem>>, vector<1x16xi32>,
    %get3A_2134 = arith.constant 480 : index
    %get3A_2135 = tpu.vector_load %arg7[%get3A_2134] {strides = array<i32>} : memref<512xf32, #tpu.memory_space<vmem>>, vector<16xf32>,
    %get3A_2136 = vector.shape_cast %get3A_2135 : vector<16xf32> to vector<16xf32>
    %get3A_2137 = arith.constant 480 : index
    %get3A_2138 = tpu.vector_load %arg6[%get3A_2137] {strides = array<i32>} : memref<512xi32, #tpu.memory_space<vmem>>, vector<16xi32>,
    %get3A_2139 = vector.shape_cast %get3A_2138 : vector<16xi32> to vector<16xi32>
    %broadcast_in_dim3A_2140 = arith.constant 0 : i32
    %broadcast_in_dim3A_2141 = vector.broadcast %broadcast_in_dim3A_2140 : i32 to vector<16xi32>
    %broadcast_in_dim3A_2142 = arith.constant 1 : i32
    %broadcast_in_dim3A_2143 = vector.broadcast %broadcast_in_dim3A_2142 : i32 to vector<16xi32>
    %ge3A_2144 = arith.constant 1.000000e+00 : f32
    %ge3A_2145 = vector.broadcast %ge3A_2144 : f32 to vector<16xf32>
    %ge3A_2146 = arith.cmpf oge, %get3A_2136, %ge3A_2145 : vector<16xf32>
    %add3A_2147 = arith.addi %broadcast_in_dim3A_2141, %broadcast_in_dim3A_2143 : vector<16xi32>
    %select_n3A_2148 = arith.select %ge3A_2146, %add3A_2147, %broadcast_in_dim3A_2141 : vector<16xi1>, vector<16xi32>
    %ge3A_2149 = arith.constant 1.100000e+01 : f32
    %ge3A_2150 = vector.broadcast %ge3A_2149 : f32 to vector<16xf32>
    %ge3A_2151 = arith.cmpf oge, %get3A_2136, %ge3A_2150 : vector<16xf32>
    %add3A_2152 = arith.addi %select_n3A_2148, %broadcast_in_dim3A_2143 : vector<16xi32>
    %select_n3A_2153 = arith.select %ge3A_2151, %add3A_2152, %select_n3A_2148 : vector<16xi1>, vector<16xi32>
    %ge3A_2154 = arith.constant 2.100000e+01 : f32
    %ge3A_2155 = vector.broadcast %ge3A_2154 : f32 to vector<16xf32>
    %ge3A_2156 = arith.cmpf oge, %get3A_2136, %ge3A_2155 : vector<16xf32>
    %add3A_2157 = arith.addi %select_n3A_2153, %broadcast_in_dim3A_2143 : vector<16xi32>
    %select_n3A_2158 = arith.select %ge3A_2156, %add3A_2157, %select_n3A_2153 : vector<16xi1>, vector<16xi32>
    %ge3A_2159 = arith.constant 3.100000e+01 : f32
    %ge3A_2160 = vector.broadcast %ge3A_2159 : f32 to vector<16xf32>
    %ge3A_2161 = arith.cmpf oge, %get3A_2136, %ge3A_2160 : vector<16xf32>
    %add3A_2162 = arith.addi %select_n3A_2158, %broadcast_in_dim3A_2143 : vector<16xi32>
    %select_n3A_2163 = arith.select %ge3A_2161, %add3A_2162, %select_n3A_2158 : vector<16xi1>, vector<16xi32>
    %ge3A_2164 = arith.constant 4.100000e+01 : f32
    %ge3A_2165 = vector.broadcast %ge3A_2164 : f32 to vector<16xf32>
    %ge3A_2166 = arith.cmpf oge, %get3A_2136, %ge3A_2165 : vector<16xf32>
    %add3A_2167 = arith.addi %select_n3A_2163, %broadcast_in_dim3A_2143 : vector<16xi32>
    %select_n3A_2168 = arith.select %ge3A_2166, %add3A_2167, %select_n3A_2163 : vector<16xi1>, vector<16xi32>
    %ge3A_2169 = arith.constant 5.100000e+01 : f32
    %ge3A_2170 = vector.broadcast %ge3A_2169 : f32 to vector<16xf32>
    %ge3A_2171 = arith.cmpf oge, %get3A_2136, %ge3A_2170 : vector<16xf32>
    %add3A_2172 = arith.addi %select_n3A_2168, %broadcast_in_dim3A_2143 : vector<16xi32>
    %select_n3A_2173 = arith.select %ge3A_2171, %add3A_2172, %select_n3A_2168 : vector<16xi1>, vector<16xi32>
    %ge3A_2174 = arith.constant 6.100000e+01 : f32
    %ge3A_2175 = vector.broadcast %ge3A_2174 : f32 to vector<16xf32>
    %ge3A_2176 = arith.cmpf oge, %get3A_2136, %ge3A_2175 : vector<16xf32>
    %add3A_2177 = arith.addi %select_n3A_2173, %broadcast_in_dim3A_2143 : vector<16xi32>
    %select_n3A_2178 = arith.select %ge3A_2176, %add3A_2177, %select_n3A_2173 : vector<16xi1>, vector<16xi32>
    %ge3A_2179 = arith.constant 7.100000e+01 : f32
    %ge3A_2180 = vector.broadcast %ge3A_2179 : f32 to vector<16xf32>
    %ge3A_2181 = arith.cmpf oge, %get3A_2136, %ge3A_2180 : vector<16xf32>
    %add3A_2182 = arith.addi %select_n3A_2178, %broadcast_in_dim3A_2143 : vector<16xi32>
    %select_n3A_2183 = arith.select %ge3A_2181, %add3A_2182, %select_n3A_2178 : vector<16xi1>, vector<16xi32>
    %ge3A_2184 = arith.constant 8.100000e+01 : f32
    %ge3A_2185 = vector.broadcast %ge3A_2184 : f32 to vector<16xf32>
    %ge3A_2186 = arith.cmpf oge, %get3A_2136, %ge3A_2185 : vector<16xf32>
    %add3A_2187 = arith.addi %select_n3A_2183, %broadcast_in_dim3A_2143 : vector<16xi32>
    %select_n3A_2188 = arith.select %ge3A_2186, %add3A_2187, %select_n3A_2183 : vector<16xi1>, vector<16xi32>
    %ge3A_2189 = arith.constant 9.100000e+01 : f32
    %ge3A_2190 = vector.broadcast %ge3A_2189 : f32 to vector<16xf32>
    %ge3A_2191 = arith.cmpf oge, %get3A_2136, %ge3A_2190 : vector<16xf32>
    %add3A_2192 = arith.addi %select_n3A_2188, %broadcast_in_dim3A_2143 : vector<16xi32>
    %select_n3A_2193 = arith.select %ge3A_2191, %add3A_2192, %select_n3A_2188 : vector<16xi1>, vector<16xi32>
    %mul3A_2194 = arith.constant 128 : i32
    %mul3A_2195 = vector.broadcast %mul3A_2194 : i32 to vector<16xi32>
    %mul3A_2196 = arith.muli %select_n3A_2193, %mul3A_2195 : vector<16xi32>
    %add3A_2197 = arith.addi %get3A_2139, %mul3A_2196 : vector<16xi32>
    %swap3A_2198 = arith.constant 3 : i32
    %swap3A_2199 = arith.index_cast %swap3A_2198 : i32 to index
    %swap3A_2200 = arith.constant 96 : index
    %swap3A_2201 = tpu.vector_load %arg8[%swap3A_2199, %swap3A_2200] {strides = array<i32>} : memref<4x128xi32, #tpu.memory_space<vmem>>, vector<1x16xi32>,
    %swap3A_2202 = vector.shape_cast %swap3A_2201 : vector<1x16xi32> to vector<16xi32>
    %swap3A_2203 = vector.shape_cast %add3A_2197 : vector<16xi32> to vector<1x16xi32>
    tpu.vector_store %arg8[%swap3A_2199, %swap3A_2200], %swap3A_2203 {strides = array<i32>} : memref<4x128xi32, #tpu.memory_space<vmem>>, vector<1x16xi32>,
    %get3A_2204 = arith.constant 496 : index
    %get3A_2205 = tpu.vector_load %arg7[%get3A_2204] {strides = array<i32>} : memref<512xf32, #tpu.memory_space<vmem>>, vector<16xf32>,
    %get3A_2206 = vector.shape_cast %get3A_2205 : vector<16xf32> to vector<16xf32>
    %get3A_2207 = arith.constant 496 : index
    %get3A_2208 = tpu.vector_load %arg6[%get3A_2207] {strides = array<i32>} : memref<512xi32, #tpu.memory_space<vmem>>, vector<16xi32>,
    %get3A_2209 = vector.shape_cast %get3A_2208 : vector<16xi32> to vector<16xi32>
    %broadcast_in_dim3A_2210 = arith.constant 0 : i32
    %broadcast_in_dim3A_2211 = vector.broadcast %broadcast_in_dim3A_2210 : i32 to vector<16xi32>
    %broadcast_in_dim3A_2212 = arith.constant 1 : i32
    %broadcast_in_dim3A_2213 = vector.broadcast %broadcast_in_dim3A_2212 : i32 to vector<16xi32>
    %ge3A_2214 = arith.constant 1.000000e+00 : f32
    %ge3A_2215 = vector.broadcast %ge3A_2214 : f32 to vector<16xf32>
    %ge3A_2216 = arith.cmpf oge, %get3A_2206, %ge3A_2215 : vector<16xf32>
    %add3A_2217 = arith.addi %broadcast_in_dim3A_2211, %broadcast_in_dim3A_2213 : vector<16xi32>
    %select_n3A_2218 = arith.select %ge3A_2216, %add3A_2217, %broadcast_in_dim3A_2211 : vector<16xi1>, vector<16xi32>
    %ge3A_2219 = arith.constant 1.100000e+01 : f32
    %ge3A_2220 = vector.broadcast %ge3A_2219 : f32 to vector<16xf32>
    %ge3A_2221 = arith.cmpf oge, %get3A_2206, %ge3A_2220 : vector<16xf32>
    %add3A_2222 = arith.addi %select_n3A_2218, %broadcast_in_dim3A_2213 : vector<16xi32>
    %select_n3A_2223 = arith.select %ge3A_2221, %add3A_2222, %select_n3A_2218 : vector<16xi1>, vector<16xi32>
    %ge3A_2224 = arith.constant 2.100000e+01 : f32
    %ge3A_2225 = vector.broadcast %ge3A_2224 : f32 to vector<16xf32>
    %ge3A_2226 = arith.cmpf oge, %get3A_2206, %ge3A_2225 : vector<16xf32>
    %add3A_2227 = arith.addi %select_n3A_2223, %broadcast_in_dim3A_2213 : vector<16xi32>
    %select_n3A_2228 = arith.select %ge3A_2226, %add3A_2227, %select_n3A_2223 : vector<16xi1>, vector<16xi32>
    %ge3A_2229 = arith.constant 3.100000e+01 : f32
    %ge3A_2230 = vector.broadcast %ge3A_2229 : f32 to vector<16xf32>
    %ge3A_2231 = arith.cmpf oge, %get3A_2206, %ge3A_2230 : vector<16xf32>
    %add3A_2232 = arith.addi %select_n3A_2228, %broadcast_in_dim3A_2213 : vector<16xi32>
    %select_n3A_2233 = arith.select %ge3A_2231, %add3A_2232, %select_n3A_2228 : vector<16xi1>, vector<16xi32>
    %ge3A_2234 = arith.constant 4.100000e+01 : f32
    %ge3A_2235 = vector.broadcast %ge3A_2234 : f32 to vector<16xf32>
    %ge3A_2236 = arith.cmpf oge, %get3A_2206, %ge3A_2235 : vector<16xf32>
    %add3A_2237 = arith.addi %select_n3A_2233, %broadcast_in_dim3A_2213 : vector<16xi32>
    %select_n3A_2238 = arith.select %ge3A_2236, %add3A_2237, %select_n3A_2233 : vector<16xi1>, vector<16xi32>
    %ge3A_2239 = arith.constant 5.100000e+01 : f32
    %ge3A_2240 = vector.broadcast %ge3A_2239 : f32 to vector<16xf32>
    %ge3A_2241 = arith.cmpf oge, %get3A_2206, %ge3A_2240 : vector<16xf32>
    %add3A_2242 = arith.addi %select_n3A_2238, %broadcast_in_dim3A_2213 : vector<16xi32>
    %select_n3A_2243 = arith.select %ge3A_2241, %add3A_2242, %select_n3A_2238 : vector<16xi1>, vector<16xi32>
    %ge3A_2244 = arith.constant 6.100000e+01 : f32
    %ge3A_2245 = vector.broadcast %ge3A_2244 : f32 to vector<16xf32>
    %ge3A_2246 = arith.cmpf oge, %get3A_2206, %ge3A_2245 : vector<16xf32>
    %add3A_2247 = arith.addi %select_n3A_2243, %broadcast_in_dim3A_2213 : vector<16xi32>
    %select_n3A_2248 = arith.select %ge3A_2246, %add3A_2247, %select_n3A_2243 : vector<16xi1>, vector<16xi32>
    %ge3A_2249 = arith.constant 7.100000e+01 : f32
    %ge3A_2250 = vector.broadcast %ge3A_2249 : f32 to vector<16xf32>
    %ge3A_2251 = arith.cmpf oge, %get3A_2206, %ge3A_2250 : vector<16xf32>
    %add3A_2252 = arith.addi %select_n3A_2248, %broadcast_in_dim3A_2213 : vector<16xi32>
    %select_n3A_2253 = arith.select %ge3A_2251, %add3A_2252, %select_n3A_2248 : vector<16xi1>, vector<16xi32>
    %ge3A_2254 = arith.constant 8.100000e+01 : f32
    %ge3A_2255 = vector.broadcast %ge3A_2254 : f32 to vector<16xf32>
    %ge3A_2256 = arith.cmpf oge, %get3A_2206, %ge3A_2255 : vector<16xf32>
    %add3A_2257 = arith.addi %select_n3A_2253, %broadcast_in_dim3A_2213 : vector<16xi32>
    %select_n3A_2258 = arith.select %ge3A_2256, %add3A_2257, %select_n3A_2253 : vector<16xi1>, vector<16xi32>
    %ge3A_2259 = arith.constant 9.100000e+01 : f32
    %ge3A_2260 = vector.broadcast %ge3A_2259 : f32 to vector<16xf32>
    %ge3A_2261 = arith.cmpf oge, %get3A_2206, %ge3A_2260 : vector<16xf32>
    %add3A_2262 = arith.addi %select_n3A_2258, %broadcast_in_dim3A_2213 : vector<16xi32>
    %select_n3A_2263 = arith.select %ge3A_2261, %add3A_2262, %select_n3A_2258 : vector<16xi1>, vector<16xi32>
    %mul3A_2264 = arith.constant 128 : i32
    %mul3A_2265 = vector.broadcast %mul3A_2264 : i32 to vector<16xi32>
    %mul3A_2266 = arith.muli %select_n3A_2263, %mul3A_2265 : vector<16xi32>
    %add3A_2267 = arith.addi %get3A_2209, %mul3A_2266 : vector<16xi32>
    %swap3A_2268 = arith.constant 3 : i32
    %swap3A_2269 = arith.index_cast %swap3A_2268 : i32 to index
    %swap3A_2270 = arith.constant 112 : index
    %swap3A_2271 = tpu.vector_load %arg8[%swap3A_2269, %swap3A_2270] {strides = array<i32>} : memref<4x128xi32, #tpu.memory_space<vmem>>, vector<1x16xi32>,
    %swap3A_2272 = vector.shape_cast %swap3A_2271 : vector<1x16xi32> to vector<16xi32>
    %swap3A_2273 = vector.shape_cast %add3A_2267 : vector<16xi32> to vector<1x16xi32>
    tpu.vector_store %arg8[%swap3A_2269, %swap3A_2270], %swap3A_2273 {strides = array<i32>} : memref<4x128xi32, #tpu.memory_space<vmem>>, vector<1x16xi32>,
    %dma_start3A_2274 = arith.constant 3 : i32
    %dma_start3A_2275 = arith.constant 384 : i32
    %dma_start3A_2276 = arith.constant 0 : i32
    %dma_start3A_2277 = tpu.memref_slice %arg9[%dma_start3A_2275, %dma_start3A_2276] : memref<512x16xf32, #tpu.memory_space<vmem>> -> memref<128x16xf32, #tpu.memory_space<vmem>>
    %dma_start3A_2278 = arith.constant 0 : i32
    %dma_start3A_2279 = tpu.memref_slice %arg8[%dma_start3A_2274, %dma_start3A_2278] : memref<4x128xi32, #tpu.memory_space<vmem>> -> memref<1x128xi32, #tpu.memory_space<vmem>>
    %dma_start3A_2280 = tpu.memref_squeeze %dma_start3A_2279 : memref<1x128xi32, #tpu.memory_space<vmem>> -> memref<128xi32, #tpu.memory_space<vmem>>
    %dma_start3A_2281 = arith.constant 0 : i32
    %dma_start3A_2282 = arith.constant 0 : i32
    %dma_start3A_2283 = tpu.memref_slice %arg2[%dma_start3A_2281, %dma_start3A_2282] : memref<1408x16xf32, #tpu.memory_space<hbm>> -> memref<1408x16xf32, #tpu.memory_space<hbm>>
    tpu.enqueue_indirect_dma source(%dma_start3A_2283 : memref<1408x16xf32, #tpu.memory_space<hbm>>) target(%dma_start3A_2277 : memref<128x16xf32, #tpu.memory_space<vmem>>) offsets(%dma_start3A_2280 : memref<128xi32, #tpu.memory_space<vmem>>) semaphore(%arg11 : memref<!tpu.dma_semaphore, #tpu.memory_space<semaphore_mem>>)
    %dma_wait3A_2284 = arith.constant 0 : i32
    %dma_wait3A_2285 = arith.constant 0 : i32
    %dma_wait3A_2286 = arith.constant 0 : i32
    %dma_wait3A_2287 = tpu.memref_slice %arg9[%dma_wait3A_2285, %dma_wait3A_2286] : memref<512x16xf32, #tpu.memory_space<vmem>> -> memref<128x16xf32, #tpu.memory_space<vmem>>
    %dma_wait3A_2288 = arith.constant 0 : i32
    %dma_wait3A_2289 = tpu.memref_slice %arg8[%dma_wait3A_2284, %dma_wait3A_2288] : memref<4x128xi32, #tpu.memory_space<vmem>> -> memref<1x128xi32, #tpu.memory_space<vmem>>
    %dma_wait3A_2290 = tpu.memref_squeeze %dma_wait3A_2289 : memref<1x128xi32, #tpu.memory_space<vmem>> -> memref<128xi32, #tpu.memory_space<vmem>>
    %dma_wait3A_2291 = arith.constant 0 : i32
    %dma_wait3A_2292 = arith.constant 0 : i32
    %dma_wait3A_2293 = tpu.memref_slice %arg2[%dma_wait3A_2291, %dma_wait3A_2292] : memref<1408x16xf32, #tpu.memory_space<hbm>> -> memref<1408x16xf32, #tpu.memory_space<hbm>>
    tpu.wait_indirect_dma semaphore(%arg11 : memref<!tpu.dma_semaphore, #tpu.memory_space<semaphore_mem>>) src(%dma_wait3A_2293 : memref<1408x16xf32, #tpu.memory_space<hbm>>) dst(%dma_wait3A_2287 : memref<128x16xf32, #tpu.memory_space<vmem>>)
    %add3A_2294 = arith.constant 0 : i32
    %add3A_2295 = arith.addi %mul3A_2, %add3A_2294 : i32
    %dma_start3A_2296 = arith.constant 0 : i32
    %dma_start3A_2297 = arith.constant 0 : i32
    %dma_start3A_2298 = tpu.memref_slice %arg9[%dma_start3A_2296, %dma_start3A_2297] : memref<512x16xf32, #tpu.memory_space<vmem>> -> memref<128x16xf32, #tpu.memory_space<vmem>>
    %dma_start3A_2299 = arith.constant 0 : i32
    %dma_start3A_2300 = tpu.memref_slice %arg5[%add3A_2295, %dma_start3A_2299] : memref<16384x16xf32, #tpu.memory_space<hbm>> -> memref<128x16xf32, #tpu.memory_space<hbm>>
    %dma_start3A_2301 = arith.constant 0 : i32
    %dma_start3A_2302 = tpu.memref_slice %arg5[%add3A_2295, %dma_start3A_2301] : memref<16384x16xf32, #tpu.memory_space<hbm>> -> memref<128x16xf32, #tpu.memory_space<hbm>>
    %dma_start3A_2303 = arith.constant 0 : i32
    %dma_start3A_2304 = arith.constant 0 : i32
    %dma_start3A_2305 = tpu.memref_slice %arg9[%dma_start3A_2303, %dma_start3A_2304] : memref<512x16xf32, #tpu.memory_space<vmem>> -> memref<128x16xf32, #tpu.memory_space<vmem>>
    tpu.enqueue_dma source(%dma_start3A_2305 : memref<128x16xf32, #tpu.memory_space<vmem>>) target(%dma_start3A_2302 : memref<128x16xf32, #tpu.memory_space<hbm>>) target_semaphore(%arg12 : memref<!tpu.dma_semaphore, #tpu.memory_space<semaphore_mem>>)
    %dma_wait3A_2306 = arith.constant 1 : i32
    %dma_wait3A_2307 = arith.constant 128 : i32
    %dma_wait3A_2308 = arith.constant 0 : i32
    %dma_wait3A_2309 = tpu.memref_slice %arg9[%dma_wait3A_2307, %dma_wait3A_2308] : memref<512x16xf32, #tpu.memory_space<vmem>> -> memref<128x16xf32, #tpu.memory_space<vmem>>
    %dma_wait3A_2310 = arith.constant 0 : i32
    %dma_wait3A_2311 = tpu.memref_slice %arg8[%dma_wait3A_2306, %dma_wait3A_2310] : memref<4x128xi32, #tpu.memory_space<vmem>> -> memref<1x128xi32, #tpu.memory_space<vmem>>
    %dma_wait3A_2312 = tpu.memref_squeeze %dma_wait3A_2311 : memref<1x128xi32, #tpu.memory_space<vmem>> -> memref<128xi32, #tpu.memory_space<vmem>>
    %dma_wait3A_2313 = arith.constant 0 : i32
    %dma_wait3A_2314 = arith.constant 0 : i32
    %dma_wait3A_2315 = tpu.memref_slice %arg2[%dma_wait3A_2313, %dma_wait3A_2314] : memref<1408x16xf32, #tpu.memory_space<hbm>> -> memref<1408x16xf32, #tpu.memory_space<hbm>>
    tpu.wait_indirect_dma semaphore(%arg11 : memref<!tpu.dma_semaphore, #tpu.memory_space<semaphore_mem>>) src(%dma_wait3A_2315 : memref<1408x16xf32, #tpu.memory_space<hbm>>) dst(%dma_wait3A_2309 : memref<128x16xf32, #tpu.memory_space<vmem>>)
    %add3A_2316 = arith.constant 128 : i32
    %add3A_2317 = arith.addi %mul3A_2, %add3A_2316 : i32
    %dma_start3A_2318 = arith.constant 128 : i32
    %dma_start3A_2319 = arith.constant 0 : i32
    %dma_start3A_2320 = tpu.memref_slice %arg9[%dma_start3A_2318, %dma_start3A_2319] : memref<512x16xf32, #tpu.memory_space<vmem>> -> memref<128x16xf32, #tpu.memory_space<vmem>>
    %dma_start3A_2321 = arith.constant 0 : i32
    %dma_start3A_2322 = tpu.memref_slice %arg5[%add3A_2317, %dma_start3A_2321] : memref<16384x16xf32, #tpu.memory_space<hbm>> -> memref<128x16xf32, #tpu.memory_space<hbm>>
    %dma_start3A_2323 = arith.constant 0 : i32
    %dma_start3A_2324 = tpu.memref_slice %arg5[%add3A_2317, %dma_start3A_2323] : memref<16384x16xf32, #tpu.memory_space<hbm>> -> memref<128x16xf32, #tpu.memory_space<hbm>>
    %dma_start3A_2325 = arith.constant 128 : i32
    %dma_start3A_2326 = arith.constant 0 : i32
    %dma_start3A_2327 = tpu.memref_slice %arg9[%dma_start3A_2325, %dma_start3A_2326] : memref<512x16xf32, #tpu.memory_space<vmem>> -> memref<128x16xf32, #tpu.memory_space<vmem>>
    tpu.enqueue_dma source(%dma_start3A_2327 : memref<128x16xf32, #tpu.memory_space<vmem>>) target(%dma_start3A_2324 : memref<128x16xf32, #tpu.memory_space<hbm>>) target_semaphore(%arg12 : memref<!tpu.dma_semaphore, #tpu.memory_space<semaphore_mem>>)
    %dma_wait3A_2328 = arith.constant 2 : i32
    %dma_wait3A_2329 = arith.constant 256 : i32
    %dma_wait3A_2330 = arith.constant 0 : i32
    %dma_wait3A_2331 = tpu.memref_slice %arg9[%dma_wait3A_2329, %dma_wait3A_2330] : memref<512x16xf32, #tpu.memory_space<vmem>> -> memref<128x16xf32, #tpu.memory_space<vmem>>
    %dma_wait3A_2332 = arith.constant 0 : i32
    %dma_wait3A_2333 = tpu.memref_slice %arg8[%dma_wait3A_2328, %dma_wait3A_2332] : memref<4x128xi32, #tpu.memory_space<vmem>> -> memref<1x128xi32, #tpu.memory_space<vmem>>
    %dma_wait3A_2334 = tpu.memref_squeeze %dma_wait3A_2333 : memref<1x128xi32, #tpu.memory_space<vmem>> -> memref<128xi32, #tpu.memory_space<vmem>>
    %dma_wait3A_2335 = arith.constant 0 : i32
    %dma_wait3A_2336 = arith.constant 0 : i32
    %dma_wait3A_2337 = tpu.memref_slice %arg2[%dma_wait3A_2335, %dma_wait3A_2336] : memref<1408x16xf32, #tpu.memory_space<hbm>> -> memref<1408x16xf32, #tpu.memory_space<hbm>>
    tpu.wait_indirect_dma semaphore(%arg11 : memref<!tpu.dma_semaphore, #tpu.memory_space<semaphore_mem>>) src(%dma_wait3A_2337 : memref<1408x16xf32, #tpu.memory_space<hbm>>) dst(%dma_wait3A_2331 : memref<128x16xf32, #tpu.memory_space<vmem>>)
    %add3A_2338 = arith.constant 256 : i32
    %add3A_2339 = arith.addi %mul3A_2, %add3A_2338 : i32
    %dma_start3A_2340 = arith.constant 256 : i32
    %dma_start3A_2341 = arith.constant 0 : i32
    %dma_start3A_2342 = tpu.memref_slice %arg9[%dma_start3A_2340, %dma_start3A_2341] : memref<512x16xf32, #tpu.memory_space<vmem>> -> memref<128x16xf32, #tpu.memory_space<vmem>>
    %dma_start3A_2343 = arith.constant 0 : i32
    %dma_start3A_2344 = tpu.memref_slice %arg5[%add3A_2339, %dma_start3A_2343] : memref<16384x16xf32, #tpu.memory_space<hbm>> -> memref<128x16xf32, #tpu.memory_space<hbm>>
    %dma_start3A_2345 = arith.constant 0 : i32
    %dma_start3A_2346 = tpu.memref_slice %arg5[%add3A_2339, %dma_start3A_2345] : memref<16384x16xf32, #tpu.memory_space<hbm>> -> memref<128x16xf32, #tpu.memory_space<hbm>>
    %dma_start3A_2347 = arith.constant 256 : i32
    %dma_start3A_2348 = arith.constant 0 : i32
    %dma_start3A_2349 = tpu.memref_slice %arg9[%dma_start3A_2347, %dma_start3A_2348] : memref<512x16xf32, #tpu.memory_space<vmem>> -> memref<128x16xf32, #tpu.memory_space<vmem>>
    tpu.enqueue_dma source(%dma_start3A_2349 : memref<128x16xf32, #tpu.memory_space<vmem>>) target(%dma_start3A_2346 : memref<128x16xf32, #tpu.memory_space<hbm>>) target_semaphore(%arg12 : memref<!tpu.dma_semaphore, #tpu.memory_space<semaphore_mem>>)
    %dma_wait3A_2350 = arith.constant 3 : i32
    %dma_wait3A_2351 = arith.constant 384 : i32
    %dma_wait3A_2352 = arith.constant 0 : i32
    %dma_wait3A_2353 = tpu.memref_slice %arg9[%dma_wait3A_2351, %dma_wait3A_2352] : memref<512x16xf32, #tpu.memory_space<vmem>> -> memref<128x16xf32, #tpu.memory_space<vmem>>
    %dma_wait3A_2354 = arith.constant 0 : i32
    %dma_wait3A_2355 = tpu.memref_slice %arg8[%dma_wait3A_2350, %dma_wait3A_2354] : memref<4x128xi32, #tpu.memory_space<vmem>> -> memref<1x128xi32, #tpu.memory_space<vmem>>
    %dma_wait3A_2356 = tpu.memref_squeeze %dma_wait3A_2355 : memref<1x128xi32, #tpu.memory_space<vmem>> -> memref<128xi32, #tpu.memory_space<vmem>>
    %dma_wait3A_2357 = arith.constant 0 : i32
    %dma_wait3A_2358 = arith.constant 0 : i32
    %dma_wait3A_2359 = tpu.memref_slice %arg2[%dma_wait3A_2357, %dma_wait3A_2358] : memref<1408x16xf32, #tpu.memory_space<hbm>> -> memref<1408x16xf32, #tpu.memory_space<hbm>>
    tpu.wait_indirect_dma semaphore(%arg11 : memref<!tpu.dma_semaphore, #tpu.memory_space<semaphore_mem>>) src(%dma_wait3A_2359 : memref<1408x16xf32, #tpu.memory_space<hbm>>) dst(%dma_wait3A_2353 : memref<128x16xf32, #tpu.memory_space<vmem>>)
    %add3A_2360 = arith.constant 384 : i32
    %add3A_2361 = arith.addi %mul3A_2, %add3A_2360 : i32
    %dma_start3A_2362 = arith.constant 384 : i32
    %dma_start3A_2363 = arith.constant 0 : i32
    %dma_start3A_2364 = tpu.memref_slice %arg9[%dma_start3A_2362, %dma_start3A_2363] : memref<512x16xf32, #tpu.memory_space<vmem>> -> memref<128x16xf32, #tpu.memory_space<vmem>>
    %dma_start3A_2365 = arith.constant 0 : i32
    %dma_start3A_2366 = tpu.memref_slice %arg5[%add3A_2361, %dma_start3A_2365] : memref<16384x16xf32, #tpu.memory_space<hbm>> -> memref<128x16xf32, #tpu.memory_space<hbm>>
    %dma_start3A_2367 = arith.constant 0 : i32
    %dma_start3A_2368 = tpu.memref_slice %arg5[%add3A_2361, %dma_start3A_2367] : memref<16384x16xf32, #tpu.memory_space<hbm>> -> memref<128x16xf32, #tpu.memory_space<hbm>>
    %dma_start3A_2369 = arith.constant 384 : i32
    %dma_start3A_2370 = arith.constant 0 : i32
    %dma_start3A_2371 = tpu.memref_slice %arg9[%dma_start3A_2369, %dma_start3A_2370] : memref<512x16xf32, #tpu.memory_space<vmem>> -> memref<128x16xf32, #tpu.memory_space<vmem>>
    tpu.enqueue_dma source(%dma_start3A_2371 : memref<128x16xf32, #tpu.memory_space<vmem>>) target(%dma_start3A_2368 : memref<128x16xf32, #tpu.memory_space<hbm>>) target_semaphore(%arg12 : memref<!tpu.dma_semaphore, #tpu.memory_space<semaphore_mem>>)
    %dma_wait3A_2372 = arith.constant 0 : i32
    %dma_wait3A_2373 = arith.constant 0 : i32
    %dma_wait3A_2374 = tpu.memref_slice %arg9[%dma_wait3A_2372, %dma_wait3A_2373] : memref<512x16xf32, #tpu.memory_space<vmem>> -> memref<128x16xf32, #tpu.memory_space<vmem>>
    %dma_wait3A_2375 = arith.constant 0 : i32
    %dma_wait3A_2376 = tpu.memref_slice %arg5[%add3A_2295, %dma_wait3A_2375] : memref<16384x16xf32, #tpu.memory_space<hbm>> -> memref<128x16xf32, #tpu.memory_space<hbm>>
    %dma_wait3A_2377 = arith.constant 0 : i32
    %dma_wait3A_2378 = tpu.memref_slice %arg5[%add3A_2295, %dma_wait3A_2377] : memref<16384x16xf32, #tpu.memory_space<hbm>> -> memref<128x16xf32, #tpu.memory_space<hbm>>
    %dma_wait3A_2379 = arith.constant 0 : i32
    %dma_wait3A_2380 = arith.constant 0 : i32
    %dma_wait3A_2381 = tpu.memref_slice %arg9[%dma_wait3A_2379, %dma_wait3A_2380] : memref<512x16xf32, #tpu.memory_space<vmem>> -> memref<128x16xf32, #tpu.memory_space<vmem>>
    tpu.wait_dma2 semaphore(%arg12 : memref<!tpu.dma_semaphore, #tpu.memory_space<semaphore_mem>>) src(%dma_wait3A_2381 : memref<128x16xf32, #tpu.memory_space<vmem>>) dst(%dma_wait3A_2378 : memref<128x16xf32, #tpu.memory_space<hbm>>)
    %dma_wait3A_2382 = arith.constant 128 : i32
    %dma_wait3A_2383 = arith.constant 0 : i32
    %dma_wait3A_2384 = tpu.memref_slice %arg9[%dma_wait3A_2382, %dma_wait3A_2383] : memref<512x16xf32, #tpu.memory_space<vmem>> -> memref<128x16xf32, #tpu.memory_space<vmem>>
    %dma_wait3A_2385 = arith.constant 0 : i32
    %dma_wait3A_2386 = tpu.memref_slice %arg5[%add3A_2317, %dma_wait3A_2385] : memref<16384x16xf32, #tpu.memory_space<hbm>> -> memref<128x16xf32, #tpu.memory_space<hbm>>
    %dma_wait3A_2387 = arith.constant 0 : i32
    %dma_wait3A_2388 = tpu.memref_slice %arg5[%add3A_2317, %dma_wait3A_2387] : memref<16384x16xf32, #tpu.memory_space<hbm>> -> memref<128x16xf32, #tpu.memory_space<hbm>>
    %dma_wait3A_2389 = arith.constant 128 : i32
    %dma_wait3A_2390 = arith.constant 0 : i32
    %dma_wait3A_2391 = tpu.memref_slice %arg9[%dma_wait3A_2389, %dma_wait3A_2390] : memref<512x16xf32, #tpu.memory_space<vmem>> -> memref<128x16xf32, #tpu.memory_space<vmem>>
    tpu.wait_dma2 semaphore(%arg12 : memref<!tpu.dma_semaphore, #tpu.memory_space<semaphore_mem>>) src(%dma_wait3A_2391 : memref<128x16xf32, #tpu.memory_space<vmem>>) dst(%dma_wait3A_2388 : memref<128x16xf32, #tpu.memory_space<hbm>>)
    %dma_wait3A_2392 = arith.constant 256 : i32
    %dma_wait3A_2393 = arith.constant 0 : i32
    %dma_wait3A_2394 = tpu.memref_slice %arg9[%dma_wait3A_2392, %dma_wait3A_2393] : memref<512x16xf32, #tpu.memory_space<vmem>> -> memref<128x16xf32, #tpu.memory_space<vmem>>
    %dma_wait3A_2395 = arith.constant 0 : i32
    %dma_wait3A_2396 = tpu.memref_slice %arg5[%add3A_2339, %dma_wait3A_2395] : memref<16384x16xf32, #tpu.memory_space<hbm>> -> memref<128x16xf32, #tpu.memory_space<hbm>>
    %dma_wait3A_2397 = arith.constant 0 : i32
    %dma_wait3A_2398 = tpu.memref_slice %arg5[%add3A_2339, %dma_wait3A_2397] : memref<16384x16xf32, #tpu.memory_space<hbm>> -> memref<128x16xf32, #tpu.memory_space<hbm>>
    %dma_wait3A_2399 = arith.constant 256 : i32
    %dma_wait3A_2400 = arith.constant 0 : i32
    %dma_wait3A_2401 = tpu.memref_slice %arg9[%dma_wait3A_2399, %dma_wait3A_2400] : memref<512x16xf32, #tpu.memory_space<vmem>> -> memref<128x16xf32, #tpu.memory_space<vmem>>
    tpu.wait_dma2 semaphore(%arg12 : memref<!tpu.dma_semaphore, #tpu.memory_space<semaphore_mem>>) src(%dma_wait3A_2401 : memref<128x16xf32, #tpu.memory_space<vmem>>) dst(%dma_wait3A_2398 : memref<128x16xf32, #tpu.memory_space<hbm>>)
    %dma_wait3A_2402 = arith.constant 384 : i32
    %dma_wait3A_2403 = arith.constant 0 : i32
    %dma_wait3A_2404 = tpu.memref_slice %arg9[%dma_wait3A_2402, %dma_wait3A_2403] : memref<512x16xf32, #tpu.memory_space<vmem>> -> memref<128x16xf32, #tpu.memory_space<vmem>>
    %dma_wait3A_2405 = arith.constant 0 : i32
    %dma_wait3A_2406 = tpu.memref_slice %arg5[%add3A_2361, %dma_wait3A_2405] : memref<16384x16xf32, #tpu.memory_space<hbm>> -> memref<128x16xf32, #tpu.memory_space<hbm>>
    %dma_wait3A_2407 = arith.constant 0 : i32
    %dma_wait3A_2408 = tpu.memref_slice %arg5[%add3A_2361, %dma_wait3A_2407] : memref<16384x16xf32, #tpu.memory_space<hbm>> -> memref<128x16xf32, #tpu.memory_space<hbm>>
    %dma_wait3A_2409 = arith.constant 384 : i32
    %dma_wait3A_2410 = arith.constant 0 : i32
    %dma_wait3A_2411 = tpu.memref_slice %arg9[%dma_wait3A_2409, %dma_wait3A_2410] : memref<512x16xf32, #tpu.memory_space<vmem>> -> memref<128x16xf32, #tpu.memory_space<vmem>>
    tpu.wait_dma2 semaphore(%arg12 : memref<!tpu.dma_semaphore, #tpu.memory_space<semaphore_mem>>) src(%dma_wait3A_2411 : memref<128x16xf32, #tpu.memory_space<vmem>>) dst(%dma_wait3A_2408 : memref<128x16xf32, #tpu.memory_space<hbm>>)
    return
  }
}

module attributes {stable_mosaic.version = 14 : i64} {
  func.func @_mlp_table_body(%arg0: memref<128x32xf32, #tpu.memory_space<vmem>>, %arg1: memref<11x1x32xf32, #tpu.memory_space<vmem>>, %arg2: memref<1x32xf32, #tpu.memory_space<vmem>>, %arg3: memref<1x32xf32, #tpu.memory_space<vmem>>, %arg4: memref<1x32xf32, #tpu.memory_space<vmem>>, %arg5: memref<1x32xf32, #tpu.memory_space<vmem>>, %arg6: memref<32x32xf32, #tpu.memory_space<vmem>>, %arg7: memref<32x32xf32, #tpu.memory_space<vmem>>, %arg8: memref<1x32xf32, #tpu.memory_space<vmem>>, %arg9: memref<1x32xf32, #tpu.memory_space<vmem>>, %arg10: memref<1x32xf32, #tpu.memory_space<vmem>>, %arg11: memref<32x16xf32, #tpu.memory_space<vmem>>, %arg12: memref<1x16xf32, #tpu.memory_space<vmem>>, %arg13: memref<1408x16xf32, #tpu.memory_space<vmem>>) attributes {dimension_semantics = [], scalar_prefetch = 0 : i64, scratch_operands = 0 : i64, tpu.core_type = #tpu.core_type<tc>} {
    %get3A = arith.constant 0 : index
    %get3A_0 = arith.constant 0 : index
    %get3A_1 = vector.load %arg0[%get3A, %get3A_0] : memref<128x32xf32, #tpu.memory_space<vmem>>, vector<128x32xf32>
    %get3A_2 = arith.constant 0 : index
    %get3A_3 = arith.constant 0 : index
    %get3A_4 = vector.load %arg2[%get3A_2, %get3A_3] : memref<1x32xf32, #tpu.memory_space<vmem>>, vector<1x32xf32>
    %mul3A = vector.broadcast %get3A_4 : vector<1x32xf32> to vector<128x32xf32>
    %mul3A_5 = arith.mulf %get3A_1, %mul3A : vector<128x32xf32>
    %get3A_6 = arith.constant 0 : index
    %get3A_7 = arith.constant 0 : index
    %get3A_8 = vector.load %arg3[%get3A_6, %get3A_7] : memref<1x32xf32, #tpu.memory_space<vmem>>, vector<1x32xf32>
    %add3A = vector.broadcast %get3A_8 : vector<1x32xf32> to vector<128x32xf32>
    %add3A_9 = arith.addf %mul3A_5, %add3A : vector<128x32xf32>
    %get3A_10 = arith.constant 0 : index
    %get3A_11 = arith.constant 0 : index
    %get3A_12 = vector.load %arg6[%get3A_10, %get3A_11] : memref<32x32xf32, #tpu.memory_space<vmem>>, vector<32x32xf32>
    %dot_general3A = arith.constant dense<0.000000e+00> : vector<128x32xf32>
    %dot_general3A_13 = tpu.matmul %add3A_9, %get3A_12, %dot_general3A {dimension_numbers = #tpu.dot_dimension_numbers<[1], [0], [0], [1], [0, 0, 1, 1], [], []>, transpose_lhs_hint = false} : vector<128x32xf32>, vector<32x32xf32>, vector<128x32xf32> -> vector<128x32xf32>
    %get3A_14 = arith.constant 0 : index
    %get3A_15 = arith.constant 0 : index
    %get3A_16 = arith.constant 0 : index
    %get3A_17 = vector.load %arg1[%get3A_14, %get3A_15, %get3A_16] : memref<11x1x32xf32, #tpu.memory_space<vmem>>, vector<1x1x32xf32>
    %get3A_18 = vector.shape_cast %get3A_17 : vector<1x1x32xf32> to vector<1x32xf32>
    %get3A_19 = arith.constant 0 : index
    %get3A_20 = arith.constant 0 : index
    %get3A_21 = vector.load %arg4[%get3A_19, %get3A_20] : memref<1x32xf32, #tpu.memory_space<vmem>>, vector<1x32xf32>
    %mul3A_22 = arith.mulf %get3A_18, %get3A_21 : vector<1x32xf32>
    %get3A_23 = arith.constant 0 : index
    %get3A_24 = arith.constant 0 : index
    %get3A_25 = vector.load %arg5[%get3A_23, %get3A_24] : memref<1x32xf32, #tpu.memory_space<vmem>>, vector<1x32xf32>
    %add3A_26 = arith.addf %mul3A_22, %get3A_25 : vector<1x32xf32>
    %get3A_27 = arith.constant 0 : index
    %get3A_28 = arith.constant 0 : index
    %get3A_29 = vector.load %arg7[%get3A_27, %get3A_28] : memref<32x32xf32, #tpu.memory_space<vmem>>, vector<32x32xf32>
    %dot_general3A_30 = arith.constant dense<0.000000e+00> : vector<1x32xf32>
    %dot_general3A_31 = tpu.matmul %add3A_26, %get3A_29, %dot_general3A_30 {dimension_numbers = #tpu.dot_dimension_numbers<[1], [0], [0], [1], [0, 0, 1, 1], [], []>, transpose_lhs_hint = false} : vector<1x32xf32>, vector<32x32xf32>, vector<1x32xf32> -> vector<1x32xf32>
    %add3A_32 = vector.broadcast %dot_general3A_31 : vector<1x32xf32> to vector<128x32xf32>
    %add3A_33 = arith.addf %dot_general3A_13, %add3A_32 : vector<128x32xf32>
    %get3A_34 = arith.constant 0 : index
    %get3A_35 = arith.constant 0 : index
    %get3A_36 = vector.load %arg8[%get3A_34, %get3A_35] : memref<1x32xf32, #tpu.memory_space<vmem>>, vector<1x32xf32>
    %add3A_37 = vector.broadcast %get3A_36 : vector<1x32xf32> to vector<128x32xf32>
    %add3A_38 = arith.addf %add3A_33, %add3A_37 : vector<128x32xf32>
    %max3A = arith.constant 0.000000e+00 : f32
    %max3A_39 = vector.broadcast %max3A : f32 to vector<128x32xf32>
    %max3A_40 = arith.maximumf %add3A_38, %max3A_39 : vector<128x32xf32>
    %get3A_41 = arith.constant 0 : index
    %get3A_42 = arith.constant 0 : index
    %get3A_43 = vector.load %arg9[%get3A_41, %get3A_42] : memref<1x32xf32, #tpu.memory_space<vmem>>, vector<1x32xf32>
    %mul3A_44 = vector.broadcast %get3A_43 : vector<1x32xf32> to vector<128x32xf32>
    %mul3A_45 = arith.mulf %max3A_40, %mul3A_44 : vector<128x32xf32>
    %get3A_46 = arith.constant 0 : index
    %get3A_47 = arith.constant 0 : index
    %get3A_48 = vector.load %arg10[%get3A_46, %get3A_47] : memref<1x32xf32, #tpu.memory_space<vmem>>, vector<1x32xf32>
    %add3A_49 = vector.broadcast %get3A_48 : vector<1x32xf32> to vector<128x32xf32>
    %add3A_50 = arith.addf %mul3A_45, %add3A_49 : vector<128x32xf32>
    %get3A_51 = arith.constant 0 : index
    %get3A_52 = arith.constant 0 : index
    %get3A_53 = vector.load %arg11[%get3A_51, %get3A_52] : memref<32x16xf32, #tpu.memory_space<vmem>>, vector<32x16xf32>
    %dot_general3A_54 = arith.constant dense<0.000000e+00> : vector<128x16xf32>
    %dot_general3A_55 = tpu.matmul %add3A_50, %get3A_53, %dot_general3A_54 {dimension_numbers = #tpu.dot_dimension_numbers<[1], [0], [0], [1], [0, 0, 1, 1], [], []>, transpose_lhs_hint = false} : vector<128x32xf32>, vector<32x16xf32>, vector<128x16xf32> -> vector<128x16xf32>
    %get3A_56 = arith.constant 0 : index
    %get3A_57 = arith.constant 0 : index
    %get3A_58 = vector.load %arg12[%get3A_56, %get3A_57] : memref<1x16xf32, #tpu.memory_space<vmem>>, vector<1x16xf32>
    %add3A_59 = vector.broadcast %get3A_58 : vector<1x16xf32> to vector<128x16xf32>
    %add3A_60 = arith.addf %dot_general3A_55, %add3A_59 : vector<128x16xf32>
    %max3A_61 = arith.constant 0.000000e+00 : f32
    %max3A_62 = vector.broadcast %max3A_61 : f32 to vector<128x16xf32>
    %max3A_63 = arith.maximumf %add3A_60, %max3A_62 : vector<128x16xf32>
    %swap3A = arith.constant 0 : index
    %swap3A_64 = arith.constant 0 : index
    %swap3A_65 = vector.load %arg13[%swap3A, %swap3A_64] : memref<1408x16xf32, #tpu.memory_space<vmem>>, vector<128x16xf32>
    tpu.vector_store %arg13[%swap3A, %swap3A_64], %max3A_63 {strides = array<i32>} : memref<1408x16xf32, #tpu.memory_space<vmem>>, vector<128x16xf32>,
    %get3A_66 = arith.constant 1 : index
    %get3A_67 = arith.constant 0 : index
    %get3A_68 = arith.constant 0 : index
    %get3A_69 = vector.load %arg1[%get3A_66, %get3A_67, %get3A_68] : memref<11x1x32xf32, #tpu.memory_space<vmem>>, vector<1x1x32xf32>
    %get3A_70 = vector.shape_cast %get3A_69 : vector<1x1x32xf32> to vector<1x32xf32>
    %get3A_71 = arith.constant 0 : index
    %get3A_72 = arith.constant 0 : index
    %get3A_73 = vector.load %arg4[%get3A_71, %get3A_72] : memref<1x32xf32, #tpu.memory_space<vmem>>, vector<1x32xf32>
    %mul3A_74 = arith.mulf %get3A_70, %get3A_73 : vector<1x32xf32>
    %get3A_75 = arith.constant 0 : index
    %get3A_76 = arith.constant 0 : index
    %get3A_77 = vector.load %arg5[%get3A_75, %get3A_76] : memref<1x32xf32, #tpu.memory_space<vmem>>, vector<1x32xf32>
    %add3A_78 = arith.addf %mul3A_74, %get3A_77 : vector<1x32xf32>
    %get3A_79 = arith.constant 0 : index
    %get3A_80 = arith.constant 0 : index
    %get3A_81 = vector.load %arg7[%get3A_79, %get3A_80] : memref<32x32xf32, #tpu.memory_space<vmem>>, vector<32x32xf32>
    %dot_general3A_82 = arith.constant dense<0.000000e+00> : vector<1x32xf32>
    %dot_general3A_83 = tpu.matmul %add3A_78, %get3A_81, %dot_general3A_82 {dimension_numbers = #tpu.dot_dimension_numbers<[1], [0], [0], [1], [0, 0, 1, 1], [], []>, transpose_lhs_hint = false} : vector<1x32xf32>, vector<32x32xf32>, vector<1x32xf32> -> vector<1x32xf32>
    %add3A_84 = vector.broadcast %dot_general3A_83 : vector<1x32xf32> to vector<128x32xf32>
    %add3A_85 = arith.addf %dot_general3A_13, %add3A_84 : vector<128x32xf32>
    %get3A_86 = arith.constant 0 : index
    %get3A_87 = arith.constant 0 : index
    %get3A_88 = vector.load %arg8[%get3A_86, %get3A_87] : memref<1x32xf32, #tpu.memory_space<vmem>>, vector<1x32xf32>
    %add3A_89 = vector.broadcast %get3A_88 : vector<1x32xf32> to vector<128x32xf32>
    %add3A_90 = arith.addf %add3A_85, %add3A_89 : vector<128x32xf32>
    %max3A_91 = arith.constant 0.000000e+00 : f32
    %max3A_92 = vector.broadcast %max3A_91 : f32 to vector<128x32xf32>
    %max3A_93 = arith.maximumf %add3A_90, %max3A_92 : vector<128x32xf32>
    %get3A_94 = arith.constant 0 : index
    %get3A_95 = arith.constant 0 : index
    %get3A_96 = vector.load %arg9[%get3A_94, %get3A_95] : memref<1x32xf32, #tpu.memory_space<vmem>>, vector<1x32xf32>
    %mul3A_97 = vector.broadcast %get3A_96 : vector<1x32xf32> to vector<128x32xf32>
    %mul3A_98 = arith.mulf %max3A_93, %mul3A_97 : vector<128x32xf32>
    %get3A_99 = arith.constant 0 : index
    %get3A_100 = arith.constant 0 : index
    %get3A_101 = vector.load %arg10[%get3A_99, %get3A_100] : memref<1x32xf32, #tpu.memory_space<vmem>>, vector<1x32xf32>
    %add3A_102 = vector.broadcast %get3A_101 : vector<1x32xf32> to vector<128x32xf32>
    %add3A_103 = arith.addf %mul3A_98, %add3A_102 : vector<128x32xf32>
    %get3A_104 = arith.constant 0 : index
    %get3A_105 = arith.constant 0 : index
    %get3A_106 = vector.load %arg11[%get3A_104, %get3A_105] : memref<32x16xf32, #tpu.memory_space<vmem>>, vector<32x16xf32>
    %dot_general3A_107 = arith.constant dense<0.000000e+00> : vector<128x16xf32>
    %dot_general3A_108 = tpu.matmul %add3A_103, %get3A_106, %dot_general3A_107 {dimension_numbers = #tpu.dot_dimension_numbers<[1], [0], [0], [1], [0, 0, 1, 1], [], []>, transpose_lhs_hint = false} : vector<128x32xf32>, vector<32x16xf32>, vector<128x16xf32> -> vector<128x16xf32>
    %get3A_109 = arith.constant 0 : index
    %get3A_110 = arith.constant 0 : index
    %get3A_111 = vector.load %arg12[%get3A_109, %get3A_110] : memref<1x16xf32, #tpu.memory_space<vmem>>, vector<1x16xf32>
    %add3A_112 = vector.broadcast %get3A_111 : vector<1x16xf32> to vector<128x16xf32>
    %add3A_113 = arith.addf %dot_general3A_108, %add3A_112 : vector<128x16xf32>
    %max3A_114 = arith.constant 0.000000e+00 : f32
    %max3A_115 = vector.broadcast %max3A_114 : f32 to vector<128x16xf32>
    %max3A_116 = arith.maximumf %add3A_113, %max3A_115 : vector<128x16xf32>
    %swap3A_117 = arith.constant 128 : index
    %swap3A_118 = arith.constant 0 : index
    %swap3A_119 = vector.load %arg13[%swap3A_117, %swap3A_118] : memref<1408x16xf32, #tpu.memory_space<vmem>>, vector<128x16xf32>
    tpu.vector_store %arg13[%swap3A_117, %swap3A_118], %max3A_116 {strides = array<i32>} : memref<1408x16xf32, #tpu.memory_space<vmem>>, vector<128x16xf32>,
    %get3A_120 = arith.constant 2 : index
    %get3A_121 = arith.constant 0 : index
    %get3A_122 = arith.constant 0 : index
    %get3A_123 = vector.load %arg1[%get3A_120, %get3A_121, %get3A_122] : memref<11x1x32xf32, #tpu.memory_space<vmem>>, vector<1x1x32xf32>
    %get3A_124 = vector.shape_cast %get3A_123 : vector<1x1x32xf32> to vector<1x32xf32>
    %get3A_125 = arith.constant 0 : index
    %get3A_126 = arith.constant 0 : index
    %get3A_127 = vector.load %arg4[%get3A_125, %get3A_126] : memref<1x32xf32, #tpu.memory_space<vmem>>, vector<1x32xf32>
    %mul3A_128 = arith.mulf %get3A_124, %get3A_127 : vector<1x32xf32>
    %get3A_129 = arith.constant 0 : index
    %get3A_130 = arith.constant 0 : index
    %get3A_131 = vector.load %arg5[%get3A_129, %get3A_130] : memref<1x32xf32, #tpu.memory_space<vmem>>, vector<1x32xf32>
    %add3A_132 = arith.addf %mul3A_128, %get3A_131 : vector<1x32xf32>
    %get3A_133 = arith.constant 0 : index
    %get3A_134 = arith.constant 0 : index
    %get3A_135 = vector.load %arg7[%get3A_133, %get3A_134] : memref<32x32xf32, #tpu.memory_space<vmem>>, vector<32x32xf32>
    %dot_general3A_136 = arith.constant dense<0.000000e+00> : vector<1x32xf32>
    %dot_general3A_137 = tpu.matmul %add3A_132, %get3A_135, %dot_general3A_136 {dimension_numbers = #tpu.dot_dimension_numbers<[1], [0], [0], [1], [0, 0, 1, 1], [], []>, transpose_lhs_hint = false} : vector<1x32xf32>, vector<32x32xf32>, vector<1x32xf32> -> vector<1x32xf32>
    %add3A_138 = vector.broadcast %dot_general3A_137 : vector<1x32xf32> to vector<128x32xf32>
    %add3A_139 = arith.addf %dot_general3A_13, %add3A_138 : vector<128x32xf32>
    %get3A_140 = arith.constant 0 : index
    %get3A_141 = arith.constant 0 : index
    %get3A_142 = vector.load %arg8[%get3A_140, %get3A_141] : memref<1x32xf32, #tpu.memory_space<vmem>>, vector<1x32xf32>
    %add3A_143 = vector.broadcast %get3A_142 : vector<1x32xf32> to vector<128x32xf32>
    %add3A_144 = arith.addf %add3A_139, %add3A_143 : vector<128x32xf32>
    %max3A_145 = arith.constant 0.000000e+00 : f32
    %max3A_146 = vector.broadcast %max3A_145 : f32 to vector<128x32xf32>
    %max3A_147 = arith.maximumf %add3A_144, %max3A_146 : vector<128x32xf32>
    %get3A_148 = arith.constant 0 : index
    %get3A_149 = arith.constant 0 : index
    %get3A_150 = vector.load %arg9[%get3A_148, %get3A_149] : memref<1x32xf32, #tpu.memory_space<vmem>>, vector<1x32xf32>
    %mul3A_151 = vector.broadcast %get3A_150 : vector<1x32xf32> to vector<128x32xf32>
    %mul3A_152 = arith.mulf %max3A_147, %mul3A_151 : vector<128x32xf32>
    %get3A_153 = arith.constant 0 : index
    %get3A_154 = arith.constant 0 : index
    %get3A_155 = vector.load %arg10[%get3A_153, %get3A_154] : memref<1x32xf32, #tpu.memory_space<vmem>>, vector<1x32xf32>
    %add3A_156 = vector.broadcast %get3A_155 : vector<1x32xf32> to vector<128x32xf32>
    %add3A_157 = arith.addf %mul3A_152, %add3A_156 : vector<128x32xf32>
    %get3A_158 = arith.constant 0 : index
    %get3A_159 = arith.constant 0 : index
    %get3A_160 = vector.load %arg11[%get3A_158, %get3A_159] : memref<32x16xf32, #tpu.memory_space<vmem>>, vector<32x16xf32>
    %dot_general3A_161 = arith.constant dense<0.000000e+00> : vector<128x16xf32>
    %dot_general3A_162 = tpu.matmul %add3A_157, %get3A_160, %dot_general3A_161 {dimension_numbers = #tpu.dot_dimension_numbers<[1], [0], [0], [1], [0, 0, 1, 1], [], []>, transpose_lhs_hint = false} : vector<128x32xf32>, vector<32x16xf32>, vector<128x16xf32> -> vector<128x16xf32>
    %get3A_163 = arith.constant 0 : index
    %get3A_164 = arith.constant 0 : index
    %get3A_165 = vector.load %arg12[%get3A_163, %get3A_164] : memref<1x16xf32, #tpu.memory_space<vmem>>, vector<1x16xf32>
    %add3A_166 = vector.broadcast %get3A_165 : vector<1x16xf32> to vector<128x16xf32>
    %add3A_167 = arith.addf %dot_general3A_162, %add3A_166 : vector<128x16xf32>
    %max3A_168 = arith.constant 0.000000e+00 : f32
    %max3A_169 = vector.broadcast %max3A_168 : f32 to vector<128x16xf32>
    %max3A_170 = arith.maximumf %add3A_167, %max3A_169 : vector<128x16xf32>
    %swap3A_171 = arith.constant 256 : index
    %swap3A_172 = arith.constant 0 : index
    %swap3A_173 = vector.load %arg13[%swap3A_171, %swap3A_172] : memref<1408x16xf32, #tpu.memory_space<vmem>>, vector<128x16xf32>
    tpu.vector_store %arg13[%swap3A_171, %swap3A_172], %max3A_170 {strides = array<i32>} : memref<1408x16xf32, #tpu.memory_space<vmem>>, vector<128x16xf32>,
    %get3A_174 = arith.constant 3 : index
    %get3A_175 = arith.constant 0 : index
    %get3A_176 = arith.constant 0 : index
    %get3A_177 = vector.load %arg1[%get3A_174, %get3A_175, %get3A_176] : memref<11x1x32xf32, #tpu.memory_space<vmem>>, vector<1x1x32xf32>
    %get3A_178 = vector.shape_cast %get3A_177 : vector<1x1x32xf32> to vector<1x32xf32>
    %get3A_179 = arith.constant 0 : index
    %get3A_180 = arith.constant 0 : index
    %get3A_181 = vector.load %arg4[%get3A_179, %get3A_180] : memref<1x32xf32, #tpu.memory_space<vmem>>, vector<1x32xf32>
    %mul3A_182 = arith.mulf %get3A_178, %get3A_181 : vector<1x32xf32>
    %get3A_183 = arith.constant 0 : index
    %get3A_184 = arith.constant 0 : index
    %get3A_185 = vector.load %arg5[%get3A_183, %get3A_184] : memref<1x32xf32, #tpu.memory_space<vmem>>, vector<1x32xf32>
    %add3A_186 = arith.addf %mul3A_182, %get3A_185 : vector<1x32xf32>
    %get3A_187 = arith.constant 0 : index
    %get3A_188 = arith.constant 0 : index
    %get3A_189 = vector.load %arg7[%get3A_187, %get3A_188] : memref<32x32xf32, #tpu.memory_space<vmem>>, vector<32x32xf32>
    %dot_general3A_190 = arith.constant dense<0.000000e+00> : vector<1x32xf32>
    %dot_general3A_191 = tpu.matmul %add3A_186, %get3A_189, %dot_general3A_190 {dimension_numbers = #tpu.dot_dimension_numbers<[1], [0], [0], [1], [0, 0, 1, 1], [], []>, transpose_lhs_hint = false} : vector<1x32xf32>, vector<32x32xf32>, vector<1x32xf32> -> vector<1x32xf32>
    %add3A_192 = vector.broadcast %dot_general3A_191 : vector<1x32xf32> to vector<128x32xf32>
    %add3A_193 = arith.addf %dot_general3A_13, %add3A_192 : vector<128x32xf32>
    %get3A_194 = arith.constant 0 : index
    %get3A_195 = arith.constant 0 : index
    %get3A_196 = vector.load %arg8[%get3A_194, %get3A_195] : memref<1x32xf32, #tpu.memory_space<vmem>>, vector<1x32xf32>
    %add3A_197 = vector.broadcast %get3A_196 : vector<1x32xf32> to vector<128x32xf32>
    %add3A_198 = arith.addf %add3A_193, %add3A_197 : vector<128x32xf32>
    %max3A_199 = arith.constant 0.000000e+00 : f32
    %max3A_200 = vector.broadcast %max3A_199 : f32 to vector<128x32xf32>
    %max3A_201 = arith.maximumf %add3A_198, %max3A_200 : vector<128x32xf32>
    %get3A_202 = arith.constant 0 : index
    %get3A_203 = arith.constant 0 : index
    %get3A_204 = vector.load %arg9[%get3A_202, %get3A_203] : memref<1x32xf32, #tpu.memory_space<vmem>>, vector<1x32xf32>
    %mul3A_205 = vector.broadcast %get3A_204 : vector<1x32xf32> to vector<128x32xf32>
    %mul3A_206 = arith.mulf %max3A_201, %mul3A_205 : vector<128x32xf32>
    %get3A_207 = arith.constant 0 : index
    %get3A_208 = arith.constant 0 : index
    %get3A_209 = vector.load %arg10[%get3A_207, %get3A_208] : memref<1x32xf32, #tpu.memory_space<vmem>>, vector<1x32xf32>
    %add3A_210 = vector.broadcast %get3A_209 : vector<1x32xf32> to vector<128x32xf32>
    %add3A_211 = arith.addf %mul3A_206, %add3A_210 : vector<128x32xf32>
    %get3A_212 = arith.constant 0 : index
    %get3A_213 = arith.constant 0 : index
    %get3A_214 = vector.load %arg11[%get3A_212, %get3A_213] : memref<32x16xf32, #tpu.memory_space<vmem>>, vector<32x16xf32>
    %dot_general3A_215 = arith.constant dense<0.000000e+00> : vector<128x16xf32>
    %dot_general3A_216 = tpu.matmul %add3A_211, %get3A_214, %dot_general3A_215 {dimension_numbers = #tpu.dot_dimension_numbers<[1], [0], [0], [1], [0, 0, 1, 1], [], []>, transpose_lhs_hint = false} : vector<128x32xf32>, vector<32x16xf32>, vector<128x16xf32> -> vector<128x16xf32>
    %get3A_217 = arith.constant 0 : index
    %get3A_218 = arith.constant 0 : index
    %get3A_219 = vector.load %arg12[%get3A_217, %get3A_218] : memref<1x16xf32, #tpu.memory_space<vmem>>, vector<1x16xf32>
    %add3A_220 = vector.broadcast %get3A_219 : vector<1x16xf32> to vector<128x16xf32>
    %add3A_221 = arith.addf %dot_general3A_216, %add3A_220 : vector<128x16xf32>
    %max3A_222 = arith.constant 0.000000e+00 : f32
    %max3A_223 = vector.broadcast %max3A_222 : f32 to vector<128x16xf32>
    %max3A_224 = arith.maximumf %add3A_221, %max3A_223 : vector<128x16xf32>
    %swap3A_225 = arith.constant 384 : index
    %swap3A_226 = arith.constant 0 : index
    %swap3A_227 = vector.load %arg13[%swap3A_225, %swap3A_226] : memref<1408x16xf32, #tpu.memory_space<vmem>>, vector<128x16xf32>
    tpu.vector_store %arg13[%swap3A_225, %swap3A_226], %max3A_224 {strides = array<i32>} : memref<1408x16xf32, #tpu.memory_space<vmem>>, vector<128x16xf32>,
    %get3A_228 = arith.constant 4 : index
    %get3A_229 = arith.constant 0 : index
    %get3A_230 = arith.constant 0 : index
    %get3A_231 = vector.load %arg1[%get3A_228, %get3A_229, %get3A_230] : memref<11x1x32xf32, #tpu.memory_space<vmem>>, vector<1x1x32xf32>
    %get3A_232 = vector.shape_cast %get3A_231 : vector<1x1x32xf32> to vector<1x32xf32>
    %get3A_233 = arith.constant 0 : index
    %get3A_234 = arith.constant 0 : index
    %get3A_235 = vector.load %arg4[%get3A_233, %get3A_234] : memref<1x32xf32, #tpu.memory_space<vmem>>, vector<1x32xf32>
    %mul3A_236 = arith.mulf %get3A_232, %get3A_235 : vector<1x32xf32>
    %get3A_237 = arith.constant 0 : index
    %get3A_238 = arith.constant 0 : index
    %get3A_239 = vector.load %arg5[%get3A_237, %get3A_238] : memref<1x32xf32, #tpu.memory_space<vmem>>, vector<1x32xf32>
    %add3A_240 = arith.addf %mul3A_236, %get3A_239 : vector<1x32xf32>
    %get3A_241 = arith.constant 0 : index
    %get3A_242 = arith.constant 0 : index
    %get3A_243 = vector.load %arg7[%get3A_241, %get3A_242] : memref<32x32xf32, #tpu.memory_space<vmem>>, vector<32x32xf32>
    %dot_general3A_244 = arith.constant dense<0.000000e+00> : vector<1x32xf32>
    %dot_general3A_245 = tpu.matmul %add3A_240, %get3A_243, %dot_general3A_244 {dimension_numbers = #tpu.dot_dimension_numbers<[1], [0], [0], [1], [0, 0, 1, 1], [], []>, transpose_lhs_hint = false} : vector<1x32xf32>, vector<32x32xf32>, vector<1x32xf32> -> vector<1x32xf32>
    %add3A_246 = vector.broadcast %dot_general3A_245 : vector<1x32xf32> to vector<128x32xf32>
    %add3A_247 = arith.addf %dot_general3A_13, %add3A_246 : vector<128x32xf32>
    %get3A_248 = arith.constant 0 : index
    %get3A_249 = arith.constant 0 : index
    %get3A_250 = vector.load %arg8[%get3A_248, %get3A_249] : memref<1x32xf32, #tpu.memory_space<vmem>>, vector<1x32xf32>
    %add3A_251 = vector.broadcast %get3A_250 : vector<1x32xf32> to vector<128x32xf32>
    %add3A_252 = arith.addf %add3A_247, %add3A_251 : vector<128x32xf32>
    %max3A_253 = arith.constant 0.000000e+00 : f32
    %max3A_254 = vector.broadcast %max3A_253 : f32 to vector<128x32xf32>
    %max3A_255 = arith.maximumf %add3A_252, %max3A_254 : vector<128x32xf32>
    %get3A_256 = arith.constant 0 : index
    %get3A_257 = arith.constant 0 : index
    %get3A_258 = vector.load %arg9[%get3A_256, %get3A_257] : memref<1x32xf32, #tpu.memory_space<vmem>>, vector<1x32xf32>
    %mul3A_259 = vector.broadcast %get3A_258 : vector<1x32xf32> to vector<128x32xf32>
    %mul3A_260 = arith.mulf %max3A_255, %mul3A_259 : vector<128x32xf32>
    %get3A_261 = arith.constant 0 : index
    %get3A_262 = arith.constant 0 : index
    %get3A_263 = vector.load %arg10[%get3A_261, %get3A_262] : memref<1x32xf32, #tpu.memory_space<vmem>>, vector<1x32xf32>
    %add3A_264 = vector.broadcast %get3A_263 : vector<1x32xf32> to vector<128x32xf32>
    %add3A_265 = arith.addf %mul3A_260, %add3A_264 : vector<128x32xf32>
    %get3A_266 = arith.constant 0 : index
    %get3A_267 = arith.constant 0 : index
    %get3A_268 = vector.load %arg11[%get3A_266, %get3A_267] : memref<32x16xf32, #tpu.memory_space<vmem>>, vector<32x16xf32>
    %dot_general3A_269 = arith.constant dense<0.000000e+00> : vector<128x16xf32>
    %dot_general3A_270 = tpu.matmul %add3A_265, %get3A_268, %dot_general3A_269 {dimension_numbers = #tpu.dot_dimension_numbers<[1], [0], [0], [1], [0, 0, 1, 1], [], []>, transpose_lhs_hint = false} : vector<128x32xf32>, vector<32x16xf32>, vector<128x16xf32> -> vector<128x16xf32>
    %get3A_271 = arith.constant 0 : index
    %get3A_272 = arith.constant 0 : index
    %get3A_273 = vector.load %arg12[%get3A_271, %get3A_272] : memref<1x16xf32, #tpu.memory_space<vmem>>, vector<1x16xf32>
    %add3A_274 = vector.broadcast %get3A_273 : vector<1x16xf32> to vector<128x16xf32>
    %add3A_275 = arith.addf %dot_general3A_270, %add3A_274 : vector<128x16xf32>
    %max3A_276 = arith.constant 0.000000e+00 : f32
    %max3A_277 = vector.broadcast %max3A_276 : f32 to vector<128x16xf32>
    %max3A_278 = arith.maximumf %add3A_275, %max3A_277 : vector<128x16xf32>
    %swap3A_279 = arith.constant 512 : index
    %swap3A_280 = arith.constant 0 : index
    %swap3A_281 = vector.load %arg13[%swap3A_279, %swap3A_280] : memref<1408x16xf32, #tpu.memory_space<vmem>>, vector<128x16xf32>
    tpu.vector_store %arg13[%swap3A_279, %swap3A_280], %max3A_278 {strides = array<i32>} : memref<1408x16xf32, #tpu.memory_space<vmem>>, vector<128x16xf32>,
    %get3A_282 = arith.constant 5 : index
    %get3A_283 = arith.constant 0 : index
    %get3A_284 = arith.constant 0 : index
    %get3A_285 = vector.load %arg1[%get3A_282, %get3A_283, %get3A_284] : memref<11x1x32xf32, #tpu.memory_space<vmem>>, vector<1x1x32xf32>
    %get3A_286 = vector.shape_cast %get3A_285 : vector<1x1x32xf32> to vector<1x32xf32>
    %get3A_287 = arith.constant 0 : index
    %get3A_288 = arith.constant 0 : index
    %get3A_289 = vector.load %arg4[%get3A_287, %get3A_288] : memref<1x32xf32, #tpu.memory_space<vmem>>, vector<1x32xf32>
    %mul3A_290 = arith.mulf %get3A_286, %get3A_289 : vector<1x32xf32>
    %get3A_291 = arith.constant 0 : index
    %get3A_292 = arith.constant 0 : index
    %get3A_293 = vector.load %arg5[%get3A_291, %get3A_292] : memref<1x32xf32, #tpu.memory_space<vmem>>, vector<1x32xf32>
    %add3A_294 = arith.addf %mul3A_290, %get3A_293 : vector<1x32xf32>
    %get3A_295 = arith.constant 0 : index
    %get3A_296 = arith.constant 0 : index
    %get3A_297 = vector.load %arg7[%get3A_295, %get3A_296] : memref<32x32xf32, #tpu.memory_space<vmem>>, vector<32x32xf32>
    %dot_general3A_298 = arith.constant dense<0.000000e+00> : vector<1x32xf32>
    %dot_general3A_299 = tpu.matmul %add3A_294, %get3A_297, %dot_general3A_298 {dimension_numbers = #tpu.dot_dimension_numbers<[1], [0], [0], [1], [0, 0, 1, 1], [], []>, transpose_lhs_hint = false} : vector<1x32xf32>, vector<32x32xf32>, vector<1x32xf32> -> vector<1x32xf32>
    %add3A_300 = vector.broadcast %dot_general3A_299 : vector<1x32xf32> to vector<128x32xf32>
    %add3A_301 = arith.addf %dot_general3A_13, %add3A_300 : vector<128x32xf32>
    %get3A_302 = arith.constant 0 : index
    %get3A_303 = arith.constant 0 : index
    %get3A_304 = vector.load %arg8[%get3A_302, %get3A_303] : memref<1x32xf32, #tpu.memory_space<vmem>>, vector<1x32xf32>
    %add3A_305 = vector.broadcast %get3A_304 : vector<1x32xf32> to vector<128x32xf32>
    %add3A_306 = arith.addf %add3A_301, %add3A_305 : vector<128x32xf32>
    %max3A_307 = arith.constant 0.000000e+00 : f32
    %max3A_308 = vector.broadcast %max3A_307 : f32 to vector<128x32xf32>
    %max3A_309 = arith.maximumf %add3A_306, %max3A_308 : vector<128x32xf32>
    %get3A_310 = arith.constant 0 : index
    %get3A_311 = arith.constant 0 : index
    %get3A_312 = vector.load %arg9[%get3A_310, %get3A_311] : memref<1x32xf32, #tpu.memory_space<vmem>>, vector<1x32xf32>
    %mul3A_313 = vector.broadcast %get3A_312 : vector<1x32xf32> to vector<128x32xf32>
    %mul3A_314 = arith.mulf %max3A_309, %mul3A_313 : vector<128x32xf32>
    %get3A_315 = arith.constant 0 : index
    %get3A_316 = arith.constant 0 : index
    %get3A_317 = vector.load %arg10[%get3A_315, %get3A_316] : memref<1x32xf32, #tpu.memory_space<vmem>>, vector<1x32xf32>
    %add3A_318 = vector.broadcast %get3A_317 : vector<1x32xf32> to vector<128x32xf32>
    %add3A_319 = arith.addf %mul3A_314, %add3A_318 : vector<128x32xf32>
    %get3A_320 = arith.constant 0 : index
    %get3A_321 = arith.constant 0 : index
    %get3A_322 = vector.load %arg11[%get3A_320, %get3A_321] : memref<32x16xf32, #tpu.memory_space<vmem>>, vector<32x16xf32>
    %dot_general3A_323 = arith.constant dense<0.000000e+00> : vector<128x16xf32>
    %dot_general3A_324 = tpu.matmul %add3A_319, %get3A_322, %dot_general3A_323 {dimension_numbers = #tpu.dot_dimension_numbers<[1], [0], [0], [1], [0, 0, 1, 1], [], []>, transpose_lhs_hint = false} : vector<128x32xf32>, vector<32x16xf32>, vector<128x16xf32> -> vector<128x16xf32>
    %get3A_325 = arith.constant 0 : index
    %get3A_326 = arith.constant 0 : index
    %get3A_327 = vector.load %arg12[%get3A_325, %get3A_326] : memref<1x16xf32, #tpu.memory_space<vmem>>, vector<1x16xf32>
    %add3A_328 = vector.broadcast %get3A_327 : vector<1x16xf32> to vector<128x16xf32>
    %add3A_329 = arith.addf %dot_general3A_324, %add3A_328 : vector<128x16xf32>
    %max3A_330 = arith.constant 0.000000e+00 : f32
    %max3A_331 = vector.broadcast %max3A_330 : f32 to vector<128x16xf32>
    %max3A_332 = arith.maximumf %add3A_329, %max3A_331 : vector<128x16xf32>
    %swap3A_333 = arith.constant 640 : index
    %swap3A_334 = arith.constant 0 : index
    %swap3A_335 = vector.load %arg13[%swap3A_333, %swap3A_334] : memref<1408x16xf32, #tpu.memory_space<vmem>>, vector<128x16xf32>
    tpu.vector_store %arg13[%swap3A_333, %swap3A_334], %max3A_332 {strides = array<i32>} : memref<1408x16xf32, #tpu.memory_space<vmem>>, vector<128x16xf32>,
    %get3A_336 = arith.constant 6 : index
    %get3A_337 = arith.constant 0 : index
    %get3A_338 = arith.constant 0 : index
    %get3A_339 = vector.load %arg1[%get3A_336, %get3A_337, %get3A_338] : memref<11x1x32xf32, #tpu.memory_space<vmem>>, vector<1x1x32xf32>
    %get3A_340 = vector.shape_cast %get3A_339 : vector<1x1x32xf32> to vector<1x32xf32>
    %get3A_341 = arith.constant 0 : index
    %get3A_342 = arith.constant 0 : index
    %get3A_343 = vector.load %arg4[%get3A_341, %get3A_342] : memref<1x32xf32, #tpu.memory_space<vmem>>, vector<1x32xf32>
    %mul3A_344 = arith.mulf %get3A_340, %get3A_343 : vector<1x32xf32>
    %get3A_345 = arith.constant 0 : index
    %get3A_346 = arith.constant 0 : index
    %get3A_347 = vector.load %arg5[%get3A_345, %get3A_346] : memref<1x32xf32, #tpu.memory_space<vmem>>, vector<1x32xf32>
    %add3A_348 = arith.addf %mul3A_344, %get3A_347 : vector<1x32xf32>
    %get3A_349 = arith.constant 0 : index
    %get3A_350 = arith.constant 0 : index
    %get3A_351 = vector.load %arg7[%get3A_349, %get3A_350] : memref<32x32xf32, #tpu.memory_space<vmem>>, vector<32x32xf32>
    %dot_general3A_352 = arith.constant dense<0.000000e+00> : vector<1x32xf32>
    %dot_general3A_353 = tpu.matmul %add3A_348, %get3A_351, %dot_general3A_352 {dimension_numbers = #tpu.dot_dimension_numbers<[1], [0], [0], [1], [0, 0, 1, 1], [], []>, transpose_lhs_hint = false} : vector<1x32xf32>, vector<32x32xf32>, vector<1x32xf32> -> vector<1x32xf32>
    %add3A_354 = vector.broadcast %dot_general3A_353 : vector<1x32xf32> to vector<128x32xf32>
    %add3A_355 = arith.addf %dot_general3A_13, %add3A_354 : vector<128x32xf32>
    %get3A_356 = arith.constant 0 : index
    %get3A_357 = arith.constant 0 : index
    %get3A_358 = vector.load %arg8[%get3A_356, %get3A_357] : memref<1x32xf32, #tpu.memory_space<vmem>>, vector<1x32xf32>
    %add3A_359 = vector.broadcast %get3A_358 : vector<1x32xf32> to vector<128x32xf32>
    %add3A_360 = arith.addf %add3A_355, %add3A_359 : vector<128x32xf32>
    %max3A_361 = arith.constant 0.000000e+00 : f32
    %max3A_362 = vector.broadcast %max3A_361 : f32 to vector<128x32xf32>
    %max3A_363 = arith.maximumf %add3A_360, %max3A_362 : vector<128x32xf32>
    %get3A_364 = arith.constant 0 : index
    %get3A_365 = arith.constant 0 : index
    %get3A_366 = vector.load %arg9[%get3A_364, %get3A_365] : memref<1x32xf32, #tpu.memory_space<vmem>>, vector<1x32xf32>
    %mul3A_367 = vector.broadcast %get3A_366 : vector<1x32xf32> to vector<128x32xf32>
    %mul3A_368 = arith.mulf %max3A_363, %mul3A_367 : vector<128x32xf32>
    %get3A_369 = arith.constant 0 : index
    %get3A_370 = arith.constant 0 : index
    %get3A_371 = vector.load %arg10[%get3A_369, %get3A_370] : memref<1x32xf32, #tpu.memory_space<vmem>>, vector<1x32xf32>
    %add3A_372 = vector.broadcast %get3A_371 : vector<1x32xf32> to vector<128x32xf32>
    %add3A_373 = arith.addf %mul3A_368, %add3A_372 : vector<128x32xf32>
    %get3A_374 = arith.constant 0 : index
    %get3A_375 = arith.constant 0 : index
    %get3A_376 = vector.load %arg11[%get3A_374, %get3A_375] : memref<32x16xf32, #tpu.memory_space<vmem>>, vector<32x16xf32>
    %dot_general3A_377 = arith.constant dense<0.000000e+00> : vector<128x16xf32>
    %dot_general3A_378 = tpu.matmul %add3A_373, %get3A_376, %dot_general3A_377 {dimension_numbers = #tpu.dot_dimension_numbers<[1], [0], [0], [1], [0, 0, 1, 1], [], []>, transpose_lhs_hint = false} : vector<128x32xf32>, vector<32x16xf32>, vector<128x16xf32> -> vector<128x16xf32>
    %get3A_379 = arith.constant 0 : index
    %get3A_380 = arith.constant 0 : index
    %get3A_381 = vector.load %arg12[%get3A_379, %get3A_380] : memref<1x16xf32, #tpu.memory_space<vmem>>, vector<1x16xf32>
    %add3A_382 = vector.broadcast %get3A_381 : vector<1x16xf32> to vector<128x16xf32>
    %add3A_383 = arith.addf %dot_general3A_378, %add3A_382 : vector<128x16xf32>
    %max3A_384 = arith.constant 0.000000e+00 : f32
    %max3A_385 = vector.broadcast %max3A_384 : f32 to vector<128x16xf32>
    %max3A_386 = arith.maximumf %add3A_383, %max3A_385 : vector<128x16xf32>
    %swap3A_387 = arith.constant 768 : index
    %swap3A_388 = arith.constant 0 : index
    %swap3A_389 = vector.load %arg13[%swap3A_387, %swap3A_388] : memref<1408x16xf32, #tpu.memory_space<vmem>>, vector<128x16xf32>
    tpu.vector_store %arg13[%swap3A_387, %swap3A_388], %max3A_386 {strides = array<i32>} : memref<1408x16xf32, #tpu.memory_space<vmem>>, vector<128x16xf32>,
    %get3A_390 = arith.constant 7 : index
    %get3A_391 = arith.constant 0 : index
    %get3A_392 = arith.constant 0 : index
    %get3A_393 = vector.load %arg1[%get3A_390, %get3A_391, %get3A_392] : memref<11x1x32xf32, #tpu.memory_space<vmem>>, vector<1x1x32xf32>
    %get3A_394 = vector.shape_cast %get3A_393 : vector<1x1x32xf32> to vector<1x32xf32>
    %get3A_395 = arith.constant 0 : index
    %get3A_396 = arith.constant 0 : index
    %get3A_397 = vector.load %arg4[%get3A_395, %get3A_396] : memref<1x32xf32, #tpu.memory_space<vmem>>, vector<1x32xf32>
    %mul3A_398 = arith.mulf %get3A_394, %get3A_397 : vector<1x32xf32>
    %get3A_399 = arith.constant 0 : index
    %get3A_400 = arith.constant 0 : index
    %get3A_401 = vector.load %arg5[%get3A_399, %get3A_400] : memref<1x32xf32, #tpu.memory_space<vmem>>, vector<1x32xf32>
    %add3A_402 = arith.addf %mul3A_398, %get3A_401 : vector<1x32xf32>
    %get3A_403 = arith.constant 0 : index
    %get3A_404 = arith.constant 0 : index
    %get3A_405 = vector.load %arg7[%get3A_403, %get3A_404] : memref<32x32xf32, #tpu.memory_space<vmem>>, vector<32x32xf32>
    %dot_general3A_406 = arith.constant dense<0.000000e+00> : vector<1x32xf32>
    %dot_general3A_407 = tpu.matmul %add3A_402, %get3A_405, %dot_general3A_406 {dimension_numbers = #tpu.dot_dimension_numbers<[1], [0], [0], [1], [0, 0, 1, 1], [], []>, transpose_lhs_hint = false} : vector<1x32xf32>, vector<32x32xf32>, vector<1x32xf32> -> vector<1x32xf32>
    %add3A_408 = vector.broadcast %dot_general3A_407 : vector<1x32xf32> to vector<128x32xf32>
    %add3A_409 = arith.addf %dot_general3A_13, %add3A_408 : vector<128x32xf32>
    %get3A_410 = arith.constant 0 : index
    %get3A_411 = arith.constant 0 : index
    %get3A_412 = vector.load %arg8[%get3A_410, %get3A_411] : memref<1x32xf32, #tpu.memory_space<vmem>>, vector<1x32xf32>
    %add3A_413 = vector.broadcast %get3A_412 : vector<1x32xf32> to vector<128x32xf32>
    %add3A_414 = arith.addf %add3A_409, %add3A_413 : vector<128x32xf32>
    %max3A_415 = arith.constant 0.000000e+00 : f32
    %max3A_416 = vector.broadcast %max3A_415 : f32 to vector<128x32xf32>
    %max3A_417 = arith.maximumf %add3A_414, %max3A_416 : vector<128x32xf32>
    %get3A_418 = arith.constant 0 : index
    %get3A_419 = arith.constant 0 : index
    %get3A_420 = vector.load %arg9[%get3A_418, %get3A_419] : memref<1x32xf32, #tpu.memory_space<vmem>>, vector<1x32xf32>
    %mul3A_421 = vector.broadcast %get3A_420 : vector<1x32xf32> to vector<128x32xf32>
    %mul3A_422 = arith.mulf %max3A_417, %mul3A_421 : vector<128x32xf32>
    %get3A_423 = arith.constant 0 : index
    %get3A_424 = arith.constant 0 : index
    %get3A_425 = vector.load %arg10[%get3A_423, %get3A_424] : memref<1x32xf32, #tpu.memory_space<vmem>>, vector<1x32xf32>
    %add3A_426 = vector.broadcast %get3A_425 : vector<1x32xf32> to vector<128x32xf32>
    %add3A_427 = arith.addf %mul3A_422, %add3A_426 : vector<128x32xf32>
    %get3A_428 = arith.constant 0 : index
    %get3A_429 = arith.constant 0 : index
    %get3A_430 = vector.load %arg11[%get3A_428, %get3A_429] : memref<32x16xf32, #tpu.memory_space<vmem>>, vector<32x16xf32>
    %dot_general3A_431 = arith.constant dense<0.000000e+00> : vector<128x16xf32>
    %dot_general3A_432 = tpu.matmul %add3A_427, %get3A_430, %dot_general3A_431 {dimension_numbers = #tpu.dot_dimension_numbers<[1], [0], [0], [1], [0, 0, 1, 1], [], []>, transpose_lhs_hint = false} : vector<128x32xf32>, vector<32x16xf32>, vector<128x16xf32> -> vector<128x16xf32>
    %get3A_433 = arith.constant 0 : index
    %get3A_434 = arith.constant 0 : index
    %get3A_435 = vector.load %arg12[%get3A_433, %get3A_434] : memref<1x16xf32, #tpu.memory_space<vmem>>, vector<1x16xf32>
    %add3A_436 = vector.broadcast %get3A_435 : vector<1x16xf32> to vector<128x16xf32>
    %add3A_437 = arith.addf %dot_general3A_432, %add3A_436 : vector<128x16xf32>
    %max3A_438 = arith.constant 0.000000e+00 : f32
    %max3A_439 = vector.broadcast %max3A_438 : f32 to vector<128x16xf32>
    %max3A_440 = arith.maximumf %add3A_437, %max3A_439 : vector<128x16xf32>
    %swap3A_441 = arith.constant 896 : index
    %swap3A_442 = arith.constant 0 : index
    %swap3A_443 = vector.load %arg13[%swap3A_441, %swap3A_442] : memref<1408x16xf32, #tpu.memory_space<vmem>>, vector<128x16xf32>
    tpu.vector_store %arg13[%swap3A_441, %swap3A_442], %max3A_440 {strides = array<i32>} : memref<1408x16xf32, #tpu.memory_space<vmem>>, vector<128x16xf32>,
    %get3A_444 = arith.constant 8 : index
    %get3A_445 = arith.constant 0 : index
    %get3A_446 = arith.constant 0 : index
    %get3A_447 = vector.load %arg1[%get3A_444, %get3A_445, %get3A_446] : memref<11x1x32xf32, #tpu.memory_space<vmem>>, vector<1x1x32xf32>
    %get3A_448 = vector.shape_cast %get3A_447 : vector<1x1x32xf32> to vector<1x32xf32>
    %get3A_449 = arith.constant 0 : index
    %get3A_450 = arith.constant 0 : index
    %get3A_451 = vector.load %arg4[%get3A_449, %get3A_450] : memref<1x32xf32, #tpu.memory_space<vmem>>, vector<1x32xf32>
    %mul3A_452 = arith.mulf %get3A_448, %get3A_451 : vector<1x32xf32>
    %get3A_453 = arith.constant 0 : index
    %get3A_454 = arith.constant 0 : index
    %get3A_455 = vector.load %arg5[%get3A_453, %get3A_454] : memref<1x32xf32, #tpu.memory_space<vmem>>, vector<1x32xf32>
    %add3A_456 = arith.addf %mul3A_452, %get3A_455 : vector<1x32xf32>
    %get3A_457 = arith.constant 0 : index
    %get3A_458 = arith.constant 0 : index
    %get3A_459 = vector.load %arg7[%get3A_457, %get3A_458] : memref<32x32xf32, #tpu.memory_space<vmem>>, vector<32x32xf32>
    %dot_general3A_460 = arith.constant dense<0.000000e+00> : vector<1x32xf32>
    %dot_general3A_461 = tpu.matmul %add3A_456, %get3A_459, %dot_general3A_460 {dimension_numbers = #tpu.dot_dimension_numbers<[1], [0], [0], [1], [0, 0, 1, 1], [], []>, transpose_lhs_hint = false} : vector<1x32xf32>, vector<32x32xf32>, vector<1x32xf32> -> vector<1x32xf32>
    %add3A_462 = vector.broadcast %dot_general3A_461 : vector<1x32xf32> to vector<128x32xf32>
    %add3A_463 = arith.addf %dot_general3A_13, %add3A_462 : vector<128x32xf32>
    %get3A_464 = arith.constant 0 : index
    %get3A_465 = arith.constant 0 : index
    %get3A_466 = vector.load %arg8[%get3A_464, %get3A_465] : memref<1x32xf32, #tpu.memory_space<vmem>>, vector<1x32xf32>
    %add3A_467 = vector.broadcast %get3A_466 : vector<1x32xf32> to vector<128x32xf32>
    %add3A_468 = arith.addf %add3A_463, %add3A_467 : vector<128x32xf32>
    %max3A_469 = arith.constant 0.000000e+00 : f32
    %max3A_470 = vector.broadcast %max3A_469 : f32 to vector<128x32xf32>
    %max3A_471 = arith.maximumf %add3A_468, %max3A_470 : vector<128x32xf32>
    %get3A_472 = arith.constant 0 : index
    %get3A_473 = arith.constant 0 : index
    %get3A_474 = vector.load %arg9[%get3A_472, %get3A_473] : memref<1x32xf32, #tpu.memory_space<vmem>>, vector<1x32xf32>
    %mul3A_475 = vector.broadcast %get3A_474 : vector<1x32xf32> to vector<128x32xf32>
    %mul3A_476 = arith.mulf %max3A_471, %mul3A_475 : vector<128x32xf32>
    %get3A_477 = arith.constant 0 : index
    %get3A_478 = arith.constant 0 : index
    %get3A_479 = vector.load %arg10[%get3A_477, %get3A_478] : memref<1x32xf32, #tpu.memory_space<vmem>>, vector<1x32xf32>
    %add3A_480 = vector.broadcast %get3A_479 : vector<1x32xf32> to vector<128x32xf32>
    %add3A_481 = arith.addf %mul3A_476, %add3A_480 : vector<128x32xf32>
    %get3A_482 = arith.constant 0 : index
    %get3A_483 = arith.constant 0 : index
    %get3A_484 = vector.load %arg11[%get3A_482, %get3A_483] : memref<32x16xf32, #tpu.memory_space<vmem>>, vector<32x16xf32>
    %dot_general3A_485 = arith.constant dense<0.000000e+00> : vector<128x16xf32>
    %dot_general3A_486 = tpu.matmul %add3A_481, %get3A_484, %dot_general3A_485 {dimension_numbers = #tpu.dot_dimension_numbers<[1], [0], [0], [1], [0, 0, 1, 1], [], []>, transpose_lhs_hint = false} : vector<128x32xf32>, vector<32x16xf32>, vector<128x16xf32> -> vector<128x16xf32>
    %get3A_487 = arith.constant 0 : index
    %get3A_488 = arith.constant 0 : index
    %get3A_489 = vector.load %arg12[%get3A_487, %get3A_488] : memref<1x16xf32, #tpu.memory_space<vmem>>, vector<1x16xf32>
    %add3A_490 = vector.broadcast %get3A_489 : vector<1x16xf32> to vector<128x16xf32>
    %add3A_491 = arith.addf %dot_general3A_486, %add3A_490 : vector<128x16xf32>
    %max3A_492 = arith.constant 0.000000e+00 : f32
    %max3A_493 = vector.broadcast %max3A_492 : f32 to vector<128x16xf32>
    %max3A_494 = arith.maximumf %add3A_491, %max3A_493 : vector<128x16xf32>
    %swap3A_495 = arith.constant 1024 : index
    %swap3A_496 = arith.constant 0 : index
    %swap3A_497 = vector.load %arg13[%swap3A_495, %swap3A_496] : memref<1408x16xf32, #tpu.memory_space<vmem>>, vector<128x16xf32>
    tpu.vector_store %arg13[%swap3A_495, %swap3A_496], %max3A_494 {strides = array<i32>} : memref<1408x16xf32, #tpu.memory_space<vmem>>, vector<128x16xf32>,
    %get3A_498 = arith.constant 9 : index
    %get3A_499 = arith.constant 0 : index
    %get3A_500 = arith.constant 0 : index
    %get3A_501 = vector.load %arg1[%get3A_498, %get3A_499, %get3A_500] : memref<11x1x32xf32, #tpu.memory_space<vmem>>, vector<1x1x32xf32>
    %get3A_502 = vector.shape_cast %get3A_501 : vector<1x1x32xf32> to vector<1x32xf32>
    %get3A_503 = arith.constant 0 : index
    %get3A_504 = arith.constant 0 : index
    %get3A_505 = vector.load %arg4[%get3A_503, %get3A_504] : memref<1x32xf32, #tpu.memory_space<vmem>>, vector<1x32xf32>
    %mul3A_506 = arith.mulf %get3A_502, %get3A_505 : vector<1x32xf32>
    %get3A_507 = arith.constant 0 : index
    %get3A_508 = arith.constant 0 : index
    %get3A_509 = vector.load %arg5[%get3A_507, %get3A_508] : memref<1x32xf32, #tpu.memory_space<vmem>>, vector<1x32xf32>
    %add3A_510 = arith.addf %mul3A_506, %get3A_509 : vector<1x32xf32>
    %get3A_511 = arith.constant 0 : index
    %get3A_512 = arith.constant 0 : index
    %get3A_513 = vector.load %arg7[%get3A_511, %get3A_512] : memref<32x32xf32, #tpu.memory_space<vmem>>, vector<32x32xf32>
    %dot_general3A_514 = arith.constant dense<0.000000e+00> : vector<1x32xf32>
    %dot_general3A_515 = tpu.matmul %add3A_510, %get3A_513, %dot_general3A_514 {dimension_numbers = #tpu.dot_dimension_numbers<[1], [0], [0], [1], [0, 0, 1, 1], [], []>, transpose_lhs_hint = false} : vector<1x32xf32>, vector<32x32xf32>, vector<1x32xf32> -> vector<1x32xf32>
    %add3A_516 = vector.broadcast %dot_general3A_515 : vector<1x32xf32> to vector<128x32xf32>
    %add3A_517 = arith.addf %dot_general3A_13, %add3A_516 : vector<128x32xf32>
    %get3A_518 = arith.constant 0 : index
    %get3A_519 = arith.constant 0 : index
    %get3A_520 = vector.load %arg8[%get3A_518, %get3A_519] : memref<1x32xf32, #tpu.memory_space<vmem>>, vector<1x32xf32>
    %add3A_521 = vector.broadcast %get3A_520 : vector<1x32xf32> to vector<128x32xf32>
    %add3A_522 = arith.addf %add3A_517, %add3A_521 : vector<128x32xf32>
    %max3A_523 = arith.constant 0.000000e+00 : f32
    %max3A_524 = vector.broadcast %max3A_523 : f32 to vector<128x32xf32>
    %max3A_525 = arith.maximumf %add3A_522, %max3A_524 : vector<128x32xf32>
    %get3A_526 = arith.constant 0 : index
    %get3A_527 = arith.constant 0 : index
    %get3A_528 = vector.load %arg9[%get3A_526, %get3A_527] : memref<1x32xf32, #tpu.memory_space<vmem>>, vector<1x32xf32>
    %mul3A_529 = vector.broadcast %get3A_528 : vector<1x32xf32> to vector<128x32xf32>
    %mul3A_530 = arith.mulf %max3A_525, %mul3A_529 : vector<128x32xf32>
    %get3A_531 = arith.constant 0 : index
    %get3A_532 = arith.constant 0 : index
    %get3A_533 = vector.load %arg10[%get3A_531, %get3A_532] : memref<1x32xf32, #tpu.memory_space<vmem>>, vector<1x32xf32>
    %add3A_534 = vector.broadcast %get3A_533 : vector<1x32xf32> to vector<128x32xf32>
    %add3A_535 = arith.addf %mul3A_530, %add3A_534 : vector<128x32xf32>
    %get3A_536 = arith.constant 0 : index
    %get3A_537 = arith.constant 0 : index
    %get3A_538 = vector.load %arg11[%get3A_536, %get3A_537] : memref<32x16xf32, #tpu.memory_space<vmem>>, vector<32x16xf32>
    %dot_general3A_539 = arith.constant dense<0.000000e+00> : vector<128x16xf32>
    %dot_general3A_540 = tpu.matmul %add3A_535, %get3A_538, %dot_general3A_539 {dimension_numbers = #tpu.dot_dimension_numbers<[1], [0], [0], [1], [0, 0, 1, 1], [], []>, transpose_lhs_hint = false} : vector<128x32xf32>, vector<32x16xf32>, vector<128x16xf32> -> vector<128x16xf32>
    %get3A_541 = arith.constant 0 : index
    %get3A_542 = arith.constant 0 : index
    %get3A_543 = vector.load %arg12[%get3A_541, %get3A_542] : memref<1x16xf32, #tpu.memory_space<vmem>>, vector<1x16xf32>
    %add3A_544 = vector.broadcast %get3A_543 : vector<1x16xf32> to vector<128x16xf32>
    %add3A_545 = arith.addf %dot_general3A_540, %add3A_544 : vector<128x16xf32>
    %max3A_546 = arith.constant 0.000000e+00 : f32
    %max3A_547 = vector.broadcast %max3A_546 : f32 to vector<128x16xf32>
    %max3A_548 = arith.maximumf %add3A_545, %max3A_547 : vector<128x16xf32>
    %swap3A_549 = arith.constant 1152 : index
    %swap3A_550 = arith.constant 0 : index
    %swap3A_551 = vector.load %arg13[%swap3A_549, %swap3A_550] : memref<1408x16xf32, #tpu.memory_space<vmem>>, vector<128x16xf32>
    tpu.vector_store %arg13[%swap3A_549, %swap3A_550], %max3A_548 {strides = array<i32>} : memref<1408x16xf32, #tpu.memory_space<vmem>>, vector<128x16xf32>,
    %get3A_552 = arith.constant 10 : index
    %get3A_553 = arith.constant 0 : index
    %get3A_554 = arith.constant 0 : index
    %get3A_555 = vector.load %arg1[%get3A_552, %get3A_553, %get3A_554] : memref<11x1x32xf32, #tpu.memory_space<vmem>>, vector<1x1x32xf32>
    %get3A_556 = vector.shape_cast %get3A_555 : vector<1x1x32xf32> to vector<1x32xf32>
    %get3A_557 = arith.constant 0 : index
    %get3A_558 = arith.constant 0 : index
    %get3A_559 = vector.load %arg4[%get3A_557, %get3A_558] : memref<1x32xf32, #tpu.memory_space<vmem>>, vector<1x32xf32>
    %mul3A_560 = arith.mulf %get3A_556, %get3A_559 : vector<1x32xf32>
    %get3A_561 = arith.constant 0 : index
    %get3A_562 = arith.constant 0 : index
    %get3A_563 = vector.load %arg5[%get3A_561, %get3A_562] : memref<1x32xf32, #tpu.memory_space<vmem>>, vector<1x32xf32>
    %add3A_564 = arith.addf %mul3A_560, %get3A_563 : vector<1x32xf32>
    %get3A_565 = arith.constant 0 : index
    %get3A_566 = arith.constant 0 : index
    %get3A_567 = vector.load %arg7[%get3A_565, %get3A_566] : memref<32x32xf32, #tpu.memory_space<vmem>>, vector<32x32xf32>
    %dot_general3A_568 = arith.constant dense<0.000000e+00> : vector<1x32xf32>
    %dot_general3A_569 = tpu.matmul %add3A_564, %get3A_567, %dot_general3A_568 {dimension_numbers = #tpu.dot_dimension_numbers<[1], [0], [0], [1], [0, 0, 1, 1], [], []>, transpose_lhs_hint = false} : vector<1x32xf32>, vector<32x32xf32>, vector<1x32xf32> -> vector<1x32xf32>
    %add3A_570 = vector.broadcast %dot_general3A_569 : vector<1x32xf32> to vector<128x32xf32>
    %add3A_571 = arith.addf %dot_general3A_13, %add3A_570 : vector<128x32xf32>
    %get3A_572 = arith.constant 0 : index
    %get3A_573 = arith.constant 0 : index
    %get3A_574 = vector.load %arg8[%get3A_572, %get3A_573] : memref<1x32xf32, #tpu.memory_space<vmem>>, vector<1x32xf32>
    %add3A_575 = vector.broadcast %get3A_574 : vector<1x32xf32> to vector<128x32xf32>
    %add3A_576 = arith.addf %add3A_571, %add3A_575 : vector<128x32xf32>
    %max3A_577 = arith.constant 0.000000e+00 : f32
    %max3A_578 = vector.broadcast %max3A_577 : f32 to vector<128x32xf32>
    %max3A_579 = arith.maximumf %add3A_576, %max3A_578 : vector<128x32xf32>
    %get3A_580 = arith.constant 0 : index
    %get3A_581 = arith.constant 0 : index
    %get3A_582 = vector.load %arg9[%get3A_580, %get3A_581] : memref<1x32xf32, #tpu.memory_space<vmem>>, vector<1x32xf32>
    %mul3A_583 = vector.broadcast %get3A_582 : vector<1x32xf32> to vector<128x32xf32>
    %mul3A_584 = arith.mulf %max3A_579, %mul3A_583 : vector<128x32xf32>
    %get3A_585 = arith.constant 0 : index
    %get3A_586 = arith.constant 0 : index
    %get3A_587 = vector.load %arg10[%get3A_585, %get3A_586] : memref<1x32xf32, #tpu.memory_space<vmem>>, vector<1x32xf32>
    %add3A_588 = vector.broadcast %get3A_587 : vector<1x32xf32> to vector<128x32xf32>
    %add3A_589 = arith.addf %mul3A_584, %add3A_588 : vector<128x32xf32>
    %get3A_590 = arith.constant 0 : index
    %get3A_591 = arith.constant 0 : index
    %get3A_592 = vector.load %arg11[%get3A_590, %get3A_591] : memref<32x16xf32, #tpu.memory_space<vmem>>, vector<32x16xf32>
    %dot_general3A_593 = arith.constant dense<0.000000e+00> : vector<128x16xf32>
    %dot_general3A_594 = tpu.matmul %add3A_589, %get3A_592, %dot_general3A_593 {dimension_numbers = #tpu.dot_dimension_numbers<[1], [0], [0], [1], [0, 0, 1, 1], [], []>, transpose_lhs_hint = false} : vector<128x32xf32>, vector<32x16xf32>, vector<128x16xf32> -> vector<128x16xf32>
    %get3A_595 = arith.constant 0 : index
    %get3A_596 = arith.constant 0 : index
    %get3A_597 = vector.load %arg12[%get3A_595, %get3A_596] : memref<1x16xf32, #tpu.memory_space<vmem>>, vector<1x16xf32>
    %add3A_598 = vector.broadcast %get3A_597 : vector<1x16xf32> to vector<128x16xf32>
    %add3A_599 = arith.addf %dot_general3A_594, %add3A_598 : vector<128x16xf32>
    %max3A_600 = arith.constant 0.000000e+00 : f32
    %max3A_601 = vector.broadcast %max3A_600 : f32 to vector<128x16xf32>
    %max3A_602 = arith.maximumf %add3A_599, %max3A_601 : vector<128x16xf32>
    %swap3A_603 = arith.constant 1280 : index
    %swap3A_604 = arith.constant 0 : index
    %swap3A_605 = vector.load %arg13[%swap3A_603, %swap3A_604] : memref<1408x16xf32, #tpu.memory_space<vmem>>, vector<128x16xf32>
    tpu.vector_store %arg13[%swap3A_603, %swap3A_604], %max3A_602 {strides = array<i32>} : memref<1408x16xf32, #tpu.memory_space<vmem>>, vector<128x16xf32>,
    return
  }
}

</mosaic_0001>

<sc_bundles>
// kernel: kernel.4.cloned.1.call-start
scs
__scs_entry_jumppad:
0x0: {  	(pc) =	sbr.rel $0x88, $3  }
0x1: {  	(tag) =	ssettag $0x0;
	lr =	simm.s32 $0x1  }
0x2: {  	[smem:$0x3F91] =	sst lr;
	_ =	strace $0xD0000000  }
0x3: {  	_ = 	snop  }
0x4: {  	_ = 	snop  }
0x5: {  	_ = 	snop  }
0x6: {  	_ = 	snop  }
0x7: {  	_ = 	snop  }
__scs_overlays_trampoline_lowered:
0x8: {  	[smem:$0x3FA0] =	sst s0  }
0x9: {  	[smem:$0x3FA1] =	sst s1  }
0xa: {  	[smem:$0x3FA2] =	sst s2  }
0xb: {  	[smem:$0x3FA3] =	sst s3  }
0xc: {  	[smem:$0x3FA4] =	sst s4  }
0xd: {  	[smem:$0x3FA5] =	sst s5  }
0xe: {  	[smem:$0x3FA6] =	sst s6  }
0xf: {  	[smem:$0x3FA7] =	sst s7  }
0x10: {  	[smem:$0x3FA8] =	sst s8  }
0x11: {  	[smem:$0x3FA9] =	sst s9;
	s0 =	simm.s32 @!p0 $0x0  }
0x12: {  	s1 =	sld [smem:$0x3F8F];
	s0 =	simm.s32 @p0 $0x1  }
0x13: {  	[smem:$0x3FAA] =	sst s0;
	s0 =	simm.s32 @!p1 $0x0  }
0x14: {  	s2 =	sld [smem:$0x3F8E];
	s0 =	simm.s32 @p1 $0x1  }
0x15: {  	[smem:$0x3FAB] =	sst s0;
	s0 =	simm.s32 @!p2 $0x0  }
0x16: {  	s3 =	sld [smem:$0x3FDB];
	s0 =	simm.s32 @p2 $0x1  }
0x17: {  	s4 =	simm.s32 $0x1BF5;
	[smem:$0x3FAD] =	sst s0  }
0x18: {  	s0 =	sld [smem:$0x3F90];
	_ =	swait.ge [sflag:s4], $0x0  }
0x19: {  	s7 =	sld [smem:$0x3F91]  }
0x1a: {  	s8 =	sadd.s32 $0xFFFFE003, lr  }
0x1b: {  	s9 =	sadd.s32 $0xFFFFFEF7, lr;
	s5 =	simm.s32 $0xFFFFFFFF;
	p2 =	slt.u32 s8, $0xFFFFF086  }
0x1c: {  	p1 =	slt.u32 s9, $0xF7A;
	s5 =	simm.s32 @!p2 $0x0  }
0x1d: {  	s5 =	simm.s32 @p1 $0x1;
	p0 =	seq.s32 s7, s2  }
0x1e: {  	s7 =	smul.u32 @!p0 $0xF7A, s2;
	p2 =	seq.s32 @!p0 s5, $0x0  }
0x1f: {  	s9 =	smul.u32 $0xF7A, s1;
	s8 =	simm.s32 @!p0 $0x1BF5;
	p2 =	por !p2, p0  }
0x20: {  	[sflag:s8] =	ssyncset.s32 @!p0 $0xFFFFF086;
	s6 =	sadd.s32 @!p0 s3, s7;
	s7 =	simm.s32 @!p0 $0x108  }
0x21: {  	s3 =	sadd.s32 s3, s9;
	s6 =	sadd.s32 @!p0 $0x88, s6;
	s7 =	simm.s32 @p2 $0x1082  }
0x22: {  	[simem:s7], [sflag:s8] =	dma.local @!p0 [hbm:s6], $0xF7A  }
0x23: {  	s9 =	sor.u32 $0xD0000000, s2;
	s6 =	simm.s32 $0x108;
	_ =	swait.ge @!p0 [sflag:s8], $0x0  }
0x24: {  	s3 =	sadd.s32 $0x88, s3;
	s6 =	simm.s32 @!p1 $0x1082;
	[sflag:s4] =	ssyncset.s32 $0xFFFFF086  }
0x25: {  	[simem:s6], [sflag:s4] =	dma.local [hbm:s3], $0xF7A  }
0x26: {  	[smem:$0x3F91] =	sst s1;
	(tag) =	ssettag s2;
	_ =	strace s9  }
0x27: {  	s1 =	sld [smem:$0x3FA1]  }
0x28: {  	s2 =	sld [smem:$0x3FA2]  }
0x29: {  	s4 =	sld [smem:$0x3FA4]  }
0x2a: {  	p0 =	seq.s32 s5, $0x0;
	s5 =	sld [smem:$0x3FA5]  }
0x2b: {  	s6 =	sld [smem:$0x3FA6]  }
0x2c: {  	s7 =	sld [smem:$0x3FA7]  }
0x2d: {  	s3 =	simm.s32 $0x108;
	s8 =	sld [smem:$0x3FA8]  }
0x2e: {  	s3 =	simm.s32 @!p0 $0x1082;
	s9 =	sld [smem:$0x3FA9]  }
0x2f: {  	lr =	sadd.s32 s0, s3;
	s0 =	sld [smem:$0x3FA0]  }
0x30: {  	s3 =	sld [smem:$0x3FA3]  }
0x31: {  	[smem:$0x3FAC] =	sst s10  }
0x32: {  	s10 =	sld [smem:$0x3FAA];
	_ =	sdelay $0x3  }
0x33: {  	p0 =	seq.s32 s10, $0x1;
	s10 =	sld [smem:$0x3FAC];
	_ =	sdelay $0x3  }
0x34: {  	[smem:$0x3FAC] =	sst s10  }
0x35: {  	s10 =	sld [smem:$0x3FAB];
	_ =	sdelay $0x3  }
0x36: {  	p1 =	seq.s32 s10, $0x1;
	s10 =	sld [smem:$0x3FAC];
	_ =	sdelay $0x3  }
0x37: {  	[smem:$0x3FAC] =	sst s10  }
0x38: {  	s10 =	sld [smem:$0x3FAD]  }
0x39: {  	_ = 	snop;
	(pc) =	sbr.ind lr, $3  }
0x3a: {  	_ = 	snop  }
0x3b: {  	_ = 	snop  }
0x3c: {  	p2 =	seq.s32 s10, $0x1;
	s10 =	sld [smem:$0x3FAC]  }
0x3d: {  	_ =	shalt  }
0x3e: {  	_ =	shalt  }
0x3f: {  	_ =	shalt  }
0x40: {  	_ =	shalt  }
0x41: {  	_ =	shalt  }
0x42: {  	_ =	shalt  }
0x43: {  	_ =	shalt  }
0x44: {  	_ =	shalt  }
0x45: {  	_ =	shalt  }
0x46: {  	_ =	shalt  }
0x47: {  	_ =	shalt  }
0x48: {  	_ =	shalt  }
0x49: {  	_ =	shalt  }
0x4a: {  	_ =	shalt  }
0x4b: {  	_ =	shalt  }
0x4c: {  	_ =	shalt  }
0x4d: {  	_ =	shalt  }
0x4e: {  	_ =	shalt  }
0x4f: {  	_ =	shalt  }
0x50: {  	_ =	shalt  }
0x51: {  	_ =	shalt  }
0x52: {  	_ =	shalt  }
0x53: {  	_ =	shalt  }
0x54: {  	_ =	shalt  }
0x55: {  	_ =	shalt  }
0x56: {  	_ =	shalt  }
0x57: {  	_ =	shalt  }
0x58: {  	_ =	shalt  }
0x59: {  	_ =	shalt  }
0x5a: {  	_ =	shalt  }
0x5b: {  	_ =	shalt  }
0x5c: {  	_ =	shalt  }
0x5d: {  	_ =	shalt  }
0x5e: {  	_ =	shalt  }
0x5f: {  	_ =	shalt  }
0x60: {  	_ =	shalt  }
0x61: {  	_ =	shalt  }
0x62: {  	_ =	shalt  }
0x63: {  	_ =	shalt  }
0x64: {  	_ =	shalt  }
0x65: {  	_ =	shalt  }
0x66: {  	_ =	shalt  }
0x67: {  	_ =	shalt  }
0x68: {  	_ =	shalt  }
0x69: {  	_ =	shalt  }
0x6a: {  	_ =	shalt  }
0x6b: {  	_ =	shalt  }
0x6c: {  	_ =	shalt  }
0x6d: {  	_ =	shalt  }
0x6e: {  	_ =	shalt  }
0x6f: {  	_ =	shalt  }
0x70: {  	_ =	shalt  }
0x71: {  	_ =	shalt  }
0x72: {  	_ =	shalt  }
0x73: {  	_ =	shalt  }
0x74: {  	_ =	shalt  }
0x75: {  	_ =	shalt  }
0x76: {  	_ =	shalt  }
0x77: {  	_ =	shalt  }
0x78: {  	_ =	shalt  }
0x79: {  	_ =	shalt  }
0x7a: {  	_ =	shalt  }
0x7b: {  	_ =	shalt  }
0x7c: {  	_ =	shalt  }
0x7d: {  	_ =	shalt  }
0x7e: {  	_ =	shalt  }
0x7f: {  	_ =	shalt  }
0x80: {  	_ =	shalt  }
0x81: {  	_ =	shalt  }
0x82: {  	_ =	shalt  }
0x83: {  	_ =	shalt  }
0x84: {  	_ =	shalt  }
0x85: {  	_ =	shalt  }
0x86: {  	_ =	shalt  }
0x87: {  	_ =	shalt  }
.Lfunc_end0:
.L_simem_size_0:
called_computation_lowered:
.L_overlay_start_0:
0x88: {  	s2 =	sld [smem:$0x3FD9]  }
0x89: {  	s3 =	sld [smem:$0x3FFE];
	_ =	sdelay $0x1  }
0x8a: {  	s1 =	srdreg.scid  }
0x8b: {  	s0 =	sand.u32 $0x1, s1  }
0x8c: {  	s17 =	sshll.u32 s0, $0xA;
	s2 =	sadd.s32 s3, s2  }
0x8d: {  	s2 =	sadd.s32 s2, s17  }
0x8e: {  	[smem:$0x3FB8] =	sst s2  }
0x8f: {  	_ = 	snop  }
0x90: {  	s2 =	sld [smem:$0x3FC9]  }
0x91: {  	s18 =	sld [smem:$0x3FC8]  }
0x92: {  	s4 =	sld [smem:$0x3FD0];
	(tm) =	ssettm $0x1  }
0x93: {  	s5 =	sld [smem:$0x3FFB];
	_ =	sdelay $0x3  }
0x94: {  	_ =	strace s5  }
0x95: {  	s5 =	sld [smem:$0x3FFC];
	_ =	sdelay $0x3  }
0x96: {  	_ =	strace s5  }
0x97: {  	s5 =	sld [smem:$0x3FFD];
	_ =	sdelay $0x3  }
0x98: {  	_ =	strace s5  }
0x99: {  	_ =	strace $0x8FFFFFFF  }
0x9a: {  	s19 =	sld [smem:$0x3FDB];
	_ =	sdelay $0x1  }
0x9b: {  	s6 =	simm.s32 $_scs_section_size  }
0x9c: {  	s7 =	simm.s32 $_size__tile_overlayer_lowered;
	s8 =	simm.s32 $_tile_overlayer_lowered  }
0x9d: {  	s22 =	simm.s32 $0x1BFF;
	s21 =	sshll.u32 s8, $0x1;
	s5 =	sadd.s32 s6, s19  }
0x9e: {  	s9 =	simm.s32 $0x0;
	s20 =	sshll.u32 s7, $0x1;
	s7 =	sadd.s32 s21, s5  }
0x9f: {  	[timem:s9], [sflag:s22] =	dma.local [hbm:s7], s20  }
0xa0: {  	_ =	swait.ge [sflag:s22], s20  }
0xa1: {  	s6 =	ssub.s32 $0x0, s20;
	[sflag:s22] =	ssyncset.done $0x0  }
0xa2: {  	[sflag:s22] =	ssyncadd.s32 s6;
	_ =	sdelay $0x1  }
0xa3: {  	s23 =	simm.s32 $0x1B8B  }
0xa4: {  	_ =	swait.ge [sflag:s23], $0x1  }
0xa5: {  	[sflag:s23] =	ssyncset.done $0x0  }
0xa6: {  	s25 =	simm.s32 $0x1B8E;
	s24 =	sld [smem:$0x3FFE];
	[sflag:s23] =	ssyncadd.s32 $0xFFFFFFFF  }
0xa7: {  	s26 =	simm.s32 $execute0_lowered;
	[smem:$0x3FD2] =	sst s25  }
0xa8: {  	s7 =	sshll.u32 s26, $0x1;
	_ =	strace $0x80000046;
	[dreg:$0x1] =	wrdreg $0xFFFFFFFF  }
0xa9: {  	s28 =	simm.s32 $_size_execute0_lowered;
	s5 =	sadd.s32 s5, s7;
	[dreg:$0x0] =	wrdreg $0x0  }
0xaa: {  	s7 =	sshll.u32 s28, $0x1;
	[dreg:$0x2] =	wrdreg s5  }
0xab: {  	[dreg:$0x3] =	wrdreg s7  }
0xac: {  	[dreg:$0x4] =	wrdreg $0xC0  }
0xad: {  	_ =	task [dreg:s9], $0x5FFFF  }
0xae: {  	[dreg:$0x1] =	wrdreg $0xFFFFFFFF  }
0xaf: {  	[dreg:$0x0] =	wrdreg $0x60  }
0xb0: {  	[dreg:$0x2] =	wrdreg s24  }
0xb1: {  	[dreg:$0x3] =	wrdreg s2  }
0xb2: {  	[dreg:$0x4] =	wrdreg s18  }
0xb3: {  	[dreg:$0x5] =	wrdreg s4  }
0xb4: {  	[dreg:$0x6] =	wrdreg $0x9  }
0xb5: {  	_ =	task.clear_ibuf [dreg:s9], $0x7FFFF;
	_ =	strace $0x90000046  }
0xb6: {  	s29 =	simm.s32 $0x9;
	_ =	strace $0x80000048  }
0xb7: {  	_ =	swait.ge [sflag:s29], $0x1  }
0xb8: {  	[sflag:s29] =	ssyncadd.s32 $0xFFFFFFFF  }
0xb9: {  	_ =	strace $0x90000048  }
0xba: {  	_ =	sfence  }
0xbb: {  	s30 =	sld [smem:$0x0];
	_ =	sdelay $0x2  }
0xbc: {  	s31 =	sshll.u32 s1, $0xD;
	s1 =	sshrl.u32 s1, $0x2  }
0xbd: {  	s3 =	sand.u32 $0x4000, s31;
	s1 =	sadd.s32 s1, s30  }
0xbe: {  	s0 =	sor.u32 s3, s0;
	s1 =	sshll.u32 s1, $0x11  }
0xbf: {  	s0 =	sor.u32 s1, s0  }
0xc0: {  	s0 =	sadd.s32 $0x8F2B, s0  }
0xc1: {  	[sflag:s0] =	ssyncadd.remote.s32 $0x1  }
0xc2: {  	_ =	sfence.sel $0xFFFF  }
0xc3: {  	[dreg:$0x0] =	wrdreg $0xFFFFFFFF;
	(pc) =	sbr.abs _section_cstart, $3  }
0xc4: {  	[dreg:$0x1] =	wrdreg $0xFFFFFFFF  }
0xc5: {  	_ =	task.clear_ibuf [dreg:s9], $0x2FFFF;
	_ =	strace $0x9FFFFFFF  }
0xc6: {  	(tm) =	ssettm $0x7FFFFFFF  }
0xc7: {  	_ =	shalt  }
tec
execute0_lowered:
.L_overlay_start_1:
0x0: {  	(tag) =	ssettag $0x1  }
0x1: {  	s3 =	rddreg [dreg:$0x0]  }
0x2: {  	s4 =	rddreg [dreg:$0x1]  }
0x3: {  	s6 =	rddreg [dreg:$0x2]  }
0x4: {  	s5 =	rddreg [dreg:$0x3]  }
0x5: {  	s0 =	rddreg [dreg:$0x4];
	s2 =	simm.s32 $0x0;
	s7 =	srdreg.scid  }
0x6: {  	s1 =	stileid.u32;
	s12 =	simm.s32 $0x1;
	s13 =	simm.s32 $0x80  }
0x7: {  	s14 =	simm.s32 $0x400;
	s15 =	simm.s32 $0x600;
	s16 =	simm.s32 $0x480  }
0x8: {  	s17 =	simm.s32 $0xE00;
	s18 =	simm.s32 $0x500;
	s19 =	simm.s32 $0x1600  }
0x9: {  	s20 =	simm.s32 $0x580;
	s21 =	simm.s32 $0x1E00;
	s22 =	simm.s32 $0x2  }
0xa: {  	s23 =	simm.s32 $0x3;
	[smem:$0x7FF] =	sst s2;
	s7 =	sand.u32 $0x1, s7  }
0xb: {  	s8 =	sshll.u32 s1, $0xA;
	s3 =	sadd.s32 $0x1000, s3;
	s9 =	sshll.u32 s7, $0x9  }
0xc: {  	_ =	strace $0x80000047;
	s7 =	ssub.s32 $0x2, s7;
	s8 =	sor.u32 s9, s8  }
0xd: {  	s31 =	sshrl.u32 s7, $0x1;
	s10 =	sshrl.u32 s8, $0x3;
	s8 =	sshll.u32 s8, $0x1  }
0xe: {  	s11 =	ssub.s32 s7, s31;
	s4 =	sadd.s32 s4, s10;
	s5 =	sadd.s32 s5, s8  }
0xf: {  	s6 =	sadd.s32 s6, s10;
	s10 =	smax.u32 s11, $0x1;
	s11 =	simm.s32 $0x200  }
0x10: {  	v0 =	vimm.s32 $0x0;
	s7 =	sadd.s32 $0x100, s5;
	s8 =	sadd.s32 $0x200, s5;
	s9 =	sadd.s32 $0x300, s5  }
.LBB2_1:
0x11: {  	[tilespmem:s2], [sflag:$0x1] =	stream.linear.gather [hbm4b:s4+s2], $0x200, $0x38;
	[tilespmem:$0x2600] =	vst v63  }
0x12: {  	_ = 	snop  }
0x13: {  	[tilespmem:s11], [sflag:$0x1] =	stream.linear.gather [hbm4b:s6+s2], $0x200, $0x38;
	[tilespmem:$0x2600] =	vst v63  }
0x14: {  	_ =	swait.ge [sflag:s12], $0x200  }
0x15: {  	[sflag:s12] =	ssyncset.done $0x0  }
0x16: {  	[sflag:s12] =	ssyncadd.s32 $0xFFFFFE00  }
0x17: {  	_ =	swait.ge [sflag:s12], $0x200  }
0x18: {  	[sflag:s12] =	ssyncset.done $0x0  }
0x19: {  	[sflag:s12] =	ssyncadd.s32 $0xFFFFFE00  }
0x1a: {  	v1 =	vld [tilespmem:$0x200];
	_ =	sdelay $0x2  }
0x1b: {  	v35 =	vld [tilespmem:$0x210];
	_ =	sdelay $0x1  }
0x1c: {  	vm0 =	vge.f32 v1, $1.000000000e+00;
	vm10 =	vge.f32 v1, $2.100000000e+01;
	vm1 =	vge.f32 v1, $3.100000000e+01  }
0x1d: {  	vm11 =	vge.f32 v1, $4.100000000e+01;
	vm12 =	vge.f32 v1, $5.100000000e+01;
	vm13 =	vge.f32 v1, $6.100000000e+01  }
0x1e: {  	vm14 =	vge.f32 v1, $7.100000000e+01;
	vm15 =	vge.f32 v1, $8.100000000e+01;
	vm4 =	vge.f32 v1, $9.100000000e+01  }
0x1f: {  	vm5 =	vge.f32 v1, $1.100000000e+01;
	vm6 =	vge.f32 v35, $1.000000000e+00;
	vm7 =	vge.f32 v35, $2.100000000e+01  }
0x20: {  	vm8 =	vge.f32 v35, $3.100000000e+01;
	vm9 =	vge.f32 v35, $4.100000000e+01;
	v2 =	vsel vm0, $0x1, v0  }
0x21: {  	v43 =	vld [tilespmem:$0x220];
	v3 =	vsel vm10, $0x1, v0;
	v4 =	vsel vm1, $0x1, v0;
	v5 =	vsel vm11, $0x1, v0  }
0x22: {  	v34 =	vsel vm12, $0x1, v0;
	v6 =	vsel vm13, $0x1, v0;
	v36 =	vsel vm14, $0x1, v0  }
0x23: {  	v37 =	vsel vm15, $0x1, v0;
	v1 =	vsel vm4, $0x1, v0;
	v38 =	vsel vm7, $0x1, v0  }
0x24: {  	v39 =	vsel vm8, $0x1, v0;
	v7 =	vsel vm9, $0x1, v0;
	vm10 =	vge.f32 v35, $5.100000000e+01  }
0x25: {  	vm11 =	vge.f32 v35, $6.100000000e+01;
	vm12 =	vge.f32 v35, $7.100000000e+01;
	vm13 =	vge.f32 v35, $8.100000000e+01  }
0x26: {  	vm14 =	vge.f32 v35, $9.100000000e+01;
	vm15 =	vge.f32 v35, $1.100000000e+01;
	vm4 =	vge.f32 v43, $1.000000000e+00  }
0x27: {  	vm7 =	vge.f32 v43, $4.100000000e+01;
	vm8 =	vge.f32 v43, $5.100000000e+01;
	vm9 =	vge.f32 v43, $6.100000000e+01  }
0x28: {  	v49 =	vld [tilespmem:$0x230];
	v3 =	vadd.s32 v3, v4;
	v2 =	vsel vm5, $0x2, v2;
	v4 =	vadd.s32 v38, v39  }
0x29: {  	v40 =	vsel vm10, $0x1, v0;
	v8 =	vsel vm11, $0x1, v0;
	v42 =	vsel vm12, $0x1, v0  }
0x2a: {  	v9 =	vsel vm13, $0x1, v0;
	v44 =	vsel vm14, $0x1, v0;
	vm5 =	vge.f32 v43, $2.100000000e+01  }
0x2b: {  	v47 =	vsel vm7, $0x1, v0;
	v48 =	vsel vm8, $0x1, v0;
	v50 =	vsel vm9, $0x1, v0  }
0x2c: {  	vm10 =	vge.f32 v43, $7.100000000e+01;
	vm11 =	vge.f32 v43, $8.100000000e+01;
	vm12 =	vge.f32 v43, $9.100000000e+01  }
0x2d: {  	vm13 =	vge.f32 v43, $1.100000000e+01;
	vm14 =	vge.f32 v49, $1.000000000e+00;
	vm7 =	vge.f32 v49, $6.100000000e+01  }
0x2e: {  	v61 =	vld [tilespmem:$0x240];
	vm8 =	vge.f32 v49, $7.100000000e+01;
	vm9 =	vge.f32 v49, $8.100000000e+01;
	v3 =	vadd.s32 v5, v3  }
0x2f: {  	v4 =	vadd.s32 v7, v4;
	v45 =	vsel vm5, $0x1, v0;
	v51 =	vsel vm10, $0x1, v0  }
0x30: {  	v52 =	vsel vm11, $0x1, v0;
	v53 =	vsel vm12, $0x1, v0;
	v54 =	vsel vm14, $0x1, v0  }
0x31: {  	vm5 =	vge.f32 v49, $4.100000000e+01;
	v11 =	vsel vm7, $0x1, v0;
	v60 =	vsel vm8, $0x1, v0  }
0x32: {  	v17 =	vld [tilespmem:$0x250];
	v12 =	vsel vm9, $0x1, v0;
	vm10 =	vge.f32 v49, $9.100000000e+01;
	vm11 =	vge.f32 v49, $1.100000000e+01  }
0x33: {  	vm12 =	vge.f32 v61, $1.000000000e+00;
	vm14 =	vge.f32 v61, $3.100000000e+01;
	vm7 =	vge.f32 v61, $8.100000000e+01  }
0x34: {  	v30 =	vld [tilespmem:$0x260];
	vm8 =	vge.f32 v61, $9.100000000e+01;
	vm9 =	vge.f32 v61, $1.100000000e+01;
	v3 =	vadd.s32 v34, v3  }
0x35: {  	v4 =	vadd.s32 v40, v4;
	v57 =	vsel vm5, $0x1, v0;
	v62 =	vsel vm10, $0x1, v0  }
0x36: {  	v63 =	vsel vm11, $0x2, v54;
	v14 =	vsel vm14, $0x1, v0;
	vm5 =	vge.f32 v61, $6.100000000e+01  }
0x37: {  	v20 =	vsel vm7, $0x1, v0;
	v21 =	vsel vm8, $0x1, v0;
	vm10 =	vge.f32 v17, $1.000000000e+00  }
0x38: {  	vm11 =	vge.f32 v17, $2.100000000e+01;
	vm14 =	vge.f32 v17, $5.100000000e+01;
	vm7 =	vge.f32 v17, $1.100000000e+01  }
0x39: {  	vm8 =	vge.f32 v30, $1.000000000e+00;
	v3 =	vadd.s32 v6, v3;
	v4 =	vadd.s32 v8, v4  }
0x3a: {  	v18 =	vsel vm5, $0x1, v0;
	v22 =	vsel vm10, $0x1, v0;
	v23 =	vsel vm11, $0x1, v0  }
0x3b: {  	v27 =	vsel vm14, $0x1, v0;
	vm5 =	vge.f32 v17, $8.100000000e+01;
	v35 =	vsel vm8, $0x1, v0  }
0x3c: {  	vm10 =	vge.f32 v30, $3.100000000e+01;
	vm11 =	vge.f32 v30, $4.100000000e+01;
	vm14 =	vge.f32 v30, $7.100000000e+01  }
0x3d: {  	v3 =	vadd.s32 v36, v3;
	v4 =	vadd.s32 v42, v4;
	v31 =	vsel vm5, $0x1, v0  }
0x3e: {  	v40 =	vld [tilespmem:$0x270];
	v33 =	vsel vm7, $0x2, v22;
	v38 =	vsel vm11, $0x1, v0;
	v42 =	vsel vm14, $0x1, v0  }
0x3f: {  	vm5 =	vge.f32 v30, $1.100000000e+01;
	v3 =	vadd.s32 v37, v3;
	v4 =	vadd.s32 v9, v4  }
0x40: {  	v37 =	vsel vm10, $0x1, v0;
	v1 =	vadd.s32 v1, v3;
	v3 =	vsel vm6, $0x1, v0  }
0x41: {  	vm6 =	vge.f32 v43, $3.100000000e+01;
	v1 =	vadd.s32 v2, v1;
	v2 =	vsel vm15, $0x2, v3  }
0x42: {  	v3 =	vadd.s32 v44, v4;
	v46 =	vsel vm6, $0x1, v0;
	vm15 =	vge.f32 v49, $2.100000000e+01  }
0x43: {  	v41 =	vld [tilespmem:$0x0];
	vm6 =	vge.f32 v49, $5.100000000e+01;
	vm7 =	vge.f32 v40, $2.100000000e+01;
	vm8 =	vge.f32 v40, $3.100000000e+01  }
0x44: {  	vm10 =	vge.f32 v40, $5.100000000e+01;
	vm11 =	vge.f32 v40, $6.100000000e+01;
	vm14 =	vge.f32 v40, $9.100000000e+01  }
0x45: {  	v1 =	vshll.u32 v1, $0x7;
	v2 =	vadd.s32 v2, v3;
	v3 =	vsel vm4, $0x1, v0  }
0x46: {  	v4 =	vadd.s32 v45, v46;
	vm4 =	vge.f32 v49, $3.100000000e+01;
	v55 =	vsel vm15, $0x1, v0  }
0x47: {  	v10 =	vsel vm6, $0x1, v0;
	vm15 =	vge.f32 v61, $4.100000000e+01;
	vm6 =	vge.f32 v61, $7.100000000e+01  }
0x48: {  	v58 =	vld [tilespmem:$0x10];
	v46 =	vsel vm7, $0x1, v0;
	v49 =	vsel vm10, $0x1, v0;
	v1 =	vadd.s32 v41, v1  }
0x49: {  	v2 =	vshll.u32 v2, $0x7;
	v4 =	vadd.s32 v47, v4;
	v3 =	vsel vm13, $0x2, v3  }
0x4a: {  	v56 =	vsel vm4, $0x1, v0;
	vm13 =	vge.f32 v61, $2.100000000e+01;
	v15 =	vsel vm15, $0x1, v0  }
0x4b: {  	vm4 =	vge.f32 v61, $5.100000000e+01;
	v19 =	vsel vm6, $0x1, v0;
	vm15 =	vge.f32 v17, $6.100000000e+01  }
0x4c: {  	vm6 =	vge.f32 v17, $9.100000000e+01;
	v47 =	vsel vm8, $0x1, v0;
	v4 =	vadd.s32 v48, v4  }
0x4d: {  	v7 =	vadd.s32 v55, v56;
	v2 =	vadd.s32 v58, v2;
	v13 =	vsel vm13, $0x1, v0  }
0x4e: {  	v16 =	vsel vm4, $0x1, v0;
	vm13 =	vge.f32 v17, $4.100000000e+01;
	vm4 =	vge.f32 v17, $7.100000000e+01  }
0x4f: {  	v32 =	vsel vm6, $0x1, v0;
	vm6 =	vge.f32 v40, $1.000000000e+00;
	v4 =	vadd.s32 v50, v4  }
0x50: {  	v7 =	vadd.s32 v57, v7;
	v6 =	vadd.s32 v13, v14;
	v25 =	vsel vm13, $0x1, v0  }
0x51: {  	v13 =	vsel vm15, $0x1, v0;
	v29 =	vsel vm4, $0x1, v0;
	vm13 =	vge.f32 v30, $6.100000000e+01  }
0x52: {  	vm15 =	vge.f32 v30, $8.100000000e+01;
	vm4 =	vge.f32 v30, $9.100000000e+01;
	v45 =	vsel vm6, $0x1, v0  }
0x53: {  	v4 =	vadd.s32 v51, v4;
	v7 =	vadd.s32 v10, v7;
	v6 =	vadd.s32 v15, v6  }
0x54: {  	v41 =	vsel vm13, $0x1, v0;
	v43 =	vsel vm15, $0x1, v0;
	v44 =	vsel vm4, $0x1, v0  }
0x55: {  	v51 =	vsel vm11, $0x1, v0;
	vm13 =	vge.f32 v40, $8.100000000e+01;
	vm15 =	vge.f32 v40, $1.100000000e+01  }
0x56: {  	v4 =	vadd.s32 v52, v4;
	v7 =	vadd.s32 v11, v7;
	v6 =	vadd.s32 v16, v6  }
0x57: {  	v11 =	vadd.s32 v46, v47;
	v56 =	vsel vm15, $0x2, v45;
	v4 =	vadd.s32 v53, v4  }
0x58: {  	v59 =	vld [tilespmem:$0x20];
	v7 =	vadd.s32 v60, v7;
	v6 =	vadd.s32 v18, v6;
	v53 =	vsel vm13, $0x1, v0  }
0x59: {  	v7 =	vadd.s32 v12, v7;
	v3 =	vadd.s32 v3, v4;
	v12 =	vsel vm12, $0x1, v0  }
0x5a: {  	v6 =	vadd.s32 v19, v6;
	vm12 =	vge.f32 v17, $3.100000000e+01;
	v10 =	vadd.s32 v62, v7  }
0x5b: {  	v3 =	vshll.u32 v3, $0x7;
	v6 =	vadd.s32 v20, v6;
	v5 =	vsel vm9, $0x2, v12  }
0x5c: {  	v24 =	vsel vm12, $0x1, v0;
	vm9 =	vge.f32 v30, $2.100000000e+01;
	vm12 =	vge.f32 v30, $5.100000000e+01  }
0x5d: {  	v26 =	vld [tilespmem:$0x30];
	v7 =	vsel vm5, $0x2, v35;
	v4 =	vadd.s32 v63, v10;
	v3 =	vadd.s32 v59, v3  }
0x5e: {  	v6 =	vadd.s32 v21, v6;
	v9 =	vadd.s32 v23, v24;
	v36 =	vsel vm9, $0x1, v0  }
0x5f: {  	v28 =	vld [tilespmem:$0x40];
	v39 =	vsel vm12, $0x1, v0;
	vm9 =	vge.f32 v40, $4.100000000e+01;
	vm12 =	vge.f32 v40, $7.100000000e+01  }
0x60: {  	v4 =	vshll.u32 v4, $0x7;
	v9 =	vadd.s32 v25, v9;
	v5 =	vadd.s32 v5, v6  }
0x61: {  	v8 =	vadd.s32 v36, v37;
	v48 =	vsel vm9, $0x1, v0;
	v52 =	vsel vm12, $0x1, v0  }
0x62: {  	[tilespmem:$0x420] =	vst v3;
	v3 =	vsel vm14, $0x1, v0;
	v9 =	vadd.s32 v27, v9;
	v4 =	vadd.s32 v26, v4  }
0x63: {  	v5 =	vshll.u32 v5, $0x7;
	v8 =	vadd.s32 v38, v8;
	v11 =	vadd.s32 v48, v11  }
0x64: {  	v9 =	vadd.s32 v13, v9;
	v5 =	vadd.s32 v28, v5;
	v8 =	vadd.s32 v39, v8  }
0x65: {  	v50 =	vld [tilespmem:$0x50];
	v11 =	vadd.s32 v49, v11;
	v9 =	vadd.s32 v29, v9;
	v8 =	vadd.s32 v41, v8  }
0x66: {  	[tilespmem:$0x400] =	vst v1;
	v1 =	vld [tilespmem:$0x60];
	v11 =	vadd.s32 v51, v11;
	v9 =	vadd.s32 v31, v9;
	v8 =	vadd.s32 v42, v8  }
0x67: {  	[tilespmem:$0x410] =	vst v2;
	v2 =	vld [tilespmem:$0x70];
	v11 =	vadd.s32 v52, v11;
	v34 =	vadd.s32 v32, v9;
	v8 =	vadd.s32 v43, v8  }
0x68: {  	v54 =	vadd.s32 v53, v11;
	v6 =	vadd.s32 v33, v34;
	v8 =	vadd.s32 v44, v8  }
0x69: {  	[tilespmem:$0x430] =	vst v4;
	v3 =	vadd.s32 v3, v54;
	v6 =	vshll.u32 v6, $0x7;
	v55 =	vadd.s32 v7, v8  }
0x6a: {  	[tilespmem:$0x440] =	vst v5;
	v3 =	vadd.s32 v56, v3;
	v57 =	vadd.s32 v50, v6;
	v4 =	vshll.u32 v55, $0x7  }
0x6b: {  	v3 =	vshll.u32 v3, $0x7;
	[tilespmem:$0x450] =	vst v57;
	v1 =	vadd.s32 v1, v4  }
0x6c: {  	[tilespmem:$0x460] =	vst v1;
	v1 =	vadd.s32 v2, v3  }
0x6d: {  	[tilespmem:$0x470] =	vst v1  }
0x6e: {  	[tilespmem:s15], [sflag:$0x2] =	stream.indirect.gather [hbm4b:s3+s13], $0x10, s14, s13, $0xb8;
	[tilespmem:$0x2600] =	vst v63  }
0x6f: {  	v1 =	vld [tilespmem:$0x280];
	_ =	sdelay $0x2  }
0x70: {  	v61 =	vld [tilespmem:$0x290];
	_ =	sdelay $0x1  }
0x71: {  	vm4 =	vge.f32 v1, $1.000000000e+00;
	vm5 =	vge.f32 v1, $2.100000000e+01;
	vm6 =	vge.f32 v1, $3.100000000e+01  }
0x72: {  	vm7 =	vge.f32 v1, $4.100000000e+01;
	vm8 =	vge.f32 v1, $5.100000000e+01;
	vm9 =	vge.f32 v1, $6.100000000e+01  }
0x73: {  	vm10 =	vge.f32 v1, $7.100000000e+01;
	vm11 =	vge.f32 v1, $8.100000000e+01;
	vm12 =	vge.f32 v1, $9.100000000e+01  }
0x74: {  	vm13 =	vge.f32 v1, $1.100000000e+01;
	vm14 =	vge.f32 v61, $1.000000000e+00;
	vm15 =	vge.f32 v61, $2.100000000e+01  }
0x75: {  	v2 =	vsel vm4, $0x1, v0;
	v3 =	vsel vm5, $0x1, v0;
	v58 =	vsel vm6, $0x1, v0  }
0x76: {  	v17 =	vld [tilespmem:$0x2A0];
	v59 =	vsel vm7, $0x1, v0;
	v60 =	vsel vm8, $0x1, v0;
	v62 =	vsel vm9, $0x1, v0  }
0x77: {  	v63 =	vsel vm10, $0x1, v0;
	v9 =	vsel vm11, $0x1, v0;
	v1 =	vsel vm12, $0x1, v0  }
0x78: {  	vm4 =	vge.f32 v61, $3.100000000e+01;
	v10 =	vsel vm15, $0x1, v0;
	vm5 =	vge.f32 v61, $4.100000000e+01  }
0x79: {  	vm6 =	vge.f32 v61, $5.100000000e+01;
	vm7 =	vge.f32 v61, $6.100000000e+01;
	vm8 =	vge.f32 v61, $7.100000000e+01  }
0x7a: {  	vm9 =	vge.f32 v61, $8.100000000e+01;
	vm10 =	vge.f32 v61, $9.100000000e+01;
	vm11 =	vge.f32 v61, $1.100000000e+01  }
0x7b: {  	vm12 =	vge.f32 v17, $1.000000000e+00;
	vm15 =	vge.f32 v17, $4.100000000e+01;
	v3 =	vadd.s32 v3, v58  }
0x7c: {  	v24 =	vld [tilespmem:$0x2B0];
	v2 =	vsel vm13, $0x2, v2;
	v11 =	vsel vm4, $0x1, v0;
	v12 =	vsel vm5, $0x1, v0  }
0x7d: {  	v13 =	vsel vm6, $0x1, v0;
	v15 =	vsel vm7, $0x1, v0;
	v16 =	vsel vm8, $0x1, v0  }
0x7e: {  	v18 =	vsel vm9, $0x1, v0;
	v19 =	vsel vm10, $0x1, v0;
	vm13 =	vge.f32 v17, $2.100000000e+01  }
0x7f: {  	v22 =	vsel vm15, $0x1, v0;
	vm4 =	vge.f32 v17, $5.100000000e+01;
	vm5 =	vge.f32 v17, $6.100000000e+01  }
0x80: {  	vm6 =	vge.f32 v17, $7.100000000e+01;
	vm7 =	vge.f32 v17, $8.100000000e+01;
	vm8 =	vge.f32 v17, $9.100000000e+01  }
0x81: {  	vm9 =	vge.f32 v17, $1.100000000e+01;
	vm10 =	vge.f32 v24, $1.000000000e+00;
	vm15 =	vge.f32 v24, $6.100000000e+01  }
0x82: {  	v38 =	vld [tilespmem:$0x2C0];
	v3 =	vadd.s32 v59, v3;
	v4 =	vadd.s32 v10, v11;
	v20 =	vsel vm13, $0x1, v0  }
0x83: {  	v23 =	vsel vm4, $0x1, v0;
	v25 =	vsel vm5, $0x1, v0;
	v26 =	vsel vm6, $0x1, v0  }
0x84: {  	v27 =	vsel vm7, $0x1, v0;
	v28 =	vsel vm8, $0x1, v0;
	v29 =	vsel vm10, $0x1, v0  }
0x85: {  	vm13 =	vge.f32 v24, $4.100000000e+01;
	v36 =	vsel vm15, $0x1, v0;
	vm4 =	vge.f32 v24, $7.100000000e+01  }
0x86: {  	vm5 =	vge.f32 v24, $8.100000000e+01;
	vm6 =	vge.f32 v24, $9.100000000e+01;
	vm7 =	vge.f32 v24, $1.100000000e+01  }
0x87: {  	v48 =	vld [tilespmem:$0x2D0];
	vm8 =	vge.f32 v38, $1.000000000e+00;
	vm10 =	vge.f32 v38, $3.100000000e+01;
	vm15 =	vge.f32 v38, $8.100000000e+01  }
0x88: {  	v3 =	vadd.s32 v60, v3;
	v4 =	vadd.s32 v12, v4;
	v32 =	vsel vm13, $0x1, v0  }
0x89: {  	v37 =	vsel vm4, $0x1, v0;
	v39 =	vsel vm5, $0x1, v0;
	v40 =	vsel vm6, $0x1, v0  }
0x8a: {  	v41 =	vsel vm7, $0x2, v29;
	v43 =	vsel vm8, $0x1, v0;
	v45 =	vsel vm10, $0x1, v0  }
0x8b: {  	vm13 =	vge.f32 v38, $6.100000000e+01;
	v51 =	vsel vm15, $0x1, v0;
	vm4 =	vge.f32 v38, $9.100000000e+01  }
0x8c: {  	vm5 =	vge.f32 v38, $1.100000000e+01;
	vm6 =	vge.f32 v48, $1.000000000e+00;
	vm7 =	vge.f32 v48, $2.100000000e+01  }
0x8d: {  	vm8 =	vge.f32 v48, $3.100000000e+01;
	vm10 =	vge.f32 v48, $5.100000000e+01;
	vm15 =	vge.f32 v48, $1.100000000e+01  }
0x8e: {  	v3 =	vadd.s32 v62, v3;
	v4 =	vadd.s32 v13, v4;
	v49 =	vsel vm13, $0x1, v0  }
0x8f: {  	v52 =	vsel vm4, $0x1, v0;
	v5 =	vsel vm5, $0x2, v43;
	v53 =	vsel vm6, $0x1, v0  }
0x90: {  	v54 =	vsel vm7, $0x1, v0;
	v55 =	vsel vm8, $0x1, v0;
	v58 =	vsel vm10, $0x1, v0  }
0x91: {  	vm13 =	vge.f32 v48, $8.100000000e+01;
	v3 =	vadd.s32 v63, v3;
	v4 =	vadd.s32 v15, v4  }
0x92: {  	v63 =	vsel vm13, $0x1, v0;
	v3 =	vadd.s32 v9, v3;
	v4 =	vadd.s32 v16, v4  }
0x93: {  	v9 =	vadd.s32 v54, v55;
	v1 =	vadd.s32 v1, v3;
	v3 =	vsel vm14, $0x1, v0  }
0x94: {  	v4 =	vadd.s32 v18, v4;
	vm14 =	vge.f32 v17, $3.100000000e+01;
	v17 =	vsel vm15, $0x2, v53  }
0x95: {  	v62 =	vld [tilespmem:$0x2E0];
	v1 =	vadd.s32 v2, v1;
	v2 =	vsel vm11, $0x2, v3;
	v3 =	vadd.s32 v19, v4  }
0x96: {  	v21 =	vsel vm14, $0x1, v0;
	vm11 =	vge.f32 v24, $2.100000000e+01;
	vm14 =	vge.f32 v24, $5.100000000e+01  }
0x97: {  	v14 =	vld [tilespmem:$0x80];
	v1 =	vshll.u32 v1, $0x7;
	v2 =	vadd.s32 v2, v3;
	v3 =	vsel vm12, $0x1, v0  }
0x98: {  	v4 =	vadd.s32 v20, v21;
	vm12 =	vge.f32 v24, $3.100000000e+01;
	v30 =	vsel vm11, $0x1, v0  }
0x99: {  	v34 =	vsel vm14, $0x1, v0;
	vm11 =	vge.f32 v38, $4.100000000e+01;
	vm14 =	vge.f32 v38, $7.100000000e+01  }
0x9a: {  	vm4 =	vge.f32 v62, $1.000000000e+00;
	vm5 =	vge.f32 v62, $2.100000000e+01;
	vm6 =	vge.f32 v62, $3.100000000e+01  }
0x9b: {  	vm7 =	vge.f32 v62, $4.100000000e+01;
	vm8 =	vge.f32 v62, $5.100000000e+01;
	vm10 =	vge.f32 v62, $7.100000000e+01  }
0x9c: {  	vm13 =	vge.f32 v62, $1.100000000e+01;
	v1 =	vadd.s32 v14, v1;
	v2 =	vshll.u32 v2, $0x7  }
0x9d: {  	v33 =	vld [tilespmem:$0x90];
	v4 =	vadd.s32 v22, v4;
	v3 =	vsel vm9, $0x2, v3;
	v31 =	vsel vm12, $0x1, v0  }
0x9e: {  	vm9 =	vge.f32 v38, $2.100000000e+01;
	v46 =	vsel vm11, $0x1, v0;
	vm12 =	vge.f32 v38, $5.100000000e+01  }
0x9f: {  	v50 =	vsel vm14, $0x1, v0;
	vm11 =	vge.f32 v48, $6.100000000e+01;
	vm14 =	vge.f32 v48, $9.100000000e+01  }
0xa0: {  	v19 =	vsel vm4, $0x1, v0;
	v20 =	vsel vm5, $0x1, v0;
	v21 =	vsel vm6, $0x1, v0  }
0xa1: {  	v22 =	vsel vm7, $0x1, v0;
	v4 =	vadd.s32 v23, v4;
	v7 =	vadd.s32 v30, v31  }
0xa2: {  	v2 =	vadd.s32 v33, v2;
	v44 =	vsel vm9, $0x1, v0;
	v47 =	vsel vm12, $0x1, v0  }
0xa3: {  	vm9 =	vge.f32 v48, $4.100000000e+01;
	v60 =	vsel vm11, $0x1, v0;
	vm12 =	vge.f32 v48, $7.100000000e+01  }
0xa4: {  	v16 =	vsel vm14, $0x1, v0;
	v8 =	vadd.s32 v20, v21;
	v23 =	vsel vm8, $0x1, v0  }
0xa5: {  	vm11 =	vge.f32 v62, $8.100000000e+01;
	v4 =	vadd.s32 v25, v4;
	v7 =	vadd.s32 v32, v7  }
0xa6: {  	v6 =	vadd.s32 v44, v45;
	v56 =	vsel vm9, $0x1, v0;
	v61 =	vsel vm12, $0x1, v0  }
0xa7: {  	v24 =	vld [tilespmem:$0x2F0];
	vm9 =	vge.f32 v62, $6.100000000e+01;
	v8 =	vadd.s32 v22, v8;
	vm12 =	vge.f32 v62, $9.100000000e+01  }
0xa8: {  	v4 =	vadd.s32 v26, v4;
	v7 =	vadd.s32 v34, v7;
	v6 =	vadd.s32 v46, v6  }
0xa9: {  	v9 =	vadd.s32 v56, v9;
	v25 =	vsel vm9, $0x1, v0;
	v8 =	vadd.s32 v23, v8  }
0xaa: {  	v26 =	vsel vm10, $0x1, v0;
	v4 =	vadd.s32 v27, v4;
	v7 =	vadd.s32 v36, v7  }
0xab: {  	v6 =	vadd.s32 v47, v6;
	v9 =	vadd.s32 v58, v9;
	v8 =	vadd.s32 v25, v8  }
0xac: {  	v27 =	vsel vm11, $0x1, v0;
	vm14 =	vge.f32 v24, $1.000000000e+00;
	vm15 =	vge.f32 v24, $2.100000000e+01  }
0xad: {  	vm4 =	vge.f32 v24, $3.100000000e+01;
	vm5 =	vge.f32 v24, $4.100000000e+01;
	vm6 =	vge.f32 v24, $5.100000000e+01  }
0xae: {  	vm7 =	vge.f32 v24, $6.100000000e+01;
	vm8 =	vge.f32 v24, $7.100000000e+01;
	vm9 =	vge.f32 v24, $8.100000000e+01  }
0xaf: {  	vm10 =	vge.f32 v24, $9.100000000e+01;
	vm11 =	vge.f32 v24, $1.100000000e+01;
	v4 =	vadd.s32 v28, v4  }
0xb0: {  	v7 =	vadd.s32 v37, v7;
	v6 =	vadd.s32 v49, v6;
	v9 =	vadd.s32 v60, v9  }
0xb1: {  	v8 =	vadd.s32 v26, v8;
	v28 =	vsel vm12, $0x1, v0;
	v29 =	vsel vm14, $0x1, v0  }
0xb2: {  	v30 =	vsel vm15, $0x1, v0;
	v31 =	vsel vm4, $0x1, v0;
	v32 =	vsel vm5, $0x1, v0  }
0xb3: {  	v33 =	vsel vm6, $0x1, v0;
	v36 =	vsel vm8, $0x1, v0;
	v37 =	vsel vm9, $0x1, v0  }
0xb4: {  	v35 =	vld [tilespmem:$0xA0];
	v7 =	vadd.s32 v39, v7;
	v3 =	vadd.s32 v3, v4;
	v6 =	vadd.s32 v50, v6  }
0xb5: {  	v9 =	vadd.s32 v61, v9;
	v8 =	vadd.s32 v27, v8;
	v11 =	vadd.s32 v30, v31  }
0xb6: {  	v42 =	vadd.s32 v40, v7;
	v3 =	vshll.u32 v3, $0x7;
	v6 =	vadd.s32 v51, v6  }
0xb7: {  	v9 =	vadd.s32 v63, v9;
	v7 =	vsel vm13, $0x2, v19;
	v8 =	vadd.s32 v28, v8  }
0xb8: {  	v57 =	vld [tilespmem:$0xB0];
	v11 =	vadd.s32 v32, v11;
	v40 =	vsel vm11, $0x2, v29;
	v4 =	vadd.s32 v41, v42  }
0xb9: {  	v59 =	vld [tilespmem:$0xC0];
	v3 =	vadd.s32 v35, v3;
	v6 =	vadd.s32 v52, v6;
	v18 =	vadd.s32 v16, v9  }
0xba: {  	[tilespmem:$0x480] =	vst v1;
	v34 =	vld [tilespmem:$0xD0];
	v11 =	vadd.s32 v33, v11;
	v35 =	vsel vm7, $0x1, v0;
	v39 =	vadd.s32 v7, v8  }
0xbb: {  	v1 =	vld [tilespmem:$0xE0];
	[tilespmem:$0x490] =	vst v2;
	v4 =	vshll.u32 v4, $0x7;
	v5 =	vadd.s32 v5, v6;
	v11 =	vadd.s32 v35, v11  }
0xbc: {  	v2 =	vld [tilespmem:$0xF0];
	v6 =	vadd.s32 v17, v18;
	[tilespmem:$0x4A0] =	vst v3;
	v3 =	vsel vm10, $0x1, v0;
	v11 =	vadd.s32 v36, v11  }
0xbd: {  	v4 =	vadd.s32 v57, v4;
	v5 =	vshll.u32 v5, $0x7;
	v38 =	vadd.s32 v37, v11  }
0xbe: {  	v6 =	vshll.u32 v6, $0x7;
	v5 =	vadd.s32 v59, v5;
	[tilespmem:$0x4B0] =	vst v4;
	v3 =	vadd.s32 v3, v38  }
0xbf: {  	v41 =	vadd.s32 v34, v6;
	v4 =	vshll.u32 v39, $0x7;
	[tilespmem:$0x4C0] =	vst v5;
	v3 =	vadd.s32 v40, v3  }
0xc0: {  	[tilespmem:$0x4D0] =	vst v41;
	v1 =	vadd.s32 v1, v4;
	v3 =	vshll.u32 v3, $0x7  }
0xc1: {  	[tilespmem:$0x4E0] =	vst v1;
	v1 =	vadd.s32 v2, v3  }
0xc2: {  	[tilespmem:$0x4F0] =	vst v1  }
0xc3: {  	[tilespmem:s17], [sflag:$0x2] =	stream.indirect.gather [hbm4b:s3+s13], $0x10, s16, s13, $0xb8;
	[tilespmem:$0x2600] =	vst v63  }
0xc4: {  	v1 =	vld [tilespmem:$0x300];
	_ =	sdelay $0x2  }
0xc5: {  	v45 =	vld [tilespmem:$0x310];
	_ =	sdelay $0x1  }
0xc6: {  	vm12 =	vge.f32 v1, $1.000000000e+00;
	vm13 =	vge.f32 v1, $2.100000000e+01;
	vm14 =	vge.f32 v1, $3.100000000e+01  }
0xc7: {  	vm15 =	vge.f32 v1, $4.100000000e+01;
	vm4 =	vge.f32 v1, $5.100000000e+01;
	vm5 =	vge.f32 v1, $6.100000000e+01  }
0xc8: {  	vm6 =	vge.f32 v1, $7.100000000e+01;
	vm7 =	vge.f32 v1, $8.100000000e+01;
	vm8 =	vge.f32 v1, $9.100000000e+01  }
0xc9: {  	vm9 =	vge.f32 v1, $1.100000000e+01;
	vm10 =	vge.f32 v45, $1.000000000e+00;
	vm11 =	vge.f32 v45, $2.100000000e+01  }
0xca: {  	v2 =	vsel vm12, $0x1, v0;
	v3 =	vsel vm13, $0x1, v0;
	v42 =	vsel vm14, $0x1, v0  }
0xcb: {  	v56 =	vld [tilespmem:$0x320];
	v43 =	vsel vm15, $0x1, v0;
	v44 =	vsel vm4, $0x1, v0;
	v46 =	vsel vm5, $0x1, v0  }
0xcc: {  	v47 =	vsel vm6, $0x1, v0;
	v48 =	vsel vm7, $0x1, v0;
	v1 =	vsel vm8, $0x1, v0  }
0xcd: {  	vm12 =	vge.f32 v45, $3.100000000e+01;
	v49 =	vsel vm11, $0x1, v0;
	vm13 =	vge.f32 v45, $4.100000000e+01  }
0xce: {  	vm14 =	vge.f32 v45, $5.100000000e+01;
	vm15 =	vge.f32 v45, $6.100000000e+01;
	vm4 =	vge.f32 v45, $7.100000000e+01  }
0xcf: {  	vm5 =	vge.f32 v45, $8.100000000e+01;
	vm6 =	vge.f32 v45, $9.100000000e+01;
	vm7 =	vge.f32 v45, $1.100000000e+01  }
0xd0: {  	vm8 =	vge.f32 v56, $1.000000000e+00;
	vm11 =	vge.f32 v56, $4.100000000e+01;
	v3 =	vadd.s32 v3, v42  }
0xd1: {  	v63 =	vld [tilespmem:$0x330];
	v2 =	vsel vm9, $0x2, v2;
	v50 =	vsel vm12, $0x1, v0;
	v51 =	vsel vm13, $0x1, v0  }
0xd2: {  	v52 =	vsel vm14, $0x1, v0;
	v54 =	vsel vm15, $0x1, v0;
	v55 =	vsel vm4, $0x1, v0  }
0xd3: {  	v57 =	vsel vm5, $0x1, v0;
	v58 =	vsel vm6, $0x1, v0;
	vm9 =	vge.f32 v56, $2.100000000e+01  }
0xd4: {  	v61 =	vsel vm11, $0x1, v0;
	vm12 =	vge.f32 v56, $5.100000000e+01;
	vm13 =	vge.f32 v56, $6.100000000e+01  }
0xd5: {  	vm14 =	vge.f32 v56, $7.100000000e+01;
	vm15 =	vge.f32 v56, $8.100000000e+01;
	vm4 =	vge.f32 v56, $9.100000000e+01  }
0xd6: {  	vm5 =	vge.f32 v56, $1.100000000e+01;
	vm6 =	vge.f32 v63, $1.000000000e+00;
	vm11 =	vge.f32 v63, $6.100000000e+01  }
0xd7: {  	v29 =	vld [tilespmem:$0x340];
	v3 =	vadd.s32 v43, v3;
	v4 =	vadd.s32 v49, v50;
	v59 =	vsel vm9, $0x1, v0  }
0xd8: {  	v62 =	vsel vm12, $0x1, v0;
	v16 =	vsel vm13, $0x1, v0;
	v17 =	vsel vm14, $0x1, v0  }
0xd9: {  	v18 =	vsel vm15, $0x1, v0;
	v19 =	vsel vm4, $0x1, v0;
	v20 =	vsel vm6, $0x1, v0  }
0xda: {  	vm9 =	vge.f32 v63, $4.100000000e+01;
	v27 =	vsel vm11, $0x1, v0;
	vm12 =	vge.f32 v63, $7.100000000e+01  }
0xdb: {  	vm13 =	vge.f32 v63, $8.100000000e+01;
	vm14 =	vge.f32 v63, $9.100000000e+01;
	vm15 =	vge.f32 v63, $1.100000000e+01  }
0xdc: {  	v39 =	vld [tilespmem:$0x350];
	vm4 =	vge.f32 v29, $1.000000000e+00;
	vm6 =	vge.f32 v29, $3.100000000e+01;
	vm11 =	vge.f32 v29, $8.100000000e+01  }
0xdd: {  	v3 =	vadd.s32 v44, v3;
	v4 =	vadd.s32 v51, v4;
	v23 =	vsel vm9, $0x1, v0  }
0xde: {  	v28 =	vsel vm12, $0x1, v0;
	v30 =	vsel vm13, $0x1, v0;
	v31 =	vsel vm14, $0x1, v0  }
0xdf: {  	v32 =	vsel vm15, $0x2, v20;
	v34 =	vsel vm4, $0x1, v0;
	v36 =	vsel vm6, $0x1, v0  }
0xe0: {  	vm9 =	vge.f32 v29, $6.100000000e+01;
	v42 =	vsel vm11, $0x1, v0;
	vm12 =	vge.f32 v29, $9.100000000e+01  }
0xe1: {  	vm13 =	vge.f32 v29, $1.100000000e+01;
	vm14 =	vge.f32 v39, $1.000000000e+00;
	vm15 =	vge.f32 v39, $2.100000000e+01  }
0xe2: {  	vm4 =	vge.f32 v39, $3.100000000e+01;
	vm6 =	vge.f32 v39, $5.100000000e+01;
	vm11 =	vge.f32 v39, $1.100000000e+01  }
0xe3: {  	v3 =	vadd.s32 v46, v3;
	v4 =	vadd.s32 v52, v4;
	v40 =	vsel vm9, $0x1, v0  }
0xe4: {  	v43 =	vsel vm12, $0x1, v0;
	v5 =	vsel vm13, $0x2, v34;
	v44 =	vsel vm14, $0x1, v0  }
0xe5: {  	v45 =	vsel vm15, $0x1, v0;
	v46 =	vsel vm4, $0x1, v0;
	v49 =	vsel vm6, $0x1, v0  }
0xe6: {  	vm9 =	vge.f32 v39, $8.100000000e+01;
	v3 =	vadd.s32 v47, v3;
	v4 =	vadd.s32 v54, v4  }
0xe7: {  	v9 =	vadd.s32 v45, v46;
	v54 =	vsel vm9, $0x1, v0;
	v3 =	vadd.s32 v48, v3  }
0xe8: {  	v4 =	vadd.s32 v55, v4;
	v1 =	vadd.s32 v1, v3;
	v3 =	vsel vm10, $0x1, v0  }
0xe9: {  	v4 =	vadd.s32 v57, v4;
	vm10 =	vge.f32 v56, $3.100000000e+01;
	v56 =	vsel vm11, $0x2, v44  }
0xea: {  	v53 =	vld [tilespmem:$0x100];
	v1 =	vadd.s32 v2, v1;
	v2 =	vsel vm7, $0x2, v3;
	v3 =	vadd.s32 v58, v4  }
0xeb: {  	v60 =	vsel vm10, $0x1, v0;
	vm7 =	vge.f32 v63, $2.100000000e+01;
	vm10 =	vge.f32 v63, $5.100000000e+01  }
0xec: {  	v1 =	vshll.u32 v1, $0x7;
	v2 =	vadd.s32 v2, v3;
	v3 =	vsel vm8, $0x1, v0  }
0xed: {  	v4 =	vadd.s32 v59, v60;
	vm8 =	vge.f32 v63, $3.100000000e+01;
	v21 =	vsel vm7, $0x1, v0  }
0xee: {  	v24 =	vld [tilespmem:$0x110];
	v25 =	vsel vm10, $0x1, v0;
	vm7 =	vge.f32 v29, $4.100000000e+01;
	vm10 =	vge.f32 v29, $7.100000000e+01  }
0xef: {  	v1 =	vadd.s32 v53, v1;
	v2 =	vshll.u32 v2, $0x7;
	v4 =	vadd.s32 v61, v4  }
0xf0: {  	v3 =	vsel vm5, $0x2, v3;
	v22 =	vsel vm8, $0x1, v0;
	vm5 =	vge.f32 v29, $2.100000000e+01  }
0xf1: {  	v37 =	vsel vm7, $0x1, v0;
	vm8 =	vge.f32 v29, $5.100000000e+01;
	v41 =	vsel vm10, $0x1, v0  }
0xf2: {  	vm7 =	vge.f32 v39, $6.100000000e+01;
	vm10 =	vge.f32 v39, $9.100000000e+01;
	v4 =	vadd.s32 v62, v4  }
0xf3: {  	v7 =	vadd.s32 v21, v22;
	v2 =	vadd.s32 v24, v2;
	v35 =	vsel vm5, $0x1, v0  }
0xf4: {  	v38 =	vsel vm8, $0x1, v0;
	vm5 =	vge.f32 v39, $4.100000000e+01;
	v51 =	vsel vm7, $0x1, v0  }
0xf5: {  	v63 =	vld [tilespmem:$0x370];
	vm8 =	vge.f32 v39, $7.100000000e+01;
	v55 =	vsel vm10, $0x1, v0;
	v4 =	vadd.s32 v16, v4  }
0xf6: {  	v7 =	vadd.s32 v23, v7;
	v6 =	vadd.s32 v35, v36;
	v47 =	vsel vm5, $0x1, v0  }
0xf7: {  	v53 =	vld [tilespmem:$0x360];
	v52 =	vsel vm8, $0x1, v0;
	v4 =	vadd.s32 v17, v4;
	v7 =	vadd.s32 v25, v7  }
0xf8: {  	v6 =	vadd.s32 v37, v6;
	v9 =	vadd.s32 v47, v9;
	v4 =	vadd.s32 v18, v4  }
0xf9: {  	v7 =	vadd.s32 v27, v7;
	v6 =	vadd.s32 v38, v6;
	v9 =	vadd.s32 v49, v9  }
0xfa: {  	vm10 =	vge.f32 v63, $1.000000000e+00;
	vm11 =	vge.f32 v63, $2.100000000e+01;
	v4 =	vadd.s32 v19, v4  }
0xfb: {  	v7 =	vadd.s32 v28, v7;
	v6 =	vadd.s32 v40, v6;
	v9 =	vadd.s32 v51, v9  }
0xfc: {  	vm12 =	vge.f32 v53, $1.000000000e+00;
	vm13 =	vge.f32 v53, $2.100000000e+01;
	vm14 =	vge.f32 v53, $3.100000000e+01  }
0xfd: {  	vm15 =	vge.f32 v53, $4.100000000e+01;
	vm4 =	vge.f32 v53, $5.100000000e+01;
	vm5 =	vge.f32 v53, $6.100000000e+01  }
0xfe: {  	vm6 =	vge.f32 v53, $7.100000000e+01;
	vm7 =	vge.f32 v53, $8.100000000e+01;
	vm8 =	vge.f32 v53, $9.100000000e+01  }
0xff: {  	vm9 =	vge.f32 v53, $1.100000000e+01;
	v19 =	vsel vm10, $0x1, v0;
	v20 =	vsel vm11, $0x1, v0  }
0x100: {  	v7 =	vadd.s32 v30, v7;
	v3 =	vadd.s32 v3, v4;
	v6 =	vadd.s32 v41, v6  }
0x101: {  	v9 =	vadd.s32 v52, v9;
	v58 =	vsel vm12, $0x1, v0;
	v59 =	vsel vm13, $0x1, v0  }
0x102: {  	v60 =	vsel vm14, $0x1, v0;
	v61 =	vsel vm15, $0x1, v0;
	v62 =	vsel vm4, $0x1, v0  }
0x103: {  	v15 =	vsel vm5, $0x1, v0;
	v16 =	vsel vm6, $0x1, v0;
	v17 =	vsel vm7, $0x1, v0  }
0x104: {  	v18 =	vsel vm8, $0x1, v0;
	vm12 =	vge.f32 v63, $3.100000000e+01;
	vm13 =	vge.f32 v63, $4.100000000e+01  }
0x105: {  	vm14 =	vge.f32 v63, $5.100000000e+01;
	vm15 =	vge.f32 v63, $6.100000000e+01;
	vm4 =	vge.f32 v63, $7.100000000e+01  }
0x106: {  	v26 =	vld [tilespmem:$0x120];
	vm5 =	vge.f32 v63, $8.100000000e+01;
	vm6 =	vge.f32 v63, $9.100000000e+01;
	vm7 =	vge.f32 v63, $1.100000000e+01  }
0x107: {  	v33 =	vadd.s32 v31, v7;
	v3 =	vshll.u32 v3, $0x7;
	v6 =	vadd.s32 v42, v6  }
0x108: {  	v9 =	vadd.s32 v54, v9;
	v8 =	vadd.s32 v59, v60;
	v7 =	vsel vm9, $0x2, v58  }
0x109: {  	v21 =	vsel vm12, $0x1, v0;
	v22 =	vsel vm13, $0x1, v0;
	v23 =	vsel vm14, $0x1, v0  }
0x10a: {  	v25 =	vsel vm15, $0x1, v0;
	v27 =	vsel vm5, $0x1, v0;
	v30 =	vsel vm7, $0x2, v19  }
0x10b: {  	v48 =	vld [tilespmem:$0x130];
	v4 =	vadd.s32 v32, v33;
	v3 =	vadd.s32 v26, v3;
	v6 =	vadd.s32 v43, v6  }
0x10c: {  	v57 =	vadd.s32 v55, v9;
	v8 =	vadd.s32 v61, v8;
	v11 =	vadd.s32 v20, v21  }
0x10d: {  	v26 =	vsel vm4, $0x1, v0;
	v4 =	vshll.u32 v4, $0x7;
	v5 =	vadd.s32 v5, v6  }
0x10e: {  	v50 =	vld [tilespmem:$0x140];
	v6 =	vadd.s32 v56, v57;
	v8 =	vadd.s32 v62, v8;
	v11 =	vadd.s32 v22, v11  }
0x10f: {  	v24 =	vld [tilespmem:$0x150];
	[tilespmem:$0x520] =	vst v3;
	v3 =	vsel vm6, $0x1, v0;
	v8 =	vadd.s32 v15, v8;
	v11 =	vadd.s32 v23, v11  }
0x110: {  	[tilespmem:$0x500] =	vst v1;
	v1 =	vld [tilespmem:$0x160];
	v4 =	vadd.s32 v48, v4;
	v8 =	vadd.s32 v16, v8;
	v11 =	vadd.s32 v25, v11  }
0x111: {  	[tilespmem:$0x510] =	vst v2;
	v2 =	vld [tilespmem:$0x170];
	v5 =	vshll.u32 v5, $0x7;
	v8 =	vadd.s32 v17, v8;
	v11 =	vadd.s32 v26, v11  }
0x112: {  	v6 =	vshll.u32 v6, $0x7;
	v8 =	vadd.s32 v18, v8;
	v28 =	vadd.s32 v27, v11  }
0x113: {  	v5 =	vadd.s32 v50, v5;
	[tilespmem:$0x530] =	vst v4;
	v29 =	vadd.s32 v7, v8;
	v3 =	vadd.s32 v3, v28  }
0x114: {  	v31 =	vadd.s32 v24, v6;
	[tilespmem:$0x540] =	vst v5;
	v4 =	vshll.u32 v29, $0x7;
	v3 =	vadd.s32 v30, v3  }
0x115: {  	[tilespmem:$0x550] =	vst v31;
	v1 =	vadd.s32 v1, v4;
	v3 =	vshll.u32 v3, $0x7  }
0x116: {  	[tilespmem:$0x560] =	vst v1;
	v1 =	vadd.s32 v2, v3  }
0x117: {  	[tilespmem:$0x570] =	vst v1  }
0x118: {  	[tilespmem:s19], [sflag:$0x2] =	stream.indirect.gather [hbm4b:s3+s13], $0x10, s18, s13, $0xb8;
	[tilespmem:$0x2600] =	vst v63  }
0x119: {  	v1 =	vld [tilespmem:$0x380];
	_ =	sdelay $0x2  }
0x11a: {  	v33 =	vld [tilespmem:$0x390];
	_ =	sdelay $0x1  }
0x11b: {  	vm8 =	vge.f32 v1, $1.000000000e+00;
	vm9 =	vge.f32 v1, $1.100000000e+01;
	vm10 =	vge.f32 v1, $2.100000000e+01  }
0x11c: {  	vm11 =	vge.f32 v1, $3.100000000e+01;
	vm12 =	vge.f32 v1, $4.100000000e+01;
	vm13 =	vge.f32 v1, $5.100000000e+01  }
0x11d: {  	vm14 =	vge.f32 v1, $6.100000000e+01;
	vm15 =	vge.f32 v1, $7.100000000e+01;
	vm4 =	vge.f32 v1, $8.100000000e+01  }
0x11e: {  	vm5 =	vge.f32 v1, $9.100000000e+01;
	vm6 =	vge.f32 v33, $1.000000000e+00;
	vm7 =	vge.f32 v33, $1.100000000e+01  }
0x11f: {  	v42 =	vld [tilespmem:$0x3A0];
	v2 =	vsel vm8, $0x1, v0;
	v3 =	vsel vm10, $0x1, v0;
	v32 =	vsel vm11, $0x1, v0  }
0x120: {  	v34 =	vsel vm12, $0x1, v0;
	v35 =	vsel vm13, $0x1, v0;
	v36 =	vsel vm14, $0x1, v0  }
0x121: {  	v37 =	vsel vm15, $0x1, v0;
	v38 =	vsel vm4, $0x1, v0;
	v39 =	vsel vm6, $0x1, v0  }
0x122: {  	vm8 =	vge.f32 v33, $2.100000000e+01;
	vm10 =	vge.f32 v33, $4.100000000e+01;
	vm11 =	vge.f32 v33, $5.100000000e+01  }
0x123: {  	vm12 =	vge.f32 v33, $6.100000000e+01;
	vm13 =	vge.f32 v33, $7.100000000e+01;
	vm14 =	vge.f32 v33, $8.100000000e+01  }
0x124: {  	vm15 =	vge.f32 v33, $9.100000000e+01;
	vm4 =	vge.f32 v42, $1.000000000e+00;
	vm6 =	vge.f32 v42, $2.100000000e+01  }
0x125: {  	v51 =	vld [tilespmem:$0x3B0];
	v2 =	vsel vm9, $0x2, v2;
	v3 =	vadd.s32 v3, v32;
	v6 =	vsel vm7, $0x2, v39  }
0x126: {  	v41 =	vsel vm8, $0x1, v0;
	vm9 =	vge.f32 v33, $3.100000000e+01;
	v43 =	vsel vm11, $0x1, v0  }
0x127: {  	v44 =	vsel vm12, $0x1, v0;
	v45 =	vsel vm13, $0x1, v0;
	v46 =	vsel vm14, $0x1, v0  }
0x128: {  	v47 =	vsel vm4, $0x1, v0;
	v49 =	vsel vm6, $0x1, v0;
	vm7 =	vge.f32 v42, $3.100000000e+01  }
0x129: {  	vm8 =	vge.f32 v42, $4.100000000e+01;
	vm11 =	vge.f32 v42, $7.100000000e+01;
	vm12 =	vge.f32 v42, $8.100000000e+01  }
0x12a: {  	v62 =	vld [tilespmem:$0x3C0];
	vm13 =	vge.f32 v42, $9.100000000e+01;
	vm14 =	vge.f32 v51, $1.000000000e+00;
	vm4 =	vge.f32 v51, $2.100000000e+01  }
0x12b: {  	vm6 =	vge.f32 v51, $4.100000000e+01;
	v1 =	vadd.s32 v34, v3;
	v3 =	vsel vm5, $0x1, v0  }
0x12c: {  	vm5 =	vge.f32 v42, $1.100000000e+01;
	v50 =	vsel vm8, $0x1, v0;
	v54 =	vsel vm11, $0x1, v0  }
0x12d: {  	v55 =	vsel vm12, $0x1, v0;
	v56 =	vsel vm13, $0x1, v0;
	v57 =	vsel vm14, $0x1, v0  }
0x12e: {  	v59 =	vsel vm4, $0x1, v0;
	v61 =	vsel vm6, $0x1, v0;
	vm8 =	vge.f32 v51, $6.100000000e+01  }
0x12f: {  	v25 =	vld [tilespmem:$0x3D0];
	vm11 =	vge.f32 v51, $9.100000000e+01;
	vm12 =	vge.f32 v62, $1.000000000e+00;
	vm13 =	vge.f32 v62, $1.100000000e+01  }
0x130: {  	vm14 =	vge.f32 v62, $2.100000000e+01;
	vm4 =	vge.f32 v62, $4.100000000e+01;
	vm6 =	vge.f32 v62, $6.100000000e+01  }
0x131: {  	v1 =	vadd.s32 v35, v1;
	v5 =	vsel vm5, $0x2, v47;
	vm5 =	vge.f32 v51, $3.100000000e+01  }
0x132: {  	v16 =	vsel vm8, $0x1, v0;
	v19 =	vsel vm11, $0x1, v0;
	v20 =	vsel vm12, $0x1, v0  }
0x133: {  	v22 =	vsel vm14, $0x1, v0;
	v24 =	vsel vm4, $0x1, v0;
	v27 =	vsel vm6, $0x1, v0  }
0x134: {  	vm8 =	vge.f32 v62, $8.100000000e+01;
	vm11 =	vge.f32 v25, $1.100000000e+01;
	vm12 =	vge.f32 v25, $2.100000000e+01  }
0x135: {  	vm14 =	vge.f32 v25, $4.100000000e+01;
	vm4 =	vge.f32 v25, $6.100000000e+01;
	vm6 =	vge.f32 v25, $8.100000000e+01  }
0x136: {  	v1 =	vadd.s32 v36, v1;
	v60 =	vsel vm5, $0x1, v0;
	v8 =	vsel vm13, $0x2, v20  }
0x137: {  	vm5 =	vge.f32 v62, $5.100000000e+01;
	v29 =	vsel vm8, $0x1, v0;
	v33 =	vsel vm12, $0x1, v0  }
0x138: {  	vm13 =	vge.f32 v25, $3.100000000e+01;
	v35 =	vsel vm14, $0x1, v0;
	v1 =	vadd.s32 v37, v1  }
0x139: {  	v4 =	vadd.s32 v59, v60;
	v26 =	vsel vm5, $0x1, v0;
	v34 =	vsel vm13, $0x1, v0  }
0x13a: {  	vm5 =	vge.f32 v25, $7.100000000e+01;
	v1 =	vadd.s32 v38, v1;
	v4 =	vadd.s32 v61, v4  }
0x13b: {  	v38 =	vsel vm4, $0x1, v0;
	v39 =	vsel vm5, $0x1, v0;
	v1 =	vadd.s32 v3, v1  }
0x13c: {  	v36 =	vld [tilespmem:$0x3E0];
	v3 =	vsel vm9, $0x1, v0;
	vm9 =	vge.f32 v42, $5.100000000e+01;
	v1 =	vadd.s32 v2, v1  }
0x13d: {  	v2 =	vsel vm10, $0x1, v0;
	v3 =	vadd.s32 v41, v3;
	v52 =	vsel vm9, $0x1, v0  }
0x13e: {  	v40 =	vld [tilespmem:$0x180];
	vm10 =	vge.f32 v42, $6.100000000e+01;
	vm9 =	vge.f32 v51, $7.100000000e+01;
	v1 =	vshll.u32 v1, $0x7  }
0x13f: {  	v2 =	vadd.s32 v2, v3;
	v3 =	vsel vm15, $0x1, v0;
	v53 =	vsel vm10, $0x1, v0  }
0x140: {  	vm15 =	vge.f32 v51, $1.100000000e+01;
	v17 =	vsel vm9, $0x1, v0;
	vm10 =	vge.f32 v51, $8.100000000e+01  }
0x141: {  	vm9 =	vge.f32 v62, $9.100000000e+01;
	vm8 =	vge.f32 v36, $1.000000000e+00;
	vm12 =	vge.f32 v36, $4.100000000e+01  }
0x142: {  	vm13 =	vge.f32 v36, $5.100000000e+01;
	vm14 =	vge.f32 v36, $6.100000000e+01;
	vm4 =	vge.f32 v36, $8.100000000e+01  }
0x143: {  	vm5 =	vge.f32 v36, $9.100000000e+01;
	v1 =	vadd.s32 v40, v1;
	v2 =	vadd.s32 v43, v2  }
0x144: {  	v7 =	vsel vm15, $0x2, v57;
	v18 =	vsel vm10, $0x1, v0;
	vm15 =	vge.f32 v62, $3.100000000e+01  }
0x145: {  	v30 =	vsel vm9, $0x1, v0;
	vm10 =	vge.f32 v25, $1.000000000e+00;
	v40 =	vsel vm6, $0x1, v0  }
0x146: {  	v41 =	vsel vm8, $0x1, v0;
	vm9 =	vge.f32 v36, $1.100000000e+01;
	v47 =	vsel vm13, $0x1, v0  }
0x147: {  	v2 =	vadd.s32 v44, v2;
	v23 =	vsel vm15, $0x1, v0;
	v31 =	vsel vm10, $0x1, v0  }
0x148: {  	vm15 =	vge.f32 v25, $5.100000000e+01;
	v42 =	vsel vm9, $0x2, v41;
	vm10 =	vge.f32 v36, $2.100000000e+01  }
0x149: {  	v2 =	vadd.s32 v45, v2;
	v9 =	vsel vm11, $0x2, v31;
	v37 =	vsel vm15, $0x1, v0  }
0x14a: {  	v43 =	vsel vm10, $0x1, v0;
	vm11 =	vge.f32 v36, $3.100000000e+01;
	v45 =	vsel vm12, $0x1, v0  }
0x14b: {  	vm15 =	vge.f32 v36, $7.100000000e+01;
	v2 =	vadd.s32 v46, v2;
	v44 =	vsel vm11, $0x1, v0  }
0x14c: {  	v2 =	vadd.s32 v3, v2;
	v3 =	vsel vm7, $0x1, v0;
	vm7 =	vge.f32 v51, $5.100000000e+01  }
0x14d: {  	v51 =	vsel vm5, $0x1, v0;
	v2 =	vadd.s32 v6, v2;
	v3 =	vadd.s32 v49, v3  }
0x14e: {  	v48 =	vld [tilespmem:$0x190];
	v63 =	vsel vm7, $0x1, v0;
	vm7 =	vge.f32 v62, $7.100000000e+01;
	v3 =	vadd.s32 v50, v3  }
0x14f: {  	v6 =	vadd.s32 v33, v34;
	v49 =	vsel vm15, $0x1, v0;
	v3 =	vadd.s32 v52, v3  }
0x150: {  	v2 =	vshll.u32 v2, $0x7;
	v4 =	vadd.s32 v63, v4;
	v3 =	vadd.s32 v53, v3  }
0x151: {  	v28 =	vsel vm7, $0x1, v0;
	v6 =	vadd.s32 v35, v6;
	v3 =	vadd.s32 v54, v3  }
0x152: {  	v46 =	vld [tilespmem:$0x3F0];
	vm7 =	vge.f32 v25, $9.100000000e+01;
	v50 =	vsel vm4, $0x1, v0;
	v3 =	vadd.s32 v55, v3  }
0x153: {  	v2 =	vadd.s32 v48, v2;
	v4 =	vadd.s32 v16, v4;
	v3 =	vadd.s32 v56, v3  }
0x154: {  	v11 =	vsel vm7, $0x1, v0;
	v3 =	vadd.s32 v5, v3;
	v5 =	vadd.s32 v22, v23  }
0x155: {  	v6 =	vadd.s32 v37, v6;
	v48 =	vsel vm14, $0x1, v0;
	v5 =	vadd.s32 v24, v5  }
0x156: {  	v4 =	vadd.s32 v17, v4;
	v6 =	vadd.s32 v38, v6;
	v5 =	vadd.s32 v26, v5  }
0x157: {  	vm6 =	vge.f32 v46, $1.000000000e+00;
	vm7 =	vge.f32 v46, $2.100000000e+01;
	v5 =	vadd.s32 v27, v5  }
0x158: {  	vm8 =	vge.f32 v46, $3.100000000e+01;
	vm9 =	vge.f32 v46, $4.100000000e+01;
	v5 =	vadd.s32 v28, v5  }
0x159: {  	vm10 =	vge.f32 v46, $5.100000000e+01;
	vm11 =	vge.f32 v46, $6.100000000e+01;
	v5 =	vadd.s32 v29, v5  }
0x15a: {  	vm12 =	vge.f32 v46, $7.100000000e+01;
	vm13 =	vge.f32 v46, $8.100000000e+01;
	v5 =	vadd.s32 v30, v5  }
0x15b: {  	vm14 =	vge.f32 v46, $9.100000000e+01;
	v5 =	vadd.s32 v8, v5;
	v8 =	vadd.s32 v43, v44  }
0x15c: {  	vm15 =	vge.f32 v46, $1.100000000e+01;
	v4 =	vadd.s32 v18, v4;
	v8 =	vadd.s32 v45, v8  }
0x15d: {  	v6 =	vadd.s32 v39, v6;
	v52 =	vsel vm6, $0x1, v0;
	v8 =	vadd.s32 v47, v8  }
0x15e: {  	v53 =	vsel vm7, $0x1, v0;
	v54 =	vsel vm8, $0x1, v0;
	v8 =	vadd.s32 v48, v8  }
0x15f: {  	v58 =	vld [tilespmem:$0x1A0];
	v59 =	vsel vm12, $0x1, v0;
	v60 =	vsel vm13, $0x1, v0;
	v8 =	vadd.s32 v49, v8  }
0x160: {  	v4 =	vadd.s32 v19, v4;
	v6 =	vadd.s32 v40, v6;
	v8 =	vadd.s32 v50, v8  }
0x161: {  	v21 =	vld [tilespmem:$0x1B0];
	v55 =	vsel vm9, $0x1, v0;
	v62 =	vsel vm15, $0x2, v52;
	v8 =	vadd.s32 v51, v8  }
0x162: {  	v4 =	vadd.s32 v7, v4;
	v7 =	vadd.s32 v42, v8;
	v8 =	vadd.s32 v53, v54  }
0x163: {  	v57 =	vld [tilespmem:$0x1D0];
	v56 =	vsel vm10, $0x1, v0;
	v3 =	vshll.u32 v3, $0x7;
	v8 =	vadd.s32 v55, v8  }
0x164: {  	v32 =	vld [tilespmem:$0x1C0];
	v3 =	vadd.s32 v58, v3;
	v58 =	vsel vm11, $0x1, v0;
	v8 =	vadd.s32 v56, v8  }
0x165: {  	[tilespmem:$0x580] =	vst v1;
	v1 =	vld [tilespmem:$0x1E0];
	v6 =	vadd.s32 v11, v6;
	v4 =	vshll.u32 v4, $0x7;
	v8 =	vadd.s32 v58, v8  }
0x166: {  	[tilespmem:$0x590] =	vst v2;
	v2 =	vld [tilespmem:$0x1F0];
	v6 =	vadd.s32 v9, v6;
	v4 =	vadd.s32 v21, v4;
	v8 =	vadd.s32 v59, v8  }
0x167: {  	v61 =	vshll.u32 v6, $0x7;
	[tilespmem:$0x5A0] =	vst v3;
	v3 =	vsel vm14, $0x1, v0;
	v8 =	vadd.s32 v60, v8  }
0x168: {  	[tilespmem:$0x5B0] =	vst v4;
	v4 =	vadd.s32 v57, v61;
	v5 =	vshll.u32 v5, $0x7;
	v3 =	vadd.s32 v3, v8  }
0x169: {  	[tilespmem:$0x5D0] =	vst v4;
	v5 =	vadd.s32 v32, v5;
	v63 =	vshll.u32 v7, $0x7;
	v3 =	vadd.s32 v62, v3  }
0x16a: {  	[tilespmem:$0x5C0] =	vst v5;
	v1 =	vadd.s32 v1, v63;
	v3 =	vshll.u32 v3, $0x7  }
0x16b: {  	[tilespmem:$0x5E0] =	vst v1;
	v1 =	vadd.s32 v2, v3  }
0x16c: {  	[tilespmem:$0x5F0] =	vst v1  }
0x16d: {  	[tilespmem:s21], [sflag:$0x2] =	stream.indirect.gather [hbm4b:s3+s13], $0x10, s20, s13, $0xb8;
	[tilespmem:$0x2600] =	vst v63  }
0x16e: {  	_ =	swait.ge [sflag:s22], $0x800  }
0x16f: {  	[sflag:s22] =	ssyncset.done $0x0  }
0x170: {  	[sflag:s22] =	ssyncadd.s32 $0xFFFFF800  }
0x171: {  	[hbm4b:s5+s2] =	stream.linear.scatter [tilespmem:s15], [sflag:$0x3], $0x800, $0x38;
	[tilespmem:$0x2600] =	vst v63  }
0x172: {  	_ =	swait.ge [sflag:s22], $0x800  }
0x173: {  	[sflag:s22] =	ssyncset.done $0x0  }
0x174: {  	[sflag:s22] =	ssyncadd.s32 $0xFFFFF800  }
0x175: {  	[hbm4b:s7+s2] =	stream.linear.scatter [tilespmem:s17], [sflag:$0x3], $0x800, $0x38;
	[tilespmem:$0x2600] =	vst v63  }
0x176: {  	_ =	swait.ge [sflag:s22], $0x800  }
0x177: {  	[sflag:s22] =	ssyncset.done $0x0  }
0x178: {  	[sflag:s22] =	ssyncadd.s32 $0xFFFFF800  }
0x179: {  	[hbm4b:s8+s2] =	stream.linear.scatter [tilespmem:s19], [sflag:$0x3], $0x800, $0x38;
	[tilespmem:$0x2600] =	vst v63  }
0x17a: {  	_ =	swait.ge [sflag:s22], $0x800  }
0x17b: {  	[sflag:s22] =	ssyncset.done $0x0  }
0x17c: {  	[sflag:s22] =	ssyncadd.s32 $0xFFFFF800  }
0x17d: {  	[hbm4b:s9+s2] =	stream.linear.scatter [tilespmem:s21], [sflag:$0x3], $0x800, $0x38;
	[tilespmem:$0x2600] =	vst v63  }
0x17e: {  	_ =	swait.ge [sflag:s23], $0x800  }
0x17f: {  	[sflag:s23] =	ssyncset.done $0x0  }
0x180: {  	[sflag:s23] =	ssyncadd.s32 $0xFFFFF800  }
0x181: {  	_ =	swait.ge [sflag:s23], $0x800  }
0x182: {  	[sflag:s23] =	ssyncset.done $0x0  }
0x183: {  	[sflag:s23] =	ssyncadd.s32 $0xFFFFF800  }
0x184: {  	p0 =	sne.s32 s10, $0x1;
	_ =	swait.ge [sflag:s23], $0x800  }
.Ltmp0:
0x185: {  	[sflag:s23] =	ssyncset.done $0x0;
	(pc) =	sbr.rel @p0 .LBB2_1-.Ltmp0, $4  }
0x186: {  	[sflag:s23] =	ssyncadd.s32 $0xFFFFF800  }
0x187: {  	_ =	swait.ge [sflag:s23], $0x800  }
0x188: {  	[sflag:s23] =	ssyncset.done $0x0  }
0x189: {  	s10 =	sadd.s32 $0xFFFFFFFF, s10;
	[sflag:s23] =	ssyncadd.s32 $0xFFFFF800  }
0x18a: {  	_ =	sfence.sel $0x180000  }
0x18b: {  	[bflag:$0x0] =	sbarrier.arrive $0xFFFF  }
0x18c: {  	p0 =	sne.s32 s1, $0x0;
	_ =	strace $0x90000047  }
0x18d: {  	s0 =	sadd.s32 @!p0 $0x100000, s0;
	[bflag:$0x2] =	sbarrier.arrive $0xFFFF  }
0x18e: {  	[sflag:s0] =	ssyncadd.tile.s32 @!p0 $0x1;
	_ =	shalt  }
.Lfunc_end2:
_tile_overlayer_lowered:
.L_overlay_start_2:
0x18f: {  	(tag) =	ssettag $0x2  }
0x190: {  	s0 =	rddreg [dreg:$0x0];
	s2 =	stileid.u32  }
0x191: {  	s1 =	rddreg [dreg:$0x1];
	p0 =	sne.s32 s2, $0x0  }
0x192: {  	s3 =	rddreg [dreg:$0x2];
	[bflag:$0x3] =	sbarrier.arrive $0xFFFF;
	s2 =	simm.s32 @!p0 $0x1C04  }
0x193: {  	[timem:s3], [sflag:s2] =	dma.local @!p0 [hbm:s0], s1  }
0x194: {  	s0 =	simm.s32 @!p0 $0x4  }
0x195: {  	_ =	swait.ge @!p0 [sflag:s0], s1  }
0x196: {  	s1 =	ssub.s32 @!p0 $0x0, s1;
	[sflag:s0] =	ssyncset.done @!p0 $0x0  }
0x197: {  	[sflag:s0] =	ssyncadd.s32 @!p0 s1  }
0x198: {  	[bflag:$0x3] =	sbarrier.arrive $0xFFFF  }
0x199: {  	_ =	shalt  }

</sc_bundles>
